<compile_context>
chip_gen: v7x
topology: tpu7x:2x2x1
jax: 0.10.2.dev20260603
libtpu: 0.0.44.dev20260713+nightly
codegen_flags: <defaults>
</compile_context>

<pallas_src>
import functools

import jax
import jax.numpy as jnp
from jax import lax
from jax.experimental import pallas as pl
from jax.experimental.pallas import tpu as pltpu
from jax.experimental.pallas import tpu_sc as plsc

N = 10000
E = 320000
D = 128
N_COMM = 64

NC = 2
NS = 16
NW = NC * NS
L = 16
EPT = E // NW
CHUNK = 80
NCHUNK = EPT // CHUNK
N_PAD = 10240
PAD0 = 120
HALF = N_PAD // 2
HRPT = HALF // NS
RPT = N_PAD // NS
ZCH = 160

_mesh = plsc.VectorSubcoreMesh(core_axis_name="c", subcore_axis_name="s")


@functools.partial(
    pl.kernel,
    mesh=_mesh,
    out_type=jax.ShapeDtypeStruct((NW, N), jnp.float32),
    compiler_params=pltpu.CompilerParams(needs_layout_passes=False),
    scratch_types=[
        pltpu.VMEM((EPT,), jnp.int32),
        pltpu.VMEM((N,), jnp.float32),
    ],
)
def _sc_degree(dst_hbm, out_hbm, idx_v, hist):
    c = lax.axis_index("c")
    s = lax.axis_index("s")
    wid = c * NS + s

    def _fill(i, _):
        hist[pl.ds(i * L, L)] = jnp.zeros((L,), jnp.float32)
        return 0

    lax.fori_loop(0, N // L, _fill, 0)
    pltpu.sync_copy(dst_hbm.at[pl.ds(wid * EPT, EPT)], idx_v)
    ones = jnp.ones((L,), jnp.float32)

    def _step(j, _):
        d = idx_v[pl.ds(j * L, L)]
        plsc.addupdate_scatter(hist, [d], ones)
        return 0

    lax.fori_loop(0, EPT // L, _step, 0)
    pltpu.sync_copy(hist, out_hbm.at[wid])


@functools.partial(
    pl.kernel,
    mesh=_mesh,
    out_type=jax.ShapeDtypeStruct((NC, N_PAD, D), jnp.float32),
    scratch_types=[
        pltpu.VMEM((NCHUNK, CHUNK), jnp.int32),
        pltpu.VMEM((NCHUNK, CHUNK), jnp.int32),
        pltpu.VMEM((NCHUNK, CHUNK), jnp.int32),
        pltpu.VMEM((CHUNK, D), jnp.float32),
        pltpu.VMEM((CHUNK, D), jnp.float32),
        pltpu.VMEM((ZCH, D), jnp.float32),
        pltpu.VMEM_SHARED((HALF, D), jnp.float32),
        pltpu.SemaphoreType.DMA,
        pltpu.SemaphoreType.DMA,
    ],
)
def _sc_scatter(g_hbm, src_hbm, dst_hbm, out_hbm,
                src_v, dst_v, loc_v, rows_a, rows_b, zero_v, acc, sem_a,
                sem_b):
    c = lax.axis_index("c")
    s = lax.axis_index("s")
    wid = c * NS + s

    def _fill(i, _):
        for k in range(D // L):
            zero_v[i, pl.ds(k * L, L)] = jnp.zeros((L,), jnp.float32)
        return 0

    lax.fori_loop(0, ZCH, _fill, 0)
    pltpu.sync_copy(src_hbm.at[wid], src_v)
    pltpu.sync_copy(dst_hbm.at[wid], dst_v)

    for p in range(2):
        base = p * HALF

        trash = (HALF - 1) * p

        def _localize(j, _):
            for q in range(CHUNK // L):
                r = dst_v[j, pl.ds(q * L, L)] + (PAD0 - base)
                ok = (r >= 0) & (r < HALF)
                loc_v[j, pl.ds(q * L, L)] = jnp.where(ok, r, trash)
            return 0

        lax.fori_loop(0, NCHUNK, _localize, 0)

        for t in range(HRPT // ZCH):
            pltpu.sync_copy(zero_v, acc.at[pl.ds(s * HRPT + t * ZCH, ZCH)])
        plsc.subcore_barrier()

        pltpu.async_copy(g_hbm.at[src_v.at[0]], rows_a, sem_a)

        def _step(i, _):
            j = 2 * i
            pltpu.make_async_copy(g_hbm.at[src_v.at[j]], rows_a, sem_a).wait()
            pltpu.async_copy(g_hbm.at[src_v.at[j + 1]], rows_b, sem_b)
            pltpu.sync_copy(rows_a, acc.at[loc_v.at[j]], add=True)
            pltpu.make_async_copy(
                g_hbm.at[src_v.at[j + 1]], rows_b, sem_b).wait()
            pltpu.async_copy(g_hbm.at[src_v.at[j + 2]], rows_a, sem_a)
            pltpu.sync_copy(rows_b, acc.at[loc_v.at[j + 1]], add=True)
            return 0

        lax.fori_loop(0, (NCHUNK - 1) // 2, _step, 0)
        pltpu.make_async_copy(
            g_hbm.at[src_v.at[NCHUNK - 1]], rows_a, sem_a).wait()
        pltpu.sync_copy(rows_a, acc.at[loc_v.at[NCHUNK - 1]], add=True)
        plsc.subcore_barrier()
        pltpu.sync_copy(acc.at[pl.ds(s * HRPT, HRPT)],
                        out_hbm.at[c, pl.ds(base + s * HRPT, HRPT)])
        plsc.subcore_barrier()


ROWS = 1000


def _dinv(deg_ref):
    deg = jnp.sum(deg_ref[...], axis=1) + 1.0
    return lax.rsqrt(deg)


def _tc_in(x_ref, w_ref, deg_ref, o_ref):
    di = _dinv(deg_ref)
    o_ref[...] = jnp.dot(x_ref[...], w_ref[...],
                         preferred_element_type=jnp.float32) * di[:, None]


def _tc_mid(s0_ref, s1_ref, g_ref, deg_ref, w_ref, b_ref, o_ref):
    di = _dinv(deg_ref)
    h = (s0_ref[0] + s1_ref[0] + g_ref[...]) * di[:, None] + b_ref[...]
    h = jnp.maximum(h, 0.0)
    o_ref[...] = jnp.dot(h, w_ref[...],
                         preferred_element_type=jnp.float32) * di[:, None]


def _tc_out(s0_ref, s1_ref, g_ref, deg_ref, w_ref, b_ref, bfc_ref, o_ref):
    di = _dinv(deg_ref)
    h = (s0_ref[0] + s1_ref[0] + g_ref[...]) * di[:, None] + b_ref[...]
    h = jnp.maximum(h, 0.0)
    z = jnp.dot(h, w_ref[...], preferred_element_type=jnp.float32) + bfc_ref[...]
    o_ref[...] = jax.nn.sigmoid(z)


def _row_spec(cols):
    return pl.BlockSpec((ROWS, cols), lambda i: (i, 0))


def _full(shape):
    return pl.BlockSpec(shape, lambda i: (0,) * len(shape))


_deg_spec = pl.BlockSpec((ROWS, NW), lambda i: (i, 0))


def _s_spec(which):
    return pl.BlockSpec((1, ROWS, D), lambda i, w=which: (w, i, 0))


def kernel(x, edge_index, W1, b1, W2, b2, Wfc, bfc):
    src = edge_index[0].astype(jnp.int32).reshape(NW, NCHUNK, CHUNK)
    dst = edge_index[1].astype(jnp.int32).reshape(NW, NCHUNK, CHUNK)

    degtab = _sc_degree(edge_index[1].astype(jnp.int32))
    deg = degtab.T

    g1 = pl.pallas_call(
        _tc_in,
        grid=(N // ROWS,),
        in_specs=[_row_spec(D), _full((D, D)), _deg_spec],
        out_specs=_row_spec(D),
        out_shape=jax.ShapeDtypeStruct((N, D), jnp.float32),
    )(x, W1, deg)

    S1 = _sc_scatter(g1, src, dst)[:, PAD0:PAD0 + N, :]

    g2 = pl.pallas_call(
        _tc_mid,
        grid=(N // ROWS,),
        in_specs=[_s_spec(0), _s_spec(1), _row_spec(D), _deg_spec,
                  _full((D, D)), _full((1, D))],
        out_specs=_row_spec(D),
        out_shape=jax.ShapeDtypeStruct((N, D), jnp.float32),
    )(S1, S1, g1, deg, W2, b1.reshape(1, D))

    S2 = _sc_scatter(g2, src, dst)[:, PAD0:PAD0 + N, :]

    out = pl.pallas_call(
        _tc_out,
        grid=(N // ROWS,),
        in_specs=[_s_spec(0), _s_spec(1), _row_spec(D), _deg_spec,
                  _full((D, N_COMM)), _full((1, D)), _full((1, N_COMM))],
        out_specs=_row_spec(N_COMM),
        out_shape=jax.ShapeDtypeStruct((N, N_COMM), jnp.float32),
    )(S2, S2, g2, deg, Wfc, b2.reshape(1, D), bfc.reshape(1, N_COMM))

    return out

# --- scband reference (transcript-rebuilt; emitter-appended) ---
"""Pipeline reference for scband-gnn-overlapping-44220983280305 (READ-ONLY COPY).

The authoritative reference and input builder live on the scoring server;
editing this copy changes nothing except your own understanding.
"""

import jax, jax.numpy as jnp
import numpy as np

N = 10000
E = 320000
D_IN = 128
D_HID = 128
N_COMM = 64


def setup_inputs(seed: int = 0) -> dict:
    key = jax.random.key(seed)
    ks = jax.random.split(key, 8)
    x = jax.random.normal(ks[0], (N, D_IN), dtype=jnp.float32)
    edge_index = jax.random.randint(ks[1], (2, E), 0, N).astype(jnp.int64)
    W1 = jax.random.normal(ks[2], (D_IN, D_HID), dtype=jnp.float32) * 0.05
    b1 = jnp.zeros((D_HID,), dtype=jnp.float32)
    W2 = jax.random.normal(ks[3], (D_HID, D_HID), dtype=jnp.float32) * 0.05
    b2 = jnp.zeros((D_HID,), dtype=jnp.float32)
    Wfc = jax.random.normal(ks[4], (D_HID, N_COMM), dtype=jnp.float32) * 0.05
    bfc = jnp.zeros((N_COMM,), dtype=jnp.float32)
    return {"x": x, "edge_index": edge_index, "W1": W1, "b1": b1, "W2": W2, "b2": b2, "Wfc": Wfc, "bfc": bfc}


def _gcn_conv(x, edge_index, W, b):
    # Faithful PyG GCNConv: add self-loops, symmetric deg normalization,
    # linear transform, scatter-add aggregation by dst, add bias.
    n = x.shape[0]
    loop = jnp.arange(n, dtype=edge_index.dtype)
    src = jnp.concatenate([edge_index[0], loop])
    dst = jnp.concatenate([edge_index[1], loop])
    deg = jnp.zeros((n,), dtype=x.dtype).at[dst].add(1.0)
    dinv = jnp.where(deg > 0, jax.lax.rsqrt(deg), 0.0)
    norm = dinv[src] * dinv[dst]
    h = x @ W
    msg = h[src] * norm[:, None]
    out = jnp.zeros((n, h.shape[1]), dtype=h.dtype).at[dst].add(msg)
    return out + b


def reference(x, edge_index, W1, b1, W2, b2, Wfc, bfc):
    # eval mode: dropout is identity
    h = _gcn_conv(x, edge_index, W1, b1)
    h = jax.nn.relu(h)
    h = _gcn_conv(h, edge_index, W2, b2)
    h = jax.nn.relu(h)
    out = h @ Wfc + bfc
    return jax.nn.sigmoid(out)

if __name__ == "__main__":
    import jax
    _d = setup_inputs()
    print(jax.jit(kernel)(*tuple(_d.values())))

</pallas_src>

<mosaic_0001>
#map = affine_map<(d0, d1) -> (0)>
#map1 = affine_map<(d0, d1) -> (0, 0)>
module attributes {stable_mosaic.version = 14 : i64} {
  func.func @_sc_degree(%arg0: i32, %arg1: i32, %arg2: memref<320000xi32, #tpu.memory_space<hbm>>, %arg3: memref<32x10000xf32, #tpu.memory_space<hbm>>, %arg4: memref<10000xi32, #tpu.memory_space<vmem>>, %arg5: memref<10000xf32, #tpu.memory_space<vmem>>) attributes {dimension_semantics = [#tpu.dimension_semantics<core_parallel>, #tpu.dimension_semantics<subcore_parallel>], iteration_bounds = array<i64: 2, 16>, scalar_prefetch = 0 : i64, scratch_operands = 2 : i64, tpu.core_type = #tpu.core_type<sc_vector_subcore>, window_params = [{transform_indices = #map}, {transform_indices = #map1}]} {
    %mul3A = arith.constant 16 : i32
    %mul3A_0 = arith.muli %arg0, %mul3A : i32
    %add3A = arith.addi %mul3A_0, %arg1 : i32
    %scan3A = arith.constant 0 : i32
    %scan3A_1 = arith.constant 0 : i32
    %scan3A_2 = arith.constant 625 : i32
    %scan3A_3 = arith.addi %scan3A_1, %scan3A_2 : i32
    %scan3A_4 = arith.constant 1 : i32
    %scan3A_5 = scf.for %scan3A_17 = %scan3A_1 to %scan3A_3 step %scan3A_4 iter_args(%scan3A_18 = %scan3A) -> (i32)  : i32 {
      %broadcast_in_dim3A_19 = arith.constant 0.000000e+00 : f32
      %broadcast_in_dim3A_20 = vector.broadcast %broadcast_in_dim3A_19 : f32 to vector<16xf32>
      %mul3A_21 = arith.constant 16 : i32
      %mul3A_22 = arith.muli %scan3A_17, %mul3A_21 : i32
      %swap3A = arith.index_cast %mul3A_22 : i32 to index
      %swap3A_23 = tpu.vector_load %arg5[%swap3A] {strides = array<i32>} : memref<10000xf32, #tpu.memory_space<vmem>>, vector<16xf32>,
      tpu.vector_store %arg5[%swap3A], %broadcast_in_dim3A_20 {strides = array<i32>} : memref<10000xf32, #tpu.memory_space<vmem>>, vector<16xf32>,
      %scan3A_24 = arith.constant 0 : i32
      scf.yield %scan3A_24 : i32
    }
    %scan3A_6 = arith.constant 625 : i32
    %mul3A_7 = arith.constant 10000 : i32
    %mul3A_8 = arith.muli %add3A, %mul3A_7 : i32
    "tpu.region"() ({
      %run_scoped3A = tpu.sem_alloc : memref<!tpu.dma_semaphore, #tpu.memory_space<semaphore_mem>>
      %dma_start3A = tpu.memref_slice %arg2[%mul3A_8] : memref<320000xi32, #tpu.memory_space<hbm>> -> memref<10000xi32, #tpu.memory_space<hbm>>
      %dma_start3A_17 = tpu.memref_slice %arg2[%mul3A_8] : memref<320000xi32, #tpu.memory_space<hbm>> -> memref<10000xi32, #tpu.memory_space<hbm>>
      tpu.enqueue_dma source(%dma_start3A_17 : memref<10000xi32, #tpu.memory_space<hbm>>) target(%arg4 : memref<10000xi32, #tpu.memory_space<vmem>>) target_semaphore(%run_scoped3A : memref<!tpu.dma_semaphore, #tpu.memory_space<semaphore_mem>>)
      %dma_wait3A = tpu.memref_slice %arg2[%mul3A_8] : memref<320000xi32, #tpu.memory_space<hbm>> -> memref<10000xi32, #tpu.memory_space<hbm>>
      %dma_wait3A_18 = tpu.memref_slice %arg2[%mul3A_8] : memref<320000xi32, #tpu.memory_space<hbm>> -> memref<10000xi32, #tpu.memory_space<hbm>>
      tpu.wait_dma2 semaphore(%run_scoped3A : memref<!tpu.dma_semaphore, #tpu.memory_space<semaphore_mem>>) src(%dma_wait3A_18 : memref<10000xi32, #tpu.memory_space<hbm>>) dst(%arg4 : memref<10000xi32, #tpu.memory_space<vmem>>)
      tpu.yield
    }) : () -> ()
    %broadcast_in_dim3A = arith.constant 1.000000e+00 : f32
    %broadcast_in_dim3A_9 = vector.broadcast %broadcast_in_dim3A : f32 to vector<16xf32>
    %scan3A_10 = arith.constant 0 : i32
    %scan3A_11 = arith.constant 0 : i32
    %scan3A_12 = arith.constant 625 : i32
    %scan3A_13 = arith.addi %scan3A_11, %scan3A_12 : i32
    %scan3A_14 = arith.constant 1 : i32
    %scan3A_15 = scf.for %scan3A_17 = %scan3A_11 to %scan3A_13 step %scan3A_14 iter_args(%scan3A_18 = %scan3A_10) -> (i32)  : i32 {
      %mul3A_19 = arith.constant 16 : i32
      %mul3A_20 = arith.muli %scan3A_17, %mul3A_19 : i32
      %get3A = arith.index_cast %mul3A_20 : i32 to index
      %get3A_21 = tpu.vector_load %arg4[%get3A] {strides = array<i32>} : memref<10000xi32, #tpu.memory_space<vmem>>, vector<16xi32>,
      tpu.vector_store_idx %arg5[%get3A_21], %broadcast_in_dim3A_9 {add = true} : memref<10000xf32, #tpu.memory_space<vmem>>[vector<16xi32>], vector<16xf32>,
      %scan3A_22 = arith.constant 0 : i32
      scf.yield %scan3A_22 : i32
    }
    %scan3A_16 = arith.constant 625 : i32
    "tpu.region"() ({
      %run_scoped3A = tpu.sem_alloc : memref<!tpu.dma_semaphore, #tpu.memory_space<semaphore_mem>>
      %dma_start3A = arith.constant 0 : i32
      %dma_start3A_17 = tpu.memref_slice %arg3[%add3A, %dma_start3A] : memref<32x10000xf32, #tpu.memory_space<hbm>> -> memref<1x10000xf32, #tpu.memory_space<hbm>>
      %dma_start3A_18 = tpu.memref_squeeze %dma_start3A_17 : memref<1x10000xf32, #tpu.memory_space<hbm>> -> memref<10000xf32, #tpu.memory_space<hbm>>
      %dma_start3A_19 = arith.constant 0 : i32
      %dma_start3A_20 = tpu.memref_slice %arg3[%add3A, %dma_start3A_19] : memref<32x10000xf32, #tpu.memory_space<hbm>> -> memref<1x10000xf32, #tpu.memory_space<hbm>>
      %dma_start3A_21 = tpu.memref_squeeze %dma_start3A_20 : memref<1x10000xf32, #tpu.memory_space<hbm>> -> memref<10000xf32, #tpu.memory_space<hbm>>
      tpu.enqueue_dma source(%arg5 : memref<10000xf32, #tpu.memory_space<vmem>>) target(%dma_start3A_21 : memref<10000xf32, #tpu.memory_space<hbm>>) target_semaphore(%run_scoped3A : memref<!tpu.dma_semaphore, #tpu.memory_space<semaphore_mem>>)
      %dma_wait3A = arith.constant 0 : i32
      %dma_wait3A_22 = tpu.memref_slice %arg3[%add3A, %dma_wait3A] : memref<32x10000xf32, #tpu.memory_space<hbm>> -> memref<1x10000xf32, #tpu.memory_space<hbm>>
      %dma_wait3A_23 = tpu.memref_squeeze %dma_wait3A_22 : memref<1x10000xf32, #tpu.memory_space<hbm>> -> memref<10000xf32, #tpu.memory_space<hbm>>
      %dma_wait3A_24 = arith.constant 0 : i32
      %dma_wait3A_25 = tpu.memref_slice %arg3[%add3A, %dma_wait3A_24] : memref<32x10000xf32, #tpu.memory_space<hbm>> -> memref<1x10000xf32, #tpu.memory_space<hbm>>
      %dma_wait3A_26 = tpu.memref_squeeze %dma_wait3A_25 : memref<1x10000xf32, #tpu.memory_space<hbm>> -> memref<10000xf32, #tpu.memory_space<hbm>>
      tpu.wait_dma2 semaphore(%run_scoped3A : memref<!tpu.dma_semaphore, #tpu.memory_space<semaphore_mem>>) src(%arg5 : memref<10000xf32, #tpu.memory_space<vmem>>) dst(%dma_wait3A_26 : memref<10000xf32, #tpu.memory_space<hbm>>)
      tpu.yield
    }) : () -> ()
    return
  }
}

#map = affine_map<(d0, d1) -> (0, 0)>
#map1 = affine_map<(d0, d1) -> (0, 0, 0)>
module attributes {stable_mosaic.version = 14 : i64} {
  func.func @_sc_scatter(%arg0: i32, %arg1: i32, %arg2: memref<10000x128xf32, #tpu.memory_space<hbm>>, %arg3: memref<32x125x80xi32, #tpu.memory_space<hbm>>, %arg4: memref<32x125x80xi32, #tpu.memory_space<hbm>>, %arg5: memref<2x10240x128xf32, #tpu.memory_space<hbm>>, %arg6: memref<125x80xi32, #tpu.memory_space<vmem>>, %arg7: memref<125x80xi32, #tpu.memory_space<vmem>>, %arg8: memref<125x80xi32, #tpu.memory_space<vmem>>, %arg9: memref<80x128xf32, #tpu.memory_space<vmem>>, %arg10: memref<80x128xf32, #tpu.memory_space<vmem>>, %arg11: memref<160x128xf32, #tpu.memory_space<vmem>>, %arg12: memref<5120x128xf32, #tpu.memory_space<vmem_shared>>, %arg13: memref<!tpu.dma_semaphore, #tpu.memory_space<semaphore_mem>>, %arg14: memref<!tpu.dma_semaphore, #tpu.memory_space<semaphore_mem>>) attributes {dimension_semantics = [#tpu.dimension_semantics<core_parallel>, #tpu.dimension_semantics<subcore_parallel>], iteration_bounds = array<i64: 2, 16>, scalar_prefetch = 0 : i64, scratch_operands = 9 : i64, tpu.core_type = #tpu.core_type<sc_vector_subcore>, window_params = [{transform_indices = #map}, {transform_indices = #map1}, {transform_indices = #map1}, {transform_indices = #map1}]} {
    %mul3A = arith.constant 16 : i32
    %mul3A_0 = arith.muli %arg0, %mul3A : i32
    %add3A = arith.addi %mul3A_0, %arg1 : i32
    %scan3A = arith.constant 0 : i32
    %scan3A_1 = arith.constant 0 : i32
    %scan3A_2 = arith.constant 160 : i32
    %scan3A_3 = arith.addi %scan3A_1, %scan3A_2 : i32
    %scan3A_4 = arith.constant 1 : i32
    %scan3A_5 = scf.for %scan3A_95 = %scan3A_1 to %scan3A_3 step %scan3A_4 iter_args(%scan3A_96 = %scan3A) -> (i32)  : i32 {
      %broadcast_in_dim3A = arith.constant 0.000000e+00 : f32
      %broadcast_in_dim3A_97 = vector.broadcast %broadcast_in_dim3A : f32 to vector<16xf32>
      %swap3A = arith.index_cast %scan3A_95 : i32 to index
      %swap3A_98 = arith.constant 0 : index
      %swap3A_99 = tpu.vector_load %arg11[%swap3A, %swap3A_98] {strides = array<i32>} : memref<160x128xf32, #tpu.memory_space<vmem>>, vector<1x16xf32>,
      %swap3A_100 = vector.shape_cast %swap3A_99 : vector<1x16xf32> to vector<16xf32>
      %swap3A_101 = vector.shape_cast %broadcast_in_dim3A_97 : vector<16xf32> to vector<1x16xf32>
      tpu.vector_store %arg11[%swap3A, %swap3A_98], %swap3A_101 {strides = array<i32>} : memref<160x128xf32, #tpu.memory_space<vmem>>, vector<1x16xf32>,
      %broadcast_in_dim3A_102 = arith.constant 0.000000e+00 : f32
      %broadcast_in_dim3A_103 = vector.broadcast %broadcast_in_dim3A_102 : f32 to vector<16xf32>
      %swap3A_104 = arith.index_cast %scan3A_95 : i32 to index
      %swap3A_105 = arith.constant 16 : index
      %swap3A_106 = tpu.vector_load %arg11[%swap3A_104, %swap3A_105] {strides = array<i32>} : memref<160x128xf32, #tpu.memory_space<vmem>>, vector<1x16xf32>,
      %swap3A_107 = vector.shape_cast %swap3A_106 : vector<1x16xf32> to vector<16xf32>
      %swap3A_108 = vector.shape_cast %broadcast_in_dim3A_103 : vector<16xf32> to vector<1x16xf32>
      tpu.vector_store %arg11[%swap3A_104, %swap3A_105], %swap3A_108 {strides = array<i32>} : memref<160x128xf32, #tpu.memory_space<vmem>>, vector<1x16xf32>,
      %broadcast_in_dim3A_109 = arith.constant 0.000000e+00 : f32
      %broadcast_in_dim3A_110 = vector.broadcast %broadcast_in_dim3A_109 : f32 to vector<16xf32>
      %swap3A_111 = arith.index_cast %scan3A_95 : i32 to index
      %swap3A_112 = arith.constant 32 : index
      %swap3A_113 = tpu.vector_load %arg11[%swap3A_111, %swap3A_112] {strides = array<i32>} : memref<160x128xf32, #tpu.memory_space<vmem>>, vector<1x16xf32>,
      %swap3A_114 = vector.shape_cast %swap3A_113 : vector<1x16xf32> to vector<16xf32>
      %swap3A_115 = vector.shape_cast %broadcast_in_dim3A_110 : vector<16xf32> to vector<1x16xf32>
      tpu.vector_store %arg11[%swap3A_111, %swap3A_112], %swap3A_115 {strides = array<i32>} : memref<160x128xf32, #tpu.memory_space<vmem>>, vector<1x16xf32>,
      %broadcast_in_dim3A_116 = arith.constant 0.000000e+00 : f32
      %broadcast_in_dim3A_117 = vector.broadcast %broadcast_in_dim3A_116 : f32 to vector<16xf32>
      %swap3A_118 = arith.index_cast %scan3A_95 : i32 to index
      %swap3A_119 = arith.constant 48 : index
      %swap3A_120 = tpu.vector_load %arg11[%swap3A_118, %swap3A_119] {strides = array<i32>} : memref<160x128xf32, #tpu.memory_space<vmem>>, vector<1x16xf32>,
      %swap3A_121 = vector.shape_cast %swap3A_120 : vector<1x16xf32> to vector<16xf32>
      %swap3A_122 = vector.shape_cast %broadcast_in_dim3A_117 : vector<16xf32> to vector<1x16xf32>
      tpu.vector_store %arg11[%swap3A_118, %swap3A_119], %swap3A_122 {strides = array<i32>} : memref<160x128xf32, #tpu.memory_space<vmem>>, vector<1x16xf32>,
      %broadcast_in_dim3A_123 = arith.constant 0.000000e+00 : f32
      %broadcast_in_dim3A_124 = vector.broadcast %broadcast_in_dim3A_123 : f32 to vector<16xf32>
      %swap3A_125 = arith.index_cast %scan3A_95 : i32 to index
      %swap3A_126 = arith.constant 64 : index
      %swap3A_127 = tpu.vector_load %arg11[%swap3A_125, %swap3A_126] {strides = array<i32>} : memref<160x128xf32, #tpu.memory_space<vmem>>, vector<1x16xf32>,
      %swap3A_128 = vector.shape_cast %swap3A_127 : vector<1x16xf32> to vector<16xf32>
      %swap3A_129 = vector.shape_cast %broadcast_in_dim3A_124 : vector<16xf32> to vector<1x16xf32>
      tpu.vector_store %arg11[%swap3A_125, %swap3A_126], %swap3A_129 {strides = array<i32>} : memref<160x128xf32, #tpu.memory_space<vmem>>, vector<1x16xf32>,
      %broadcast_in_dim3A_130 = arith.constant 0.000000e+00 : f32
      %broadcast_in_dim3A_131 = vector.broadcast %broadcast_in_dim3A_130 : f32 to vector<16xf32>
      %swap3A_132 = arith.index_cast %scan3A_95 : i32 to index
      %swap3A_133 = arith.constant 80 : index
      %swap3A_134 = tpu.vector_load %arg11[%swap3A_132, %swap3A_133] {strides = array<i32>} : memref<160x128xf32, #tpu.memory_space<vmem>>, vector<1x16xf32>,
      %swap3A_135 = vector.shape_cast %swap3A_134 : vector<1x16xf32> to vector<16xf32>
      %swap3A_136 = vector.shape_cast %broadcast_in_dim3A_131 : vector<16xf32> to vector<1x16xf32>
      tpu.vector_store %arg11[%swap3A_132, %swap3A_133], %swap3A_136 {strides = array<i32>} : memref<160x128xf32, #tpu.memory_space<vmem>>, vector<1x16xf32>,
      %broadcast_in_dim3A_137 = arith.constant 0.000000e+00 : f32
      %broadcast_in_dim3A_138 = vector.broadcast %broadcast_in_dim3A_137 : f32 to vector<16xf32>
      %swap3A_139 = arith.index_cast %scan3A_95 : i32 to index
      %swap3A_140 = arith.constant 96 : index
      %swap3A_141 = tpu.vector_load %arg11[%swap3A_139, %swap3A_140] {strides = array<i32>} : memref<160x128xf32, #tpu.memory_space<vmem>>, vector<1x16xf32>,
      %swap3A_142 = vector.shape_cast %swap3A_141 : vector<1x16xf32> to vector<16xf32>
      %swap3A_143 = vector.shape_cast %broadcast_in_dim3A_138 : vector<16xf32> to vector<1x16xf32>
      tpu.vector_store %arg11[%swap3A_139, %swap3A_140], %swap3A_143 {strides = array<i32>} : memref<160x128xf32, #tpu.memory_space<vmem>>, vector<1x16xf32>,
      %broadcast_in_dim3A_144 = arith.constant 0.000000e+00 : f32
      %broadcast_in_dim3A_145 = vector.broadcast %broadcast_in_dim3A_144 : f32 to vector<16xf32>
      %swap3A_146 = arith.index_cast %scan3A_95 : i32 to index
      %swap3A_147 = arith.constant 112 : index
      %swap3A_148 = tpu.vector_load %arg11[%swap3A_146, %swap3A_147] {strides = array<i32>} : memref<160x128xf32, #tpu.memory_space<vmem>>, vector<1x16xf32>,
      %swap3A_149 = vector.shape_cast %swap3A_148 : vector<1x16xf32> to vector<16xf32>
      %swap3A_150 = vector.shape_cast %broadcast_in_dim3A_145 : vector<16xf32> to vector<1x16xf32>
      tpu.vector_store %arg11[%swap3A_146, %swap3A_147], %swap3A_150 {strides = array<i32>} : memref<160x128xf32, #tpu.memory_space<vmem>>, vector<1x16xf32>,
      %scan3A_151 = arith.constant 0 : i32
      scf.yield %scan3A_151 : i32
    }
    %scan3A_6 = arith.constant 160 : i32
    "tpu.region"() ({
      %run_scoped3A_95 = tpu.sem_alloc : memref<!tpu.dma_semaphore, #tpu.memory_space<semaphore_mem>>
      %dma_start3A_96 = arith.constant 0 : i32
      %dma_start3A_97 = arith.constant 0 : i32
      %dma_start3A_98 = tpu.memref_slice %arg3[%add3A, %dma_start3A_96, %dma_start3A_97] : memref<32x125x80xi32, #tpu.memory_space<hbm>> -> memref<1x125x80xi32, #tpu.memory_space<hbm>>
      %dma_start3A_99 = tpu.memref_squeeze %dma_start3A_98 : memref<1x125x80xi32, #tpu.memory_space<hbm>> -> memref<125x80xi32, #tpu.memory_space<hbm>>
      %dma_start3A_100 = arith.constant 0 : i32
      %dma_start3A_101 = arith.constant 0 : i32
      %dma_start3A_102 = tpu.memref_slice %arg3[%add3A, %dma_start3A_100, %dma_start3A_101] : memref<32x125x80xi32, #tpu.memory_space<hbm>> -> memref<1x125x80xi32, #tpu.memory_space<hbm>>
      %dma_start3A_103 = tpu.memref_squeeze %dma_start3A_102 : memref<1x125x80xi32, #tpu.memory_space<hbm>> -> memref<125x80xi32, #tpu.memory_space<hbm>>
      tpu.enqueue_dma source(%dma_start3A_103 : memref<125x80xi32, #tpu.memory_space<hbm>>) target(%arg6 : memref<125x80xi32, #tpu.memory_space<vmem>>) target_semaphore(%run_scoped3A_95 : memref<!tpu.dma_semaphore, #tpu.memory_space<semaphore_mem>>)
      %dma_wait3A_104 = arith.constant 0 : i32
      %dma_wait3A_105 = arith.constant 0 : i32
      %dma_wait3A_106 = tpu.memref_slice %arg3[%add3A, %dma_wait3A_104, %dma_wait3A_105] : memref<32x125x80xi32, #tpu.memory_space<hbm>> -> memref<1x125x80xi32, #tpu.memory_space<hbm>>
      %dma_wait3A_107 = tpu.memref_squeeze %dma_wait3A_106 : memref<1x125x80xi32, #tpu.memory_space<hbm>> -> memref<125x80xi32, #tpu.memory_space<hbm>>
      %dma_wait3A_108 = arith.constant 0 : i32
      %dma_wait3A_109 = arith.constant 0 : i32
      %dma_wait3A_110 = tpu.memref_slice %arg3[%add3A, %dma_wait3A_108, %dma_wait3A_109] : memref<32x125x80xi32, #tpu.memory_space<hbm>> -> memref<1x125x80xi32, #tpu.memory_space<hbm>>
      %dma_wait3A_111 = tpu.memref_squeeze %dma_wait3A_110 : memref<1x125x80xi32, #tpu.memory_space<hbm>> -> memref<125x80xi32, #tpu.memory_space<hbm>>
      tpu.wait_dma2 semaphore(%run_scoped3A_95 : memref<!tpu.dma_semaphore, #tpu.memory_space<semaphore_mem>>) src(%dma_wait3A_111 : memref<125x80xi32, #tpu.memory_space<hbm>>) dst(%arg6 : memref<125x80xi32, #tpu.memory_space<vmem>>)
      tpu.yield
    }) : () -> ()
    "tpu.region"() ({
      %run_scoped3A_95 = tpu.sem_alloc : memref<!tpu.dma_semaphore, #tpu.memory_space<semaphore_mem>>
      %dma_start3A_96 = arith.constant 0 : i32
      %dma_start3A_97 = arith.constant 0 : i32
      %dma_start3A_98 = tpu.memref_slice %arg4[%add3A, %dma_start3A_96, %dma_start3A_97] : memref<32x125x80xi32, #tpu.memory_space<hbm>> -> memref<1x125x80xi32, #tpu.memory_space<hbm>>
      %dma_start3A_99 = tpu.memref_squeeze %dma_start3A_98 : memref<1x125x80xi32, #tpu.memory_space<hbm>> -> memref<125x80xi32, #tpu.memory_space<hbm>>
      %dma_start3A_100 = arith.constant 0 : i32
      %dma_start3A_101 = arith.constant 0 : i32
      %dma_start3A_102 = tpu.memref_slice %arg4[%add3A, %dma_start3A_100, %dma_start3A_101] : memref<32x125x80xi32, #tpu.memory_space<hbm>> -> memref<1x125x80xi32, #tpu.memory_space<hbm>>
      %dma_start3A_103 = tpu.memref_squeeze %dma_start3A_102 : memref<1x125x80xi32, #tpu.memory_space<hbm>> -> memref<125x80xi32, #tpu.memory_space<hbm>>
      tpu.enqueue_dma source(%dma_start3A_103 : memref<125x80xi32, #tpu.memory_space<hbm>>) target(%arg7 : memref<125x80xi32, #tpu.memory_space<vmem>>) target_semaphore(%run_scoped3A_95 : memref<!tpu.dma_semaphore, #tpu.memory_space<semaphore_mem>>)
      %dma_wait3A_104 = arith.constant 0 : i32
      %dma_wait3A_105 = arith.constant 0 : i32
      %dma_wait3A_106 = tpu.memref_slice %arg4[%add3A, %dma_wait3A_104, %dma_wait3A_105] : memref<32x125x80xi32, #tpu.memory_space<hbm>> -> memref<1x125x80xi32, #tpu.memory_space<hbm>>
      %dma_wait3A_107 = tpu.memref_squeeze %dma_wait3A_106 : memref<1x125x80xi32, #tpu.memory_space<hbm>> -> memref<125x80xi32, #tpu.memory_space<hbm>>
      %dma_wait3A_108 = arith.constant 0 : i32
      %dma_wait3A_109 = arith.constant 0 : i32
      %dma_wait3A_110 = tpu.memref_slice %arg4[%add3A, %dma_wait3A_108, %dma_wait3A_109] : memref<32x125x80xi32, #tpu.memory_space<hbm>> -> memref<1x125x80xi32, #tpu.memory_space<hbm>>
      %dma_wait3A_111 = tpu.memref_squeeze %dma_wait3A_110 : memref<1x125x80xi32, #tpu.memory_space<hbm>> -> memref<125x80xi32, #tpu.memory_space<hbm>>
      tpu.wait_dma2 semaphore(%run_scoped3A_95 : memref<!tpu.dma_semaphore, #tpu.memory_space<semaphore_mem>>) src(%dma_wait3A_111 : memref<125x80xi32, #tpu.memory_space<hbm>>) dst(%arg7 : memref<125x80xi32, #tpu.memory_space<vmem>>)
      tpu.yield
    }) : () -> ()
    %scan3A_7 = arith.constant 0 : i32
    %scan3A_8 = arith.constant 0 : i32
    %scan3A_9 = arith.constant 125 : i32
    %scan3A_10 = arith.addi %scan3A_8, %scan3A_9 : i32
    %scan3A_11 = arith.constant 1 : i32
    %scan3A_12 = scf.for %scan3A_95 = %scan3A_8 to %scan3A_10 step %scan3A_11 iter_args(%scan3A_96 = %scan3A_7) -> (i32)  : i32 {
      %get3A = arith.index_cast %scan3A_95 : i32 to index
      %get3A_97 = arith.constant 0 : index
      %get3A_98 = tpu.vector_load %arg7[%get3A, %get3A_97] {strides = array<i32>} : memref<125x80xi32, #tpu.memory_space<vmem>>, vector<1x16xi32>,
      %get3A_99 = vector.shape_cast %get3A_98 : vector<1x16xi32> to vector<16xi32>
      %add3A_100 = arith.constant 120 : i32
      %add3A_101 = vector.broadcast %add3A_100 : i32 to vector<16xi32>
      %add3A_102 = arith.addi %get3A_99, %add3A_101 : vector<16xi32>
      %ge3A = arith.constant 0 : i32
      %ge3A_103 = vector.broadcast %ge3A : i32 to vector<16xi32>
      %ge3A_104 = arith.cmpi sge, %add3A_102, %ge3A_103 : vector<16xi32>
      %lt3A = arith.constant 5120 : i32
      %lt3A_105 = vector.broadcast %lt3A : i32 to vector<16xi32>
      %lt3A_106 = arith.cmpi slt, %add3A_102, %lt3A_105 : vector<16xi32>
      %and3A = arith.andi %ge3A_104, %lt3A_106 : vector<16xi1>
      %jit3A = arith.constant 0 : i32
      %broadcast_in_dim3A = vector.broadcast %jit3A : i32 to vector<16xi32>
      %select_n3A = arith.select %and3A, %add3A_102, %broadcast_in_dim3A : vector<16xi1>, vector<16xi32>
      %swap3A = arith.index_cast %scan3A_95 : i32 to index
      %swap3A_107 = arith.constant 0 : index
      %swap3A_108 = tpu.vector_load %arg8[%swap3A, %swap3A_107] {strides = array<i32>} : memref<125x80xi32, #tpu.memory_space<vmem>>, vector<1x16xi32>,
      %swap3A_109 = vector.shape_cast %swap3A_108 : vector<1x16xi32> to vector<16xi32>
      %swap3A_110 = vector.shape_cast %select_n3A : vector<16xi32> to vector<1x16xi32>
      tpu.vector_store %arg8[%swap3A, %swap3A_107], %swap3A_110 {strides = array<i32>} : memref<125x80xi32, #tpu.memory_space<vmem>>, vector<1x16xi32>,
      %get3A_111 = arith.index_cast %scan3A_95 : i32 to index
      %get3A_112 = arith.constant 16 : index
      %get3A_113 = tpu.vector_load %arg7[%get3A_111, %get3A_112] {strides = array<i32>} : memref<125x80xi32, #tpu.memory_space<vmem>>, vector<1x16xi32>,
      %get3A_114 = vector.shape_cast %get3A_113 : vector<1x16xi32> to vector<16xi32>
      %add3A_115 = arith.constant 120 : i32
      %add3A_116 = vector.broadcast %add3A_115 : i32 to vector<16xi32>
      %add3A_117 = arith.addi %get3A_114, %add3A_116 : vector<16xi32>
      %ge3A_118 = arith.constant 0 : i32
      %ge3A_119 = vector.broadcast %ge3A_118 : i32 to vector<16xi32>
      %ge3A_120 = arith.cmpi sge, %add3A_117, %ge3A_119 : vector<16xi32>
      %lt3A_121 = arith.constant 5120 : i32
      %lt3A_122 = vector.broadcast %lt3A_121 : i32 to vector<16xi32>
      %lt3A_123 = arith.cmpi slt, %add3A_117, %lt3A_122 : vector<16xi32>
      %and3A_124 = arith.andi %ge3A_120, %lt3A_123 : vector<16xi1>
      %jit3A_125 = arith.constant 0 : i32
      %broadcast_in_dim3A_126 = vector.broadcast %jit3A_125 : i32 to vector<16xi32>
      %select_n3A_127 = arith.select %and3A_124, %add3A_117, %broadcast_in_dim3A_126 : vector<16xi1>, vector<16xi32>
      %swap3A_128 = arith.index_cast %scan3A_95 : i32 to index
      %swap3A_129 = arith.constant 16 : index
      %swap3A_130 = tpu.vector_load %arg8[%swap3A_128, %swap3A_129] {strides = array<i32>} : memref<125x80xi32, #tpu.memory_space<vmem>>, vector<1x16xi32>,
      %swap3A_131 = vector.shape_cast %swap3A_130 : vector<1x16xi32> to vector<16xi32>
      %swap3A_132 = vector.shape_cast %select_n3A_127 : vector<16xi32> to vector<1x16xi32>
      tpu.vector_store %arg8[%swap3A_128, %swap3A_129], %swap3A_132 {strides = array<i32>} : memref<125x80xi32, #tpu.memory_space<vmem>>, vector<1x16xi32>,
      %get3A_133 = arith.index_cast %scan3A_95 : i32 to index
      %get3A_134 = arith.constant 32 : index
      %get3A_135 = tpu.vector_load %arg7[%get3A_133, %get3A_134] {strides = array<i32>} : memref<125x80xi32, #tpu.memory_space<vmem>>, vector<1x16xi32>,
      %get3A_136 = vector.shape_cast %get3A_135 : vector<1x16xi32> to vector<16xi32>
      %add3A_137 = arith.constant 120 : i32
      %add3A_138 = vector.broadcast %add3A_137 : i32 to vector<16xi32>
      %add3A_139 = arith.addi %get3A_136, %add3A_138 : vector<16xi32>
      %ge3A_140 = arith.constant 0 : i32
      %ge3A_141 = vector.broadcast %ge3A_140 : i32 to vector<16xi32>
      %ge3A_142 = arith.cmpi sge, %add3A_139, %ge3A_141 : vector<16xi32>
      %lt3A_143 = arith.constant 5120 : i32
      %lt3A_144 = vector.broadcast %lt3A_143 : i32 to vector<16xi32>
      %lt3A_145 = arith.cmpi slt, %add3A_139, %lt3A_144 : vector<16xi32>
      %and3A_146 = arith.andi %ge3A_142, %lt3A_145 : vector<16xi1>
      %jit3A_147 = arith.constant 0 : i32
      %broadcast_in_dim3A_148 = vector.broadcast %jit3A_147 : i32 to vector<16xi32>
      %select_n3A_149 = arith.select %and3A_146, %add3A_139, %broadcast_in_dim3A_148 : vector<16xi1>, vector<16xi32>
      %swap3A_150 = arith.index_cast %scan3A_95 : i32 to index
      %swap3A_151 = arith.constant 32 : index
      %swap3A_152 = tpu.vector_load %arg8[%swap3A_150, %swap3A_151] {strides = array<i32>} : memref<125x80xi32, #tpu.memory_space<vmem>>, vector<1x16xi32>,
      %swap3A_153 = vector.shape_cast %swap3A_152 : vector<1x16xi32> to vector<16xi32>
      %swap3A_154 = vector.shape_cast %select_n3A_149 : vector<16xi32> to vector<1x16xi32>
      tpu.vector_store %arg8[%swap3A_150, %swap3A_151], %swap3A_154 {strides = array<i32>} : memref<125x80xi32, #tpu.memory_space<vmem>>, vector<1x16xi32>,
      %get3A_155 = arith.index_cast %scan3A_95 : i32 to index
      %get3A_156 = arith.constant 48 : index
      %get3A_157 = tpu.vector_load %arg7[%get3A_155, %get3A_156] {strides = array<i32>} : memref<125x80xi32, #tpu.memory_space<vmem>>, vector<1x16xi32>,
      %get3A_158 = vector.shape_cast %get3A_157 : vector<1x16xi32> to vector<16xi32>
      %add3A_159 = arith.constant 120 : i32
      %add3A_160 = vector.broadcast %add3A_159 : i32 to vector<16xi32>
      %add3A_161 = arith.addi %get3A_158, %add3A_160 : vector<16xi32>
      %ge3A_162 = arith.constant 0 : i32
      %ge3A_163 = vector.broadcast %ge3A_162 : i32 to vector<16xi32>
      %ge3A_164 = arith.cmpi sge, %add3A_161, %ge3A_163 : vector<16xi32>
      %lt3A_165 = arith.constant 5120 : i32
      %lt3A_166 = vector.broadcast %lt3A_165 : i32 to vector<16xi32>
      %lt3A_167 = arith.cmpi slt, %add3A_161, %lt3A_166 : vector<16xi32>
      %and3A_168 = arith.andi %ge3A_164, %lt3A_167 : vector<16xi1>
      %jit3A_169 = arith.constant 0 : i32
      %broadcast_in_dim3A_170 = vector.broadcast %jit3A_169 : i32 to vector<16xi32>
      %select_n3A_171 = arith.select %and3A_168, %add3A_161, %broadcast_in_dim3A_170 : vector<16xi1>, vector<16xi32>
      %swap3A_172 = arith.index_cast %scan3A_95 : i32 to index
      %swap3A_173 = arith.constant 48 : index
      %swap3A_174 = tpu.vector_load %arg8[%swap3A_172, %swap3A_173] {strides = array<i32>} : memref<125x80xi32, #tpu.memory_space<vmem>>, vector<1x16xi32>,
      %swap3A_175 = vector.shape_cast %swap3A_174 : vector<1x16xi32> to vector<16xi32>
      %swap3A_176 = vector.shape_cast %select_n3A_171 : vector<16xi32> to vector<1x16xi32>
      tpu.vector_store %arg8[%swap3A_172, %swap3A_173], %swap3A_176 {strides = array<i32>} : memref<125x80xi32, #tpu.memory_space<vmem>>, vector<1x16xi32>,
      %get3A_177 = arith.index_cast %scan3A_95 : i32 to index
      %get3A_178 = arith.constant 64 : index
      %get3A_179 = tpu.vector_load %arg7[%get3A_177, %get3A_178] {strides = array<i32>} : memref<125x80xi32, #tpu.memory_space<vmem>>, vector<1x16xi32>,
      %get3A_180 = vector.shape_cast %get3A_179 : vector<1x16xi32> to vector<16xi32>
      %add3A_181 = arith.constant 120 : i32
      %add3A_182 = vector.broadcast %add3A_181 : i32 to vector<16xi32>
      %add3A_183 = arith.addi %get3A_180, %add3A_182 : vector<16xi32>
      %ge3A_184 = arith.constant 0 : i32
      %ge3A_185 = vector.broadcast %ge3A_184 : i32 to vector<16xi32>
      %ge3A_186 = arith.cmpi sge, %add3A_183, %ge3A_185 : vector<16xi32>
      %lt3A_187 = arith.constant 5120 : i32
      %lt3A_188 = vector.broadcast %lt3A_187 : i32 to vector<16xi32>
      %lt3A_189 = arith.cmpi slt, %add3A_183, %lt3A_188 : vector<16xi32>
      %and3A_190 = arith.andi %ge3A_186, %lt3A_189 : vector<16xi1>
      %jit3A_191 = arith.constant 0 : i32
      %broadcast_in_dim3A_192 = vector.broadcast %jit3A_191 : i32 to vector<16xi32>
      %select_n3A_193 = arith.select %and3A_190, %add3A_183, %broadcast_in_dim3A_192 : vector<16xi1>, vector<16xi32>
      %swap3A_194 = arith.index_cast %scan3A_95 : i32 to index
      %swap3A_195 = arith.constant 64 : index
      %swap3A_196 = tpu.vector_load %arg8[%swap3A_194, %swap3A_195] {strides = array<i32>} : memref<125x80xi32, #tpu.memory_space<vmem>>, vector<1x16xi32>,
      %swap3A_197 = vector.shape_cast %swap3A_196 : vector<1x16xi32> to vector<16xi32>
      %swap3A_198 = vector.shape_cast %select_n3A_193 : vector<16xi32> to vector<1x16xi32>
      tpu.vector_store %arg8[%swap3A_194, %swap3A_195], %swap3A_198 {strides = array<i32>} : memref<125x80xi32, #tpu.memory_space<vmem>>, vector<1x16xi32>,
      %scan3A_199 = arith.constant 0 : i32
      scf.yield %scan3A_199 : i32
    }
    %scan3A_13 = arith.constant 125 : i32
    %mul3A_14 = arith.constant 320 : i32
    %mul3A_15 = arith.muli %arg1, %mul3A_14 : i32
    %add3A_16 = arith.constant 0 : i32
    %add3A_17 = arith.addi %mul3A_15, %add3A_16 : i32
    "tpu.region"() ({
      %run_scoped3A_95 = tpu.sem_alloc : memref<!tpu.dma_semaphore, #tpu.memory_space<semaphore_mem>>
      %dma_start3A_96 = arith.constant 0 : i32
      %dma_start3A_97 = tpu.memref_slice %arg12[%add3A_17, %dma_start3A_96] : memref<5120x128xf32, #tpu.memory_space<vmem_shared>> -> memref<160x128xf32, #tpu.memory_space<vmem_shared>>
      %dma_start3A_98 = arith.constant 0 : i32
      %dma_start3A_99 = tpu.memref_slice %arg12[%add3A_17, %dma_start3A_98] : memref<5120x128xf32, #tpu.memory_space<vmem_shared>> -> memref<160x128xf32, #tpu.memory_space<vmem_shared>>
      tpu.enqueue_dma source(%arg11 : memref<160x128xf32, #tpu.memory_space<vmem>>) target(%dma_start3A_99 : memref<160x128xf32, #tpu.memory_space<vmem_shared>>) target_semaphore(%run_scoped3A_95 : memref<!tpu.dma_semaphore, #tpu.memory_space<semaphore_mem>>)
      %dma_wait3A_100 = arith.constant 0 : i32
      %dma_wait3A_101 = tpu.memref_slice %arg12[%add3A_17, %dma_wait3A_100] : memref<5120x128xf32, #tpu.memory_space<vmem_shared>> -> memref<160x128xf32, #tpu.memory_space<vmem_shared>>
      %dma_wait3A_102 = arith.constant 0 : i32
      %dma_wait3A_103 = tpu.memref_slice %arg12[%add3A_17, %dma_wait3A_102] : memref<5120x128xf32, #tpu.memory_space<vmem_shared>> -> memref<160x128xf32, #tpu.memory_space<vmem_shared>>
      tpu.wait_dma2 semaphore(%run_scoped3A_95 : memref<!tpu.dma_semaphore, #tpu.memory_space<semaphore_mem>>) src(%arg11 : memref<160x128xf32, #tpu.memory_space<vmem>>) dst(%dma_wait3A_103 : memref<160x128xf32, #tpu.memory_space<vmem_shared>>)
      tpu.yield
    }) : () -> ()
    %mul3A_18 = arith.constant 320 : i32
    %mul3A_19 = arith.muli %arg1, %mul3A_18 : i32
    %add3A_20 = arith.constant 160 : i32
    %add3A_21 = arith.addi %mul3A_19, %add3A_20 : i32
    "tpu.region"() ({
      %run_scoped3A_95 = tpu.sem_alloc : memref<!tpu.dma_semaphore, #tpu.memory_space<semaphore_mem>>
      %dma_start3A_96 = arith.constant 0 : i32
      %dma_start3A_97 = tpu.memref_slice %arg12[%add3A_21, %dma_start3A_96] : memref<5120x128xf32, #tpu.memory_space<vmem_shared>> -> memref<160x128xf32, #tpu.memory_space<vmem_shared>>
      %dma_start3A_98 = arith.constant 0 : i32
      %dma_start3A_99 = tpu.memref_slice %arg12[%add3A_21, %dma_start3A_98] : memref<5120x128xf32, #tpu.memory_space<vmem_shared>> -> memref<160x128xf32, #tpu.memory_space<vmem_shared>>
      tpu.enqueue_dma source(%arg11 : memref<160x128xf32, #tpu.memory_space<vmem>>) target(%dma_start3A_99 : memref<160x128xf32, #tpu.memory_space<vmem_shared>>) target_semaphore(%run_scoped3A_95 : memref<!tpu.dma_semaphore, #tpu.memory_space<semaphore_mem>>)
      %dma_wait3A_100 = arith.constant 0 : i32
      %dma_wait3A_101 = tpu.memref_slice %arg12[%add3A_21, %dma_wait3A_100] : memref<5120x128xf32, #tpu.memory_space<vmem_shared>> -> memref<160x128xf32, #tpu.memory_space<vmem_shared>>
      %dma_wait3A_102 = arith.constant 0 : i32
      %dma_wait3A_103 = tpu.memref_slice %arg12[%add3A_21, %dma_wait3A_102] : memref<5120x128xf32, #tpu.memory_space<vmem_shared>> -> memref<160x128xf32, #tpu.memory_space<vmem_shared>>
      tpu.wait_dma2 semaphore(%run_scoped3A_95 : memref<!tpu.dma_semaphore, #tpu.memory_space<semaphore_mem>>) src(%arg11 : memref<160x128xf32, #tpu.memory_space<vmem>>) dst(%dma_wait3A_103 : memref<160x128xf32, #tpu.memory_space<vmem_shared>>)
      tpu.yield
    }) : () -> ()
    %barrier3A = arith.constant 0 : index
    tpu.barrier barrier_id(%barrier3A)
    %dma_start3A = arith.constant 0 : i32
    %dma_start3A_22 = arith.constant 0 : i32
    %dma_start3A_23 = tpu.memref_slice %arg6[%dma_start3A, %dma_start3A_22] : memref<125x80xi32, #tpu.memory_space<vmem>> -> memref<1x80xi32, #tpu.memory_space<vmem>>
    %dma_start3A_24 = tpu.memref_squeeze %dma_start3A_23 : memref<1x80xi32, #tpu.memory_space<vmem>> -> memref<80xi32, #tpu.memory_space<vmem>>
    %dma_start3A_25 = arith.constant 0 : i32
    %dma_start3A_26 = arith.constant 0 : i32
    %dma_start3A_27 = tpu.memref_slice %arg2[%dma_start3A_25, %dma_start3A_26] : memref<10000x128xf32, #tpu.memory_space<hbm>> -> memref<10000x128xf32, #tpu.memory_space<hbm>>
    tpu.enqueue_indirect_dma source(%dma_start3A_27 : memref<10000x128xf32, #tpu.memory_space<hbm>>) target(%arg9 : memref<80x128xf32, #tpu.memory_space<vmem>>) offsets(%dma_start3A_24 : memref<80xi32, #tpu.memory_space<vmem>>) semaphore(%arg13 : memref<!tpu.dma_semaphore, #tpu.memory_space<semaphore_mem>>)
    %scan3A_28 = arith.constant 0 : i32
    %scan3A_29 = arith.constant 0 : i32
    %scan3A_30 = arith.constant 62 : i32
    %scan3A_31 = arith.addi %scan3A_29, %scan3A_30 : i32
    %scan3A_32 = arith.constant 1 : i32
    %scan3A_33 = scf.for %scan3A_95 = %scan3A_29 to %scan3A_31 step %scan3A_32 iter_args(%scan3A_96 = %scan3A_28) -> (i32)  : i32 {
      %mul3A_97 = arith.constant 2 : i32
      %mul3A_98 = arith.muli %mul3A_97, %scan3A_95 : i32
      %dma_wait3A_99 = arith.constant 0 : i32
      %dma_wait3A_100 = tpu.memref_slice %arg6[%mul3A_98, %dma_wait3A_99] : memref<125x80xi32, #tpu.memory_space<vmem>> -> memref<1x80xi32, #tpu.memory_space<vmem>>
      %dma_wait3A_101 = tpu.memref_squeeze %dma_wait3A_100 : memref<1x80xi32, #tpu.memory_space<vmem>> -> memref<80xi32, #tpu.memory_space<vmem>>
      %dma_wait3A_102 = arith.constant 0 : i32
      %dma_wait3A_103 = arith.constant 0 : i32
      %dma_wait3A_104 = tpu.memref_slice %arg2[%dma_wait3A_102, %dma_wait3A_103] : memref<10000x128xf32, #tpu.memory_space<hbm>> -> memref<10000x128xf32, #tpu.memory_space<hbm>>
      tpu.wait_indirect_dma semaphore(%arg13 : memref<!tpu.dma_semaphore, #tpu.memory_space<semaphore_mem>>) src(%dma_wait3A_104 : memref<10000x128xf32, #tpu.memory_space<hbm>>) dst(%arg9 : memref<80x128xf32, #tpu.memory_space<vmem>>)
      %add3A_105 = arith.constant 1 : i32
      %add3A_106 = arith.addi %mul3A_98, %add3A_105 : i32
      %dma_start3A_107 = arith.constant 0 : i32
      %dma_start3A_108 = tpu.memref_slice %arg6[%add3A_106, %dma_start3A_107] : memref<125x80xi32, #tpu.memory_space<vmem>> -> memref<1x80xi32, #tpu.memory_space<vmem>>
      %dma_start3A_109 = tpu.memref_squeeze %dma_start3A_108 : memref<1x80xi32, #tpu.memory_space<vmem>> -> memref<80xi32, #tpu.memory_space<vmem>>
      %dma_start3A_110 = arith.constant 0 : i32
      %dma_start3A_111 = arith.constant 0 : i32
      %dma_start3A_112 = tpu.memref_slice %arg2[%dma_start3A_110, %dma_start3A_111] : memref<10000x128xf32, #tpu.memory_space<hbm>> -> memref<10000x128xf32, #tpu.memory_space<hbm>>
      tpu.enqueue_indirect_dma source(%dma_start3A_112 : memref<10000x128xf32, #tpu.memory_space<hbm>>) target(%arg10 : memref<80x128xf32, #tpu.memory_space<vmem>>) offsets(%dma_start3A_109 : memref<80xi32, #tpu.memory_space<vmem>>) semaphore(%arg14 : memref<!tpu.dma_semaphore, #tpu.memory_space<semaphore_mem>>)
      "tpu.region"() ({
        %run_scoped3A_132 = tpu.sem_alloc : memref<!tpu.dma_semaphore, #tpu.memory_space<semaphore_mem>>
        %dma_start3A_133 = arith.constant 0 : i32
        %dma_start3A_134 = tpu.memref_slice %arg8[%mul3A_98, %dma_start3A_133] : memref<125x80xi32, #tpu.memory_space<vmem>> -> memref<1x80xi32, #tpu.memory_space<vmem>>
        %dma_start3A_135 = tpu.memref_squeeze %dma_start3A_134 : memref<1x80xi32, #tpu.memory_space<vmem>> -> memref<80xi32, #tpu.memory_space<vmem>>
        %dma_start3A_136 = arith.constant 0 : i32
        %dma_start3A_137 = arith.constant 0 : i32
        %dma_start3A_138 = tpu.memref_slice %arg12[%dma_start3A_136, %dma_start3A_137] : memref<5120x128xf32, #tpu.memory_space<vmem_shared>> -> memref<5120x128xf32, #tpu.memory_space<vmem_shared>>
        tpu.enqueue_indirect_dma source(%arg9 : memref<80x128xf32, #tpu.memory_space<vmem>>) target(%dma_start3A_138 : memref<5120x128xf32, #tpu.memory_space<vmem_shared>>) offsets(%dma_start3A_135 : memref<80xi32, #tpu.memory_space<vmem>>) semaphore(%run_scoped3A_132 : memref<!tpu.dma_semaphore, #tpu.memory_space<semaphore_mem>>) {add = true}
        %dma_wait3A_139 = arith.constant 0 : i32
        %dma_wait3A_140 = tpu.memref_slice %arg8[%mul3A_98, %dma_wait3A_139] : memref<125x80xi32, #tpu.memory_space<vmem>> -> memref<1x80xi32, #tpu.memory_space<vmem>>
        %dma_wait3A_141 = tpu.memref_squeeze %dma_wait3A_140 : memref<1x80xi32, #tpu.memory_space<vmem>> -> memref<80xi32, #tpu.memory_space<vmem>>
        %dma_wait3A_142 = arith.constant 0 : i32
        %dma_wait3A_143 = arith.constant 0 : i32
        %dma_wait3A_144 = tpu.memref_slice %arg12[%dma_wait3A_142, %dma_wait3A_143] : memref<5120x128xf32, #tpu.memory_space<vmem_shared>> -> memref<5120x128xf32, #tpu.memory_space<vmem_shared>>
        tpu.wait_indirect_dma semaphore(%run_scoped3A_132 : memref<!tpu.dma_semaphore, #tpu.memory_space<semaphore_mem>>) src(%arg9 : memref<80x128xf32, #tpu.memory_space<vmem>>) dst(%dma_wait3A_144 : memref<5120x128xf32, #tpu.memory_space<vmem_shared>>)
        tpu.yield
      }) : () -> ()
      %add3A_113 = arith.constant 1 : i32
      %add3A_114 = arith.addi %mul3A_98, %add3A_113 : i32
      %dma_wait3A_115 = arith.constant 0 : i32
      %dma_wait3A_116 = tpu.memref_slice %arg6[%add3A_114, %dma_wait3A_115] : memref<125x80xi32, #tpu.memory_space<vmem>> -> memref<1x80xi32, #tpu.memory_space<vmem>>
      %dma_wait3A_117 = tpu.memref_squeeze %dma_wait3A_116 : memref<1x80xi32, #tpu.memory_space<vmem>> -> memref<80xi32, #tpu.memory_space<vmem>>
      %dma_wait3A_118 = arith.constant 0 : i32
      %dma_wait3A_119 = arith.constant 0 : i32
      %dma_wait3A_120 = tpu.memref_slice %arg2[%dma_wait3A_118, %dma_wait3A_119] : memref<10000x128xf32, #tpu.memory_space<hbm>> -> memref<10000x128xf32, #tpu.memory_space<hbm>>
      tpu.wait_indirect_dma semaphore(%arg14 : memref<!tpu.dma_semaphore, #tpu.memory_space<semaphore_mem>>) src(%dma_wait3A_120 : memref<10000x128xf32, #tpu.memory_space<hbm>>) dst(%arg10 : memref<80x128xf32, #tpu.memory_space<vmem>>)
      %add3A_121 = arith.constant 2 : i32
      %add3A_122 = arith.addi %mul3A_98, %add3A_121 : i32
      %dma_start3A_123 = arith.constant 0 : i32
      %dma_start3A_124 = tpu.memref_slice %arg6[%add3A_122, %dma_start3A_123] : memref<125x80xi32, #tpu.memory_space<vmem>> -> memref<1x80xi32, #tpu.memory_space<vmem>>
      %dma_start3A_125 = tpu.memref_squeeze %dma_start3A_124 : memref<1x80xi32, #tpu.memory_space<vmem>> -> memref<80xi32, #tpu.memory_space<vmem>>
      %dma_start3A_126 = arith.constant 0 : i32
      %dma_start3A_127 = arith.constant 0 : i32
      %dma_start3A_128 = tpu.memref_slice %arg2[%dma_start3A_126, %dma_start3A_127] : memref<10000x128xf32, #tpu.memory_space<hbm>> -> memref<10000x128xf32, #tpu.memory_space<hbm>>
      tpu.enqueue_indirect_dma source(%dma_start3A_128 : memref<10000x128xf32, #tpu.memory_space<hbm>>) target(%arg9 : memref<80x128xf32, #tpu.memory_space<vmem>>) offsets(%dma_start3A_125 : memref<80xi32, #tpu.memory_space<vmem>>) semaphore(%arg13 : memref<!tpu.dma_semaphore, #tpu.memory_space<semaphore_mem>>)
      %add3A_129 = arith.constant 1 : i32
      %add3A_130 = arith.addi %mul3A_98, %add3A_129 : i32
      "tpu.region"() ({
        %run_scoped3A_132 = tpu.sem_alloc : memref<!tpu.dma_semaphore, #tpu.memory_space<semaphore_mem>>
        %dma_start3A_133 = arith.constant 0 : i32
        %dma_start3A_134 = tpu.memref_slice %arg8[%add3A_130, %dma_start3A_133] : memref<125x80xi32, #tpu.memory_space<vmem>> -> memref<1x80xi32, #tpu.memory_space<vmem>>
        %dma_start3A_135 = tpu.memref_squeeze %dma_start3A_134 : memref<1x80xi32, #tpu.memory_space<vmem>> -> memref<80xi32, #tpu.memory_space<vmem>>
        %dma_start3A_136 = arith.constant 0 : i32
        %dma_start3A_137 = arith.constant 0 : i32
        %dma_start3A_138 = tpu.memref_slice %arg12[%dma_start3A_136, %dma_start3A_137] : memref<5120x128xf32, #tpu.memory_space<vmem_shared>> -> memref<5120x128xf32, #tpu.memory_space<vmem_shared>>
        tpu.enqueue_indirect_dma source(%arg10 : memref<80x128xf32, #tpu.memory_space<vmem>>) target(%dma_start3A_138 : memref<5120x128xf32, #tpu.memory_space<vmem_shared>>) offsets(%dma_start3A_135 : memref<80xi32, #tpu.memory_space<vmem>>) semaphore(%run_scoped3A_132 : memref<!tpu.dma_semaphore, #tpu.memory_space<semaphore_mem>>) {add = true}
        %dma_wait3A_139 = arith.constant 0 : i32
        %dma_wait3A_140 = tpu.memref_slice %arg8[%add3A_130, %dma_wait3A_139] : memref<125x80xi32, #tpu.memory_space<vmem>> -> memref<1x80xi32, #tpu.memory_space<vmem>>
        %dma_wait3A_141 = tpu.memref_squeeze %dma_wait3A_140 : memref<1x80xi32, #tpu.memory_space<vmem>> -> memref<80xi32, #tpu.memory_space<vmem>>
        %dma_wait3A_142 = arith.constant 0 : i32
        %dma_wait3A_143 = arith.constant 0 : i32
        %dma_wait3A_144 = tpu.memref_slice %arg12[%dma_wait3A_142, %dma_wait3A_143] : memref<5120x128xf32, #tpu.memory_space<vmem_shared>> -> memref<5120x128xf32, #tpu.memory_space<vmem_shared>>
        tpu.wait_indirect_dma semaphore(%run_scoped3A_132 : memref<!tpu.dma_semaphore, #tpu.memory_space<semaphore_mem>>) src(%arg10 : memref<80x128xf32, #tpu.memory_space<vmem>>) dst(%dma_wait3A_144 : memref<5120x128xf32, #tpu.memory_space<vmem_shared>>)
        tpu.yield
      }) : () -> ()
      %scan3A_131 = arith.constant 0 : i32
      scf.yield %scan3A_131 : i32
    }
    %scan3A_34 = arith.constant 62 : i32
    %dma_wait3A = arith.constant 124 : i32
    %dma_wait3A_35 = arith.constant 0 : i32
    %dma_wait3A_36 = tpu.memref_slice %arg6[%dma_wait3A, %dma_wait3A_35] : memref<125x80xi32, #tpu.memory_space<vmem>> -> memref<1x80xi32, #tpu.memory_space<vmem>>
    %dma_wait3A_37 = tpu.memref_squeeze %dma_wait3A_36 : memref<1x80xi32, #tpu.memory_space<vmem>> -> memref<80xi32, #tpu.memory_space<vmem>>
    %dma_wait3A_38 = arith.constant 0 : i32
    %dma_wait3A_39 = arith.constant 0 : i32
    %dma_wait3A_40 = tpu.memref_slice %arg2[%dma_wait3A_38, %dma_wait3A_39] : memref<10000x128xf32, #tpu.memory_space<hbm>> -> memref<10000x128xf32, #tpu.memory_space<hbm>>
    tpu.wait_indirect_dma semaphore(%arg13 : memref<!tpu.dma_semaphore, #tpu.memory_space<semaphore_mem>>) src(%dma_wait3A_40 : memref<10000x128xf32, #tpu.memory_space<hbm>>) dst(%arg9 : memref<80x128xf32, #tpu.memory_space<vmem>>)
    %run_scoped3A = arith.constant 124 : i32
    "tpu.region"() ({
      %run_scoped3A_95 = tpu.sem_alloc : memref<!tpu.dma_semaphore, #tpu.memory_space<semaphore_mem>>
      %dma_start3A_96 = arith.constant 0 : i32
      %dma_start3A_97 = tpu.memref_slice %arg8[%run_scoped3A, %dma_start3A_96] : memref<125x80xi32, #tpu.memory_space<vmem>> -> memref<1x80xi32, #tpu.memory_space<vmem>>
      %dma_start3A_98 = tpu.memref_squeeze %dma_start3A_97 : memref<1x80xi32, #tpu.memory_space<vmem>> -> memref<80xi32, #tpu.memory_space<vmem>>
      %dma_start3A_99 = arith.constant 0 : i32
      %dma_start3A_100 = arith.constant 0 : i32
      %dma_start3A_101 = tpu.memref_slice %arg12[%dma_start3A_99, %dma_start3A_100] : memref<5120x128xf32, #tpu.memory_space<vmem_shared>> -> memref<5120x128xf32, #tpu.memory_space<vmem_shared>>
      tpu.enqueue_indirect_dma source(%arg9 : memref<80x128xf32, #tpu.memory_space<vmem>>) target(%dma_start3A_101 : memref<5120x128xf32, #tpu.memory_space<vmem_shared>>) offsets(%dma_start3A_98 : memref<80xi32, #tpu.memory_space<vmem>>) semaphore(%run_scoped3A_95 : memref<!tpu.dma_semaphore, #tpu.memory_space<semaphore_mem>>) {add = true}
      %dma_wait3A_102 = arith.constant 0 : i32
      %dma_wait3A_103 = tpu.memref_slice %arg8[%run_scoped3A, %dma_wait3A_102] : memref<125x80xi32, #tpu.memory_space<vmem>> -> memref<1x80xi32, #tpu.memory_space<vmem>>
      %dma_wait3A_104 = tpu.memref_squeeze %dma_wait3A_103 : memref<1x80xi32, #tpu.memory_space<vmem>> -> memref<80xi32, #tpu.memory_space<vmem>>
      %dma_wait3A_105 = arith.constant 0 : i32
      %dma_wait3A_106 = arith.constant 0 : i32
      %dma_wait3A_107 = tpu.memref_slice %arg12[%dma_wait3A_105, %dma_wait3A_106] : memref<5120x128xf32, #tpu.memory_space<vmem_shared>> -> memref<5120x128xf32, #tpu.memory_space<vmem_shared>>
      tpu.wait_indirect_dma semaphore(%run_scoped3A_95 : memref<!tpu.dma_semaphore, #tpu.memory_space<semaphore_mem>>) src(%arg9 : memref<80x128xf32, #tpu.memory_space<vmem>>) dst(%dma_wait3A_107 : memref<5120x128xf32, #tpu.memory_space<vmem_shared>>)
      tpu.yield
    }) : () -> ()
    %barrier3A_41 = arith.constant 0 : index
    tpu.barrier barrier_id(%barrier3A_41)
    %mul3A_42 = arith.constant 320 : i32
    %mul3A_43 = arith.muli %arg1, %mul3A_42 : i32
    %mul3A_44 = arith.constant 320 : i32
    %mul3A_45 = arith.muli %arg1, %mul3A_44 : i32
    %add3A_46 = arith.constant 0 : i32
    %add3A_47 = arith.addi %add3A_46, %mul3A_45 : i32
    "tpu.region"() ({
      %run_scoped3A_95 = tpu.sem_alloc : memref<!tpu.dma_semaphore, #tpu.memory_space<semaphore_mem>>
      %dma_start3A_96 = arith.constant 0 : i32
      %dma_start3A_97 = tpu.memref_slice %arg5[%arg0, %add3A_47, %dma_start3A_96] : memref<2x10240x128xf32, #tpu.memory_space<hbm>> -> memref<1x320x128xf32, #tpu.memory_space<hbm>>
      %dma_start3A_98 = tpu.memref_squeeze %dma_start3A_97 : memref<1x320x128xf32, #tpu.memory_space<hbm>> -> memref<320x128xf32, #tpu.memory_space<hbm>>
      %dma_start3A_99 = arith.constant 0 : i32
      %dma_start3A_100 = tpu.memref_slice %arg12[%mul3A_43, %dma_start3A_99] : memref<5120x128xf32, #tpu.memory_space<vmem_shared>> -> memref<320x128xf32, #tpu.memory_space<vmem_shared>>
      tpu.enqueue_dma source(%dma_start3A_100 : memref<320x128xf32, #tpu.memory_space<vmem_shared>>) target(%dma_start3A_98 : memref<320x128xf32, #tpu.memory_space<hbm>>) target_semaphore(%run_scoped3A_95 : memref<!tpu.dma_semaphore, #tpu.memory_space<semaphore_mem>>)
      %dma_wait3A_101 = arith.constant 0 : i32
      %dma_wait3A_102 = tpu.memref_slice %arg5[%arg0, %add3A_47, %dma_wait3A_101] : memref<2x10240x128xf32, #tpu.memory_space<hbm>> -> memref<1x320x128xf32, #tpu.memory_space<hbm>>
      %dma_wait3A_103 = tpu.memref_squeeze %dma_wait3A_102 : memref<1x320x128xf32, #tpu.memory_space<hbm>> -> memref<320x128xf32, #tpu.memory_space<hbm>>
      %dma_wait3A_104 = arith.constant 0 : i32
      %dma_wait3A_105 = tpu.memref_slice %arg12[%mul3A_43, %dma_wait3A_104] : memref<5120x128xf32, #tpu.memory_space<vmem_shared>> -> memref<320x128xf32, #tpu.memory_space<vmem_shared>>
      tpu.wait_dma2 semaphore(%run_scoped3A_95 : memref<!tpu.dma_semaphore, #tpu.memory_space<semaphore_mem>>) src(%dma_wait3A_105 : memref<320x128xf32, #tpu.memory_space<vmem_shared>>) dst(%dma_wait3A_103 : memref<320x128xf32, #tpu.memory_space<hbm>>)
      tpu.yield
    }) : () -> ()
    %barrier3A_48 = arith.constant 0 : index
    tpu.barrier barrier_id(%barrier3A_48)
    %scan3A_49 = arith.constant 0 : i32
    %scan3A_50 = arith.constant 0 : i32
    %scan3A_51 = arith.constant 125 : i32
    %scan3A_52 = arith.addi %scan3A_50, %scan3A_51 : i32
    %scan3A_53 = arith.constant 1 : i32
    %scan3A_54 = scf.for %scan3A_95 = %scan3A_50 to %scan3A_52 step %scan3A_53 iter_args(%scan3A_96 = %scan3A_49) -> (i32)  : i32 {
      %get3A = arith.index_cast %scan3A_95 : i32 to index
      %get3A_97 = arith.constant 0 : index
      %get3A_98 = tpu.vector_load %arg7[%get3A, %get3A_97] {strides = array<i32>} : memref<125x80xi32, #tpu.memory_space<vmem>>, vector<1x16xi32>,
      %get3A_99 = vector.shape_cast %get3A_98 : vector<1x16xi32> to vector<16xi32>
      %add3A_100 = arith.constant -5000 : i32
      %add3A_101 = vector.broadcast %add3A_100 : i32 to vector<16xi32>
      %add3A_102 = arith.addi %get3A_99, %add3A_101 : vector<16xi32>
      %ge3A = arith.constant 0 : i32
      %ge3A_103 = vector.broadcast %ge3A : i32 to vector<16xi32>
      %ge3A_104 = arith.cmpi sge, %add3A_102, %ge3A_103 : vector<16xi32>
      %lt3A = arith.constant 5120 : i32
      %lt3A_105 = vector.broadcast %lt3A : i32 to vector<16xi32>
      %lt3A_106 = arith.cmpi slt, %add3A_102, %lt3A_105 : vector<16xi32>
      %and3A = arith.andi %ge3A_104, %lt3A_106 : vector<16xi1>
      %jit3A = arith.constant 5119 : i32
      %broadcast_in_dim3A = vector.broadcast %jit3A : i32 to vector<16xi32>
      %select_n3A = arith.select %and3A, %add3A_102, %broadcast_in_dim3A : vector<16xi1>, vector<16xi32>
      %swap3A = arith.index_cast %scan3A_95 : i32 to index
      %swap3A_107 = arith.constant 0 : index
      %swap3A_108 = tpu.vector_load %arg8[%swap3A, %swap3A_107] {strides = array<i32>} : memref<125x80xi32, #tpu.memory_space<vmem>>, vector<1x16xi32>,
      %swap3A_109 = vector.shape_cast %swap3A_108 : vector<1x16xi32> to vector<16xi32>
      %swap3A_110 = vector.shape_cast %select_n3A : vector<16xi32> to vector<1x16xi32>
      tpu.vector_store %arg8[%swap3A, %swap3A_107], %swap3A_110 {strides = array<i32>} : memref<125x80xi32, #tpu.memory_space<vmem>>, vector<1x16xi32>,
      %get3A_111 = arith.index_cast %scan3A_95 : i32 to index
      %get3A_112 = arith.constant 16 : index
      %get3A_113 = tpu.vector_load %arg7[%get3A_111, %get3A_112] {strides = array<i32>} : memref<125x80xi32, #tpu.memory_space<vmem>>, vector<1x16xi32>,
      %get3A_114 = vector.shape_cast %get3A_113 : vector<1x16xi32> to vector<16xi32>
      %add3A_115 = arith.constant -5000 : i32
      %add3A_116 = vector.broadcast %add3A_115 : i32 to vector<16xi32>
      %add3A_117 = arith.addi %get3A_114, %add3A_116 : vector<16xi32>
      %ge3A_118 = arith.constant 0 : i32
      %ge3A_119 = vector.broadcast %ge3A_118 : i32 to vector<16xi32>
      %ge3A_120 = arith.cmpi sge, %add3A_117, %ge3A_119 : vector<16xi32>
      %lt3A_121 = arith.constant 5120 : i32
      %lt3A_122 = vector.broadcast %lt3A_121 : i32 to vector<16xi32>
      %lt3A_123 = arith.cmpi slt, %add3A_117, %lt3A_122 : vector<16xi32>
      %and3A_124 = arith.andi %ge3A_120, %lt3A_123 : vector<16xi1>
      %jit3A_125 = arith.constant 5119 : i32
      %broadcast_in_dim3A_126 = vector.broadcast %jit3A_125 : i32 to vector<16xi32>
      %select_n3A_127 = arith.select %and3A_124, %add3A_117, %broadcast_in_dim3A_126 : vector<16xi1>, vector<16xi32>
      %swap3A_128 = arith.index_cast %scan3A_95 : i32 to index
      %swap3A_129 = arith.constant 16 : index
      %swap3A_130 = tpu.vector_load %arg8[%swap3A_128, %swap3A_129] {strides = array<i32>} : memref<125x80xi32, #tpu.memory_space<vmem>>, vector<1x16xi32>,
      %swap3A_131 = vector.shape_cast %swap3A_130 : vector<1x16xi32> to vector<16xi32>
      %swap3A_132 = vector.shape_cast %select_n3A_127 : vector<16xi32> to vector<1x16xi32>
      tpu.vector_store %arg8[%swap3A_128, %swap3A_129], %swap3A_132 {strides = array<i32>} : memref<125x80xi32, #tpu.memory_space<vmem>>, vector<1x16xi32>,
      %get3A_133 = arith.index_cast %scan3A_95 : i32 to index
      %get3A_134 = arith.constant 32 : index
      %get3A_135 = tpu.vector_load %arg7[%get3A_133, %get3A_134] {strides = array<i32>} : memref<125x80xi32, #tpu.memory_space<vmem>>, vector<1x16xi32>,
      %get3A_136 = vector.shape_cast %get3A_135 : vector<1x16xi32> to vector<16xi32>
      %add3A_137 = arith.constant -5000 : i32
      %add3A_138 = vector.broadcast %add3A_137 : i32 to vector<16xi32>
      %add3A_139 = arith.addi %get3A_136, %add3A_138 : vector<16xi32>
      %ge3A_140 = arith.constant 0 : i32
      %ge3A_141 = vector.broadcast %ge3A_140 : i32 to vector<16xi32>
      %ge3A_142 = arith.cmpi sge, %add3A_139, %ge3A_141 : vector<16xi32>
      %lt3A_143 = arith.constant 5120 : i32
      %lt3A_144 = vector.broadcast %lt3A_143 : i32 to vector<16xi32>
      %lt3A_145 = arith.cmpi slt, %add3A_139, %lt3A_144 : vector<16xi32>
      %and3A_146 = arith.andi %ge3A_142, %lt3A_145 : vector<16xi1>
      %jit3A_147 = arith.constant 5119 : i32
      %broadcast_in_dim3A_148 = vector.broadcast %jit3A_147 : i32 to vector<16xi32>
      %select_n3A_149 = arith.select %and3A_146, %add3A_139, %broadcast_in_dim3A_148 : vector<16xi1>, vector<16xi32>
      %swap3A_150 = arith.index_cast %scan3A_95 : i32 to index
      %swap3A_151 = arith.constant 32 : index
      %swap3A_152 = tpu.vector_load %arg8[%swap3A_150, %swap3A_151] {strides = array<i32>} : memref<125x80xi32, #tpu.memory_space<vmem>>, vector<1x16xi32>,
      %swap3A_153 = vector.shape_cast %swap3A_152 : vector<1x16xi32> to vector<16xi32>
      %swap3A_154 = vector.shape_cast %select_n3A_149 : vector<16xi32> to vector<1x16xi32>
      tpu.vector_store %arg8[%swap3A_150, %swap3A_151], %swap3A_154 {strides = array<i32>} : memref<125x80xi32, #tpu.memory_space<vmem>>, vector<1x16xi32>,
      %get3A_155 = arith.index_cast %scan3A_95 : i32 to index
      %get3A_156 = arith.constant 48 : index
      %get3A_157 = tpu.vector_load %arg7[%get3A_155, %get3A_156] {strides = array<i32>} : memref<125x80xi32, #tpu.memory_space<vmem>>, vector<1x16xi32>,
      %get3A_158 = vector.shape_cast %get3A_157 : vector<1x16xi32> to vector<16xi32>
      %add3A_159 = arith.constant -5000 : i32
      %add3A_160 = vector.broadcast %add3A_159 : i32 to vector<16xi32>
      %add3A_161 = arith.addi %get3A_158, %add3A_160 : vector<16xi32>
      %ge3A_162 = arith.constant 0 : i32
      %ge3A_163 = vector.broadcast %ge3A_162 : i32 to vector<16xi32>
      %ge3A_164 = arith.cmpi sge, %add3A_161, %ge3A_163 : vector<16xi32>
      %lt3A_165 = arith.constant 5120 : i32
      %lt3A_166 = vector.broadcast %lt3A_165 : i32 to vector<16xi32>
      %lt3A_167 = arith.cmpi slt, %add3A_161, %lt3A_166 : vector<16xi32>
      %and3A_168 = arith.andi %ge3A_164, %lt3A_167 : vector<16xi1>
      %jit3A_169 = arith.constant 5119 : i32
      %broadcast_in_dim3A_170 = vector.broadcast %jit3A_169 : i32 to vector<16xi32>
      %select_n3A_171 = arith.select %and3A_168, %add3A_161, %broadcast_in_dim3A_170 : vector<16xi1>, vector<16xi32>
      %swap3A_172 = arith.index_cast %scan3A_95 : i32 to index
      %swap3A_173 = arith.constant 48 : index
      %swap3A_174 = tpu.vector_load %arg8[%swap3A_172, %swap3A_173] {strides = array<i32>} : memref<125x80xi32, #tpu.memory_space<vmem>>, vector<1x16xi32>,
      %swap3A_175 = vector.shape_cast %swap3A_174 : vector<1x16xi32> to vector<16xi32>
      %swap3A_176 = vector.shape_cast %select_n3A_171 : vector<16xi32> to vector<1x16xi32>
      tpu.vector_store %arg8[%swap3A_172, %swap3A_173], %swap3A_176 {strides = array<i32>} : memref<125x80xi32, #tpu.memory_space<vmem>>, vector<1x16xi32>,
      %get3A_177 = arith.index_cast %scan3A_95 : i32 to index
      %get3A_178 = arith.constant 64 : index
      %get3A_179 = tpu.vector_load %arg7[%get3A_177, %get3A_178] {strides = array<i32>} : memref<125x80xi32, #tpu.memory_space<vmem>>, vector<1x16xi32>,
      %get3A_180 = vector.shape_cast %get3A_179 : vector<1x16xi32> to vector<16xi32>
      %add3A_181 = arith.constant -5000 : i32
      %add3A_182 = vector.broadcast %add3A_181 : i32 to vector<16xi32>
      %add3A_183 = arith.addi %get3A_180, %add3A_182 : vector<16xi32>
      %ge3A_184 = arith.constant 0 : i32
      %ge3A_185 = vector.broadcast %ge3A_184 : i32 to vector<16xi32>
      %ge3A_186 = arith.cmpi sge, %add3A_183, %ge3A_185 : vector<16xi32>
      %lt3A_187 = arith.constant 5120 : i32
      %lt3A_188 = vector.broadcast %lt3A_187 : i32 to vector<16xi32>
      %lt3A_189 = arith.cmpi slt, %add3A_183, %lt3A_188 : vector<16xi32>
      %and3A_190 = arith.andi %ge3A_186, %lt3A_189 : vector<16xi1>
      %jit3A_191 = arith.constant 5119 : i32
      %broadcast_in_dim3A_192 = vector.broadcast %jit3A_191 : i32 to vector<16xi32>
      %select_n3A_193 = arith.select %and3A_190, %add3A_183, %broadcast_in_dim3A_192 : vector<16xi1>, vector<16xi32>
      %swap3A_194 = arith.index_cast %scan3A_95 : i32 to index
      %swap3A_195 = arith.constant 64 : index
      %swap3A_196 = tpu.vector_load %arg8[%swap3A_194, %swap3A_195] {strides = array<i32>} : memref<125x80xi32, #tpu.memory_space<vmem>>, vector<1x16xi32>,
      %swap3A_197 = vector.shape_cast %swap3A_196 : vector<1x16xi32> to vector<16xi32>
      %swap3A_198 = vector.shape_cast %select_n3A_193 : vector<16xi32> to vector<1x16xi32>
      tpu.vector_store %arg8[%swap3A_194, %swap3A_195], %swap3A_198 {strides = array<i32>} : memref<125x80xi32, #tpu.memory_space<vmem>>, vector<1x16xi32>,
      %scan3A_199 = arith.constant 0 : i32
      scf.yield %scan3A_199 : i32
    }
    %scan3A_55 = arith.constant 125 : i32
    %mul3A_56 = arith.constant 320 : i32
    %mul3A_57 = arith.muli %arg1, %mul3A_56 : i32
    %add3A_58 = arith.constant 0 : i32
    %add3A_59 = arith.addi %mul3A_57, %add3A_58 : i32
    "tpu.region"() ({
      %run_scoped3A_95 = tpu.sem_alloc : memref<!tpu.dma_semaphore, #tpu.memory_space<semaphore_mem>>
      %dma_start3A_96 = arith.constant 0 : i32
      %dma_start3A_97 = tpu.memref_slice %arg12[%add3A_59, %dma_start3A_96] : memref<5120x128xf32, #tpu.memory_space<vmem_shared>> -> memref<160x128xf32, #tpu.memory_space<vmem_shared>>
      %dma_start3A_98 = arith.constant 0 : i32
      %dma_start3A_99 = tpu.memref_slice %arg12[%add3A_59, %dma_start3A_98] : memref<5120x128xf32, #tpu.memory_space<vmem_shared>> -> memref<160x128xf32, #tpu.memory_space<vmem_shared>>
      tpu.enqueue_dma source(%arg11 : memref<160x128xf32, #tpu.memory_space<vmem>>) target(%dma_start3A_99 : memref<160x128xf32, #tpu.memory_space<vmem_shared>>) target_semaphore(%run_scoped3A_95 : memref<!tpu.dma_semaphore, #tpu.memory_space<semaphore_mem>>)
      %dma_wait3A_100 = arith.constant 0 : i32
      %dma_wait3A_101 = tpu.memref_slice %arg12[%add3A_59, %dma_wait3A_100] : memref<5120x128xf32, #tpu.memory_space<vmem_shared>> -> memref<160x128xf32, #tpu.memory_space<vmem_shared>>
      %dma_wait3A_102 = arith.constant 0 : i32
      %dma_wait3A_103 = tpu.memref_slice %arg12[%add3A_59, %dma_wait3A_102] : memref<5120x128xf32, #tpu.memory_space<vmem_shared>> -> memref<160x128xf32, #tpu.memory_space<vmem_shared>>
      tpu.wait_dma2 semaphore(%run_scoped3A_95 : memref<!tpu.dma_semaphore, #tpu.memory_space<semaphore_mem>>) src(%arg11 : memref<160x128xf32, #tpu.memory_space<vmem>>) dst(%dma_wait3A_103 : memref<160x128xf32, #tpu.memory_space<vmem_shared>>)
      tpu.yield
    }) : () -> ()
    %mul3A_60 = arith.constant 320 : i32
    %mul3A_61 = arith.muli %arg1, %mul3A_60 : i32
    %add3A_62 = arith.constant 160 : i32
    %add3A_63 = arith.addi %mul3A_61, %add3A_62 : i32
    "tpu.region"() ({
      %run_scoped3A_95 = tpu.sem_alloc : memref<!tpu.dma_semaphore, #tpu.memory_space<semaphore_mem>>
      %dma_start3A_96 = arith.constant 0 : i32
      %dma_start3A_97 = tpu.memref_slice %arg12[%add3A_63, %dma_start3A_96] : memref<5120x128xf32, #tpu.memory_space<vmem_shared>> -> memref<160x128xf32, #tpu.memory_space<vmem_shared>>
      %dma_start3A_98 = arith.constant 0 : i32
      %dma_start3A_99 = tpu.memref_slice %arg12[%add3A_63, %dma_start3A_98] : memref<5120x128xf32, #tpu.memory_space<vmem_shared>> -> memref<160x128xf32, #tpu.memory_space<vmem_shared>>
      tpu.enqueue_dma source(%arg11 : memref<160x128xf32, #tpu.memory_space<vmem>>) target(%dma_start3A_99 : memref<160x128xf32, #tpu.memory_space<vmem_shared>>) target_semaphore(%run_scoped3A_95 : memref<!tpu.dma_semaphore, #tpu.memory_space<semaphore_mem>>)
      %dma_wait3A_100 = arith.constant 0 : i32
      %dma_wait3A_101 = tpu.memref_slice %arg12[%add3A_63, %dma_wait3A_100] : memref<5120x128xf32, #tpu.memory_space<vmem_shared>> -> memref<160x128xf32, #tpu.memory_space<vmem_shared>>
      %dma_wait3A_102 = arith.constant 0 : i32
      %dma_wait3A_103 = tpu.memref_slice %arg12[%add3A_63, %dma_wait3A_102] : memref<5120x128xf32, #tpu.memory_space<vmem_shared>> -> memref<160x128xf32, #tpu.memory_space<vmem_shared>>
      tpu.wait_dma2 semaphore(%run_scoped3A_95 : memref<!tpu.dma_semaphore, #tpu.memory_space<semaphore_mem>>) src(%arg11 : memref<160x128xf32, #tpu.memory_space<vmem>>) dst(%dma_wait3A_103 : memref<160x128xf32, #tpu.memory_space<vmem_shared>>)
      tpu.yield
    }) : () -> ()
    %barrier3A_64 = arith.constant 0 : index
    tpu.barrier barrier_id(%barrier3A_64)
    %dma_start3A_65 = arith.constant 0 : i32
    %dma_start3A_66 = arith.constant 0 : i32
    %dma_start3A_67 = tpu.memref_slice %arg6[%dma_start3A_65, %dma_start3A_66] : memref<125x80xi32, #tpu.memory_space<vmem>> -> memref<1x80xi32, #tpu.memory_space<vmem>>
    %dma_start3A_68 = tpu.memref_squeeze %dma_start3A_67 : memref<1x80xi32, #tpu.memory_space<vmem>> -> memref<80xi32, #tpu.memory_space<vmem>>
    %dma_start3A_69 = arith.constant 0 : i32
    %dma_start3A_70 = arith.constant 0 : i32
    %dma_start3A_71 = tpu.memref_slice %arg2[%dma_start3A_69, %dma_start3A_70] : memref<10000x128xf32, #tpu.memory_space<hbm>> -> memref<10000x128xf32, #tpu.memory_space<hbm>>
    tpu.enqueue_indirect_dma source(%dma_start3A_71 : memref<10000x128xf32, #tpu.memory_space<hbm>>) target(%arg9 : memref<80x128xf32, #tpu.memory_space<vmem>>) offsets(%dma_start3A_68 : memref<80xi32, #tpu.memory_space<vmem>>) semaphore(%arg13 : memref<!tpu.dma_semaphore, #tpu.memory_space<semaphore_mem>>)
    %scan3A_72 = arith.constant 0 : i32
    %scan3A_73 = arith.constant 0 : i32
    %scan3A_74 = arith.constant 62 : i32
    %scan3A_75 = arith.addi %scan3A_73, %scan3A_74 : i32
    %scan3A_76 = arith.constant 1 : i32
    %scan3A_77 = scf.for %scan3A_95 = %scan3A_73 to %scan3A_75 step %scan3A_76 iter_args(%scan3A_96 = %scan3A_72) -> (i32)  : i32 {
      %mul3A_97 = arith.constant 2 : i32
      %mul3A_98 = arith.muli %mul3A_97, %scan3A_95 : i32
      %dma_wait3A_99 = arith.constant 0 : i32
      %dma_wait3A_100 = tpu.memref_slice %arg6[%mul3A_98, %dma_wait3A_99] : memref<125x80xi32, #tpu.memory_space<vmem>> -> memref<1x80xi32, #tpu.memory_space<vmem>>
      %dma_wait3A_101 = tpu.memref_squeeze %dma_wait3A_100 : memref<1x80xi32, #tpu.memory_space<vmem>> -> memref<80xi32, #tpu.memory_space<vmem>>
      %dma_wait3A_102 = arith.constant 0 : i32
      %dma_wait3A_103 = arith.constant 0 : i32
      %dma_wait3A_104 = tpu.memref_slice %arg2[%dma_wait3A_102, %dma_wait3A_103] : memref<10000x128xf32, #tpu.memory_space<hbm>> -> memref<10000x128xf32, #tpu.memory_space<hbm>>
      tpu.wait_indirect_dma semaphore(%arg13 : memref<!tpu.dma_semaphore, #tpu.memory_space<semaphore_mem>>) src(%dma_wait3A_104 : memref<10000x128xf32, #tpu.memory_space<hbm>>) dst(%arg9 : memref<80x128xf32, #tpu.memory_space<vmem>>)
      %add3A_105 = arith.constant 1 : i32
      %add3A_106 = arith.addi %mul3A_98, %add3A_105 : i32
      %dma_start3A_107 = arith.constant 0 : i32
      %dma_start3A_108 = tpu.memref_slice %arg6[%add3A_106, %dma_start3A_107] : memref<125x80xi32, #tpu.memory_space<vmem>> -> memref<1x80xi32, #tpu.memory_space<vmem>>
      %dma_start3A_109 = tpu.memref_squeeze %dma_start3A_108 : memref<1x80xi32, #tpu.memory_space<vmem>> -> memref<80xi32, #tpu.memory_space<vmem>>
      %dma_start3A_110 = arith.constant 0 : i32
      %dma_start3A_111 = arith.constant 0 : i32
      %dma_start3A_112 = tpu.memref_slice %arg2[%dma_start3A_110, %dma_start3A_111] : memref<10000x128xf32, #tpu.memory_space<hbm>> -> memref<10000x128xf32, #tpu.memory_space<hbm>>
      tpu.enqueue_indirect_dma source(%dma_start3A_112 : memref<10000x128xf32, #tpu.memory_space<hbm>>) target(%arg10 : memref<80x128xf32, #tpu.memory_space<vmem>>) offsets(%dma_start3A_109 : memref<80xi32, #tpu.memory_space<vmem>>) semaphore(%arg14 : memref<!tpu.dma_semaphore, #tpu.memory_space<semaphore_mem>>)
      "tpu.region"() ({
        %run_scoped3A_132 = tpu.sem_alloc : memref<!tpu.dma_semaphore, #tpu.memory_space<semaphore_mem>>
        %dma_start3A_133 = arith.constant 0 : i32
        %dma_start3A_134 = tpu.memref_slice %arg8[%mul3A_98, %dma_start3A_133] : memref<125x80xi32, #tpu.memory_space<vmem>> -> memref<1x80xi32, #tpu.memory_space<vmem>>
        %dma_start3A_135 = tpu.memref_squeeze %dma_start3A_134 : memref<1x80xi32, #tpu.memory_space<vmem>> -> memref<80xi32, #tpu.memory_space<vmem>>
        %dma_start3A_136 = arith.constant 0 : i32
        %dma_start3A_137 = arith.constant 0 : i32
        %dma_start3A_138 = tpu.memref_slice %arg12[%dma_start3A_136, %dma_start3A_137] : memref<5120x128xf32, #tpu.memory_space<vmem_shared>> -> memref<5120x128xf32, #tpu.memory_space<vmem_shared>>
        tpu.enqueue_indirect_dma source(%arg9 : memref<80x128xf32, #tpu.memory_space<vmem>>) target(%dma_start3A_138 : memref<5120x128xf32, #tpu.memory_space<vmem_shared>>) offsets(%dma_start3A_135 : memref<80xi32, #tpu.memory_space<vmem>>) semaphore(%run_scoped3A_132 : memref<!tpu.dma_semaphore, #tpu.memory_space<semaphore_mem>>) {add = true}
        %dma_wait3A_139 = arith.constant 0 : i32
        %dma_wait3A_140 = tpu.memref_slice %arg8[%mul3A_98, %dma_wait3A_139] : memref<125x80xi32, #tpu.memory_space<vmem>> -> memref<1x80xi32, #tpu.memory_space<vmem>>
        %dma_wait3A_141 = tpu.memref_squeeze %dma_wait3A_140 : memref<1x80xi32, #tpu.memory_space<vmem>> -> memref<80xi32, #tpu.memory_space<vmem>>
        %dma_wait3A_142 = arith.constant 0 : i32
        %dma_wait3A_143 = arith.constant 0 : i32
        %dma_wait3A_144 = tpu.memref_slice %arg12[%dma_wait3A_142, %dma_wait3A_143] : memref<5120x128xf32, #tpu.memory_space<vmem_shared>> -> memref<5120x128xf32, #tpu.memory_space<vmem_shared>>
        tpu.wait_indirect_dma semaphore(%run_scoped3A_132 : memref<!tpu.dma_semaphore, #tpu.memory_space<semaphore_mem>>) src(%arg9 : memref<80x128xf32, #tpu.memory_space<vmem>>) dst(%dma_wait3A_144 : memref<5120x128xf32, #tpu.memory_space<vmem_shared>>)
        tpu.yield
      }) : () -> ()
      %add3A_113 = arith.constant 1 : i32
      %add3A_114 = arith.addi %mul3A_98, %add3A_113 : i32
      %dma_wait3A_115 = arith.constant 0 : i32
      %dma_wait3A_116 = tpu.memref_slice %arg6[%add3A_114, %dma_wait3A_115] : memref<125x80xi32, #tpu.memory_space<vmem>> -> memref<1x80xi32, #tpu.memory_space<vmem>>
      %dma_wait3A_117 = tpu.memref_squeeze %dma_wait3A_116 : memref<1x80xi32, #tpu.memory_space<vmem>> -> memref<80xi32, #tpu.memory_space<vmem>>
      %dma_wait3A_118 = arith.constant 0 : i32
      %dma_wait3A_119 = arith.constant 0 : i32
      %dma_wait3A_120 = tpu.memref_slice %arg2[%dma_wait3A_118, %dma_wait3A_119] : memref<10000x128xf32, #tpu.memory_space<hbm>> -> memref<10000x128xf32, #tpu.memory_space<hbm>>
      tpu.wait_indirect_dma semaphore(%arg14 : memref<!tpu.dma_semaphore, #tpu.memory_space<semaphore_mem>>) src(%dma_wait3A_120 : memref<10000x128xf32, #tpu.memory_space<hbm>>) dst(%arg10 : memref<80x128xf32, #tpu.memory_space<vmem>>)
      %add3A_121 = arith.constant 2 : i32
      %add3A_122 = arith.addi %mul3A_98, %add3A_121 : i32
      %dma_start3A_123 = arith.constant 0 : i32
      %dma_start3A_124 = tpu.memref_slice %arg6[%add3A_122, %dma_start3A_123] : memref<125x80xi32, #tpu.memory_space<vmem>> -> memref<1x80xi32, #tpu.memory_space<vmem>>
      %dma_start3A_125 = tpu.memref_squeeze %dma_start3A_124 : memref<1x80xi32, #tpu.memory_space<vmem>> -> memref<80xi32, #tpu.memory_space<vmem>>
      %dma_start3A_126 = arith.constant 0 : i32
      %dma_start3A_127 = arith.constant 0 : i32
      %dma_start3A_128 = tpu.memref_slice %arg2[%dma_start3A_126, %dma_start3A_127] : memref<10000x128xf32, #tpu.memory_space<hbm>> -> memref<10000x128xf32, #tpu.memory_space<hbm>>
      tpu.enqueue_indirect_dma source(%dma_start3A_128 : memref<10000x128xf32, #tpu.memory_space<hbm>>) target(%arg9 : memref<80x128xf32, #tpu.memory_space<vmem>>) offsets(%dma_start3A_125 : memref<80xi32, #tpu.memory_space<vmem>>) semaphore(%arg13 : memref<!tpu.dma_semaphore, #tpu.memory_space<semaphore_mem>>)
      %add3A_129 = arith.constant 1 : i32
      %add3A_130 = arith.addi %mul3A_98, %add3A_129 : i32
      "tpu.region"() ({
        %run_scoped3A_132 = tpu.sem_alloc : memref<!tpu.dma_semaphore, #tpu.memory_space<semaphore_mem>>
        %dma_start3A_133 = arith.constant 0 : i32
        %dma_start3A_134 = tpu.memref_slice %arg8[%add3A_130, %dma_start3A_133] : memref<125x80xi32, #tpu.memory_space<vmem>> -> memref<1x80xi32, #tpu.memory_space<vmem>>
        %dma_start3A_135 = tpu.memref_squeeze %dma_start3A_134 : memref<1x80xi32, #tpu.memory_space<vmem>> -> memref<80xi32, #tpu.memory_space<vmem>>
        %dma_start3A_136 = arith.constant 0 : i32
        %dma_start3A_137 = arith.constant 0 : i32
        %dma_start3A_138 = tpu.memref_slice %arg12[%dma_start3A_136, %dma_start3A_137] : memref<5120x128xf32, #tpu.memory_space<vmem_shared>> -> memref<5120x128xf32, #tpu.memory_space<vmem_shared>>
        tpu.enqueue_indirect_dma source(%arg10 : memref<80x128xf32, #tpu.memory_space<vmem>>) target(%dma_start3A_138 : memref<5120x128xf32, #tpu.memory_space<vmem_shared>>) offsets(%dma_start3A_135 : memref<80xi32, #tpu.memory_space<vmem>>) semaphore(%run_scoped3A_132 : memref<!tpu.dma_semaphore, #tpu.memory_space<semaphore_mem>>) {add = true}
        %dma_wait3A_139 = arith.constant 0 : i32
        %dma_wait3A_140 = tpu.memref_slice %arg8[%add3A_130, %dma_wait3A_139] : memref<125x80xi32, #tpu.memory_space<vmem>> -> memref<1x80xi32, #tpu.memory_space<vmem>>
        %dma_wait3A_141 = tpu.memref_squeeze %dma_wait3A_140 : memref<1x80xi32, #tpu.memory_space<vmem>> -> memref<80xi32, #tpu.memory_space<vmem>>
        %dma_wait3A_142 = arith.constant 0 : i32
        %dma_wait3A_143 = arith.constant 0 : i32
        %dma_wait3A_144 = tpu.memref_slice %arg12[%dma_wait3A_142, %dma_wait3A_143] : memref<5120x128xf32, #tpu.memory_space<vmem_shared>> -> memref<5120x128xf32, #tpu.memory_space<vmem_shared>>
        tpu.wait_indirect_dma semaphore(%run_scoped3A_132 : memref<!tpu.dma_semaphore, #tpu.memory_space<semaphore_mem>>) src(%arg10 : memref<80x128xf32, #tpu.memory_space<vmem>>) dst(%dma_wait3A_144 : memref<5120x128xf32, #tpu.memory_space<vmem_shared>>)
        tpu.yield
      }) : () -> ()
      %scan3A_131 = arith.constant 0 : i32
      scf.yield %scan3A_131 : i32
    }
    %scan3A_78 = arith.constant 62 : i32
    %dma_wait3A_79 = arith.constant 124 : i32
    %dma_wait3A_80 = arith.constant 0 : i32
    %dma_wait3A_81 = tpu.memref_slice %arg6[%dma_wait3A_79, %dma_wait3A_80] : memref<125x80xi32, #tpu.memory_space<vmem>> -> memref<1x80xi32, #tpu.memory_space<vmem>>
    %dma_wait3A_82 = tpu.memref_squeeze %dma_wait3A_81 : memref<1x80xi32, #tpu.memory_space<vmem>> -> memref<80xi32, #tpu.memory_space<vmem>>
    %dma_wait3A_83 = arith.constant 0 : i32
    %dma_wait3A_84 = arith.constant 0 : i32
    %dma_wait3A_85 = tpu.memref_slice %arg2[%dma_wait3A_83, %dma_wait3A_84] : memref<10000x128xf32, #tpu.memory_space<hbm>> -> memref<10000x128xf32, #tpu.memory_space<hbm>>
    tpu.wait_indirect_dma semaphore(%arg13 : memref<!tpu.dma_semaphore, #tpu.memory_space<semaphore_mem>>) src(%dma_wait3A_85 : memref<10000x128xf32, #tpu.memory_space<hbm>>) dst(%arg9 : memref<80x128xf32, #tpu.memory_space<vmem>>)
    %run_scoped3A_86 = arith.constant 124 : i32
    "tpu.region"() ({
      %run_scoped3A_95 = tpu.sem_alloc : memref<!tpu.dma_semaphore, #tpu.memory_space<semaphore_mem>>
      %dma_start3A_96 = arith.constant 0 : i32
      %dma_start3A_97 = tpu.memref_slice %arg8[%run_scoped3A_86, %dma_start3A_96] : memref<125x80xi32, #tpu.memory_space<vmem>> -> memref<1x80xi32, #tpu.memory_space<vmem>>
      %dma_start3A_98 = tpu.memref_squeeze %dma_start3A_97 : memref<1x80xi32, #tpu.memory_space<vmem>> -> memref<80xi32, #tpu.memory_space<vmem>>
      %dma_start3A_99 = arith.constant 0 : i32
      %dma_start3A_100 = arith.constant 0 : i32
      %dma_start3A_101 = tpu.memref_slice %arg12[%dma_start3A_99, %dma_start3A_100] : memref<5120x128xf32, #tpu.memory_space<vmem_shared>> -> memref<5120x128xf32, #tpu.memory_space<vmem_shared>>
      tpu.enqueue_indirect_dma source(%arg9 : memref<80x128xf32, #tpu.memory_space<vmem>>) target(%dma_start3A_101 : memref<5120x128xf32, #tpu.memory_space<vmem_shared>>) offsets(%dma_start3A_98 : memref<80xi32, #tpu.memory_space<vmem>>) semaphore(%run_scoped3A_95 : memref<!tpu.dma_semaphore, #tpu.memory_space<semaphore_mem>>) {add = true}
      %dma_wait3A_102 = arith.constant 0 : i32
      %dma_wait3A_103 = tpu.memref_slice %arg8[%run_scoped3A_86, %dma_wait3A_102] : memref<125x80xi32, #tpu.memory_space<vmem>> -> memref<1x80xi32, #tpu.memory_space<vmem>>
      %dma_wait3A_104 = tpu.memref_squeeze %dma_wait3A_103 : memref<1x80xi32, #tpu.memory_space<vmem>> -> memref<80xi32, #tpu.memory_space<vmem>>
      %dma_wait3A_105 = arith.constant 0 : i32
      %dma_wait3A_106 = arith.constant 0 : i32
      %dma_wait3A_107 = tpu.memref_slice %arg12[%dma_wait3A_105, %dma_wait3A_106] : memref<5120x128xf32, #tpu.memory_space<vmem_shared>> -> memref<5120x128xf32, #tpu.memory_space<vmem_shared>>
      tpu.wait_indirect_dma semaphore(%run_scoped3A_95 : memref<!tpu.dma_semaphore, #tpu.memory_space<semaphore_mem>>) src(%arg9 : memref<80x128xf32, #tpu.memory_space<vmem>>) dst(%dma_wait3A_107 : memref<5120x128xf32, #tpu.memory_space<vmem_shared>>)
      tpu.yield
    }) : () -> ()
    %barrier3A_87 = arith.constant 0 : index
    tpu.barrier barrier_id(%barrier3A_87)
    %mul3A_88 = arith.constant 320 : i32
    %mul3A_89 = arith.muli %arg1, %mul3A_88 : i32
    %mul3A_90 = arith.constant 320 : i32
    %mul3A_91 = arith.muli %arg1, %mul3A_90 : i32
    %add3A_92 = arith.constant 5120 : i32
    %add3A_93 = arith.addi %add3A_92, %mul3A_91 : i32
    "tpu.region"() ({
      %run_scoped3A_95 = tpu.sem_alloc : memref<!tpu.dma_semaphore, #tpu.memory_space<semaphore_mem>>
      %dma_start3A_96 = arith.constant 0 : i32
      %dma_start3A_97 = tpu.memref_slice %arg5[%arg0, %add3A_93, %dma_start3A_96] : memref<2x10240x128xf32, #tpu.memory_space<hbm>> -> memref<1x320x128xf32, #tpu.memory_space<hbm>>
      %dma_start3A_98 = tpu.memref_squeeze %dma_start3A_97 : memref<1x320x128xf32, #tpu.memory_space<hbm>> -> memref<320x128xf32, #tpu.memory_space<hbm>>
      %dma_start3A_99 = arith.constant 0 : i32
      %dma_start3A_100 = tpu.memref_slice %arg12[%mul3A_89, %dma_start3A_99] : memref<5120x128xf32, #tpu.memory_space<vmem_shared>> -> memref<320x128xf32, #tpu.memory_space<vmem_shared>>
      tpu.enqueue_dma source(%dma_start3A_100 : memref<320x128xf32, #tpu.memory_space<vmem_shared>>) target(%dma_start3A_98 : memref<320x128xf32, #tpu.memory_space<hbm>>) target_semaphore(%run_scoped3A_95 : memref<!tpu.dma_semaphore, #tpu.memory_space<semaphore_mem>>)
      %dma_wait3A_101 = arith.constant 0 : i32
      %dma_wait3A_102 = tpu.memref_slice %arg5[%arg0, %add3A_93, %dma_wait3A_101] : memref<2x10240x128xf32, #tpu.memory_space<hbm>> -> memref<1x320x128xf32, #tpu.memory_space<hbm>>
      %dma_wait3A_103 = tpu.memref_squeeze %dma_wait3A_102 : memref<1x320x128xf32, #tpu.memory_space<hbm>> -> memref<320x128xf32, #tpu.memory_space<hbm>>
      %dma_wait3A_104 = arith.constant 0 : i32
      %dma_wait3A_105 = tpu.memref_slice %arg12[%mul3A_89, %dma_wait3A_104] : memref<5120x128xf32, #tpu.memory_space<vmem_shared>> -> memref<320x128xf32, #tpu.memory_space<vmem_shared>>
      tpu.wait_dma2 semaphore(%run_scoped3A_95 : memref<!tpu.dma_semaphore, #tpu.memory_space<semaphore_mem>>) src(%dma_wait3A_105 : memref<320x128xf32, #tpu.memory_space<vmem_shared>>) dst(%dma_wait3A_103 : memref<320x128xf32, #tpu.memory_space<hbm>>)
      tpu.yield
    }) : () -> ()
    %barrier3A_94 = arith.constant 0 : index
    tpu.barrier barrier_id(%barrier3A_94)
    return
  }
}

#map = affine_map<(d0, d1) -> (0, 0)>
#map1 = affine_map<(d0, d1) -> (0, 0, 0)>
module attributes {stable_mosaic.version = 14 : i64} {
  func.func @_sc_scatter(%arg0: i32, %arg1: i32, %arg2: memref<10000x128xf32, #tpu.memory_space<hbm>>, %arg3: memref<32x125x80xi32, #tpu.memory_space<hbm>>, %arg4: memref<32x125x80xi32, #tpu.memory_space<hbm>>, %arg5: memref<2x10240x128xf32, #tpu.memory_space<hbm>>, %arg6: memref<125x80xi32, #tpu.memory_space<vmem>>, %arg7: memref<125x80xi32, #tpu.memory_space<vmem>>, %arg8: memref<125x80xi32, #tpu.memory_space<vmem>>, %arg9: memref<80x128xf32, #tpu.memory_space<vmem>>, %arg10: memref<80x128xf32, #tpu.memory_space<vmem>>, %arg11: memref<160x128xf32, #tpu.memory_space<vmem>>, %arg12: memref<5120x128xf32, #tpu.memory_space<vmem_shared>>, %arg13: memref<!tpu.dma_semaphore, #tpu.memory_space<semaphore_mem>>, %arg14: memref<!tpu.dma_semaphore, #tpu.memory_space<semaphore_mem>>) attributes {dimension_semantics = [#tpu.dimension_semantics<core_parallel>, #tpu.dimension_semantics<subcore_parallel>], iteration_bounds = array<i64: 2, 16>, scalar_prefetch = 0 : i64, scratch_operands = 9 : i64, tpu.core_type = #tpu.core_type<sc_vector_subcore>, window_params = [{transform_indices = #map}, {transform_indices = #map1}, {transform_indices = #map1}, {transform_indices = #map1}]} {
    %mul3A = arith.constant 16 : i32
    %mul3A_0 = arith.muli %arg0, %mul3A : i32
    %add3A = arith.addi %mul3A_0, %arg1 : i32
    %scan3A = arith.constant 0 : i32
    %scan3A_1 = arith.constant 0 : i32
    %scan3A_2 = arith.constant 160 : i32
    %scan3A_3 = arith.addi %scan3A_1, %scan3A_2 : i32
    %scan3A_4 = arith.constant 1 : i32
    %scan3A_5 = scf.for %scan3A_95 = %scan3A_1 to %scan3A_3 step %scan3A_4 iter_args(%scan3A_96 = %scan3A) -> (i32)  : i32 {
      %broadcast_in_dim3A = arith.constant 0.000000e+00 : f32
      %broadcast_in_dim3A_97 = vector.broadcast %broadcast_in_dim3A : f32 to vector<16xf32>
      %swap3A = arith.index_cast %scan3A_95 : i32 to index
      %swap3A_98 = arith.constant 0 : index
      %swap3A_99 = tpu.vector_load %arg11[%swap3A, %swap3A_98] {strides = array<i32>} : memref<160x128xf32, #tpu.memory_space<vmem>>, vector<1x16xf32>,
      %swap3A_100 = vector.shape_cast %swap3A_99 : vector<1x16xf32> to vector<16xf32>
      %swap3A_101 = vector.shape_cast %broadcast_in_dim3A_97 : vector<16xf32> to vector<1x16xf32>
      tpu.vector_store %arg11[%swap3A, %swap3A_98], %swap3A_101 {strides = array<i32>} : memref<160x128xf32, #tpu.memory_space<vmem>>, vector<1x16xf32>,
      %broadcast_in_dim3A_102 = arith.constant 0.000000e+00 : f32
      %broadcast_in_dim3A_103 = vector.broadcast %broadcast_in_dim3A_102 : f32 to vector<16xf32>
      %swap3A_104 = arith.index_cast %scan3A_95 : i32 to index
      %swap3A_105 = arith.constant 16 : index
      %swap3A_106 = tpu.vector_load %arg11[%swap3A_104, %swap3A_105] {strides = array<i32>} : memref<160x128xf32, #tpu.memory_space<vmem>>, vector<1x16xf32>,
      %swap3A_107 = vector.shape_cast %swap3A_106 : vector<1x16xf32> to vector<16xf32>
      %swap3A_108 = vector.shape_cast %broadcast_in_dim3A_103 : vector<16xf32> to vector<1x16xf32>
      tpu.vector_store %arg11[%swap3A_104, %swap3A_105], %swap3A_108 {strides = array<i32>} : memref<160x128xf32, #tpu.memory_space<vmem>>, vector<1x16xf32>,
      %broadcast_in_dim3A_109 = arith.constant 0.000000e+00 : f32
      %broadcast_in_dim3A_110 = vector.broadcast %broadcast_in_dim3A_109 : f32 to vector<16xf32>
      %swap3A_111 = arith.index_cast %scan3A_95 : i32 to index
      %swap3A_112 = arith.constant 32 : index
      %swap3A_113 = tpu.vector_load %arg11[%swap3A_111, %swap3A_112] {strides = array<i32>} : memref<160x128xf32, #tpu.memory_space<vmem>>, vector<1x16xf32>,
      %swap3A_114 = vector.shape_cast %swap3A_113 : vector<1x16xf32> to vector<16xf32>
      %swap3A_115 = vector.shape_cast %broadcast_in_dim3A_110 : vector<16xf32> to vector<1x16xf32>
      tpu.vector_store %arg11[%swap3A_111, %swap3A_112], %swap3A_115 {strides = array<i32>} : memref<160x128xf32, #tpu.memory_space<vmem>>, vector<1x16xf32>,
      %broadcast_in_dim3A_116 = arith.constant 0.000000e+00 : f32
      %broadcast_in_dim3A_117 = vector.broadcast %broadcast_in_dim3A_116 : f32 to vector<16xf32>
      %swap3A_118 = arith.index_cast %scan3A_95 : i32 to index
      %swap3A_119 = arith.constant 48 : index
      %swap3A_120 = tpu.vector_load %arg11[%swap3A_118, %swap3A_119] {strides = array<i32>} : memref<160x128xf32, #tpu.memory_space<vmem>>, vector<1x16xf32>,
      %swap3A_121 = vector.shape_cast %swap3A_120 : vector<1x16xf32> to vector<16xf32>
      %swap3A_122 = vector.shape_cast %broadcast_in_dim3A_117 : vector<16xf32> to vector<1x16xf32>
      tpu.vector_store %arg11[%swap3A_118, %swap3A_119], %swap3A_122 {strides = array<i32>} : memref<160x128xf32, #tpu.memory_space<vmem>>, vector<1x16xf32>,
      %broadcast_in_dim3A_123 = arith.constant 0.000000e+00 : f32
      %broadcast_in_dim3A_124 = vector.broadcast %broadcast_in_dim3A_123 : f32 to vector<16xf32>
      %swap3A_125 = arith.index_cast %scan3A_95 : i32 to index
      %swap3A_126 = arith.constant 64 : index
      %swap3A_127 = tpu.vector_load %arg11[%swap3A_125, %swap3A_126] {strides = array<i32>} : memref<160x128xf32, #tpu.memory_space<vmem>>, vector<1x16xf32>,
      %swap3A_128 = vector.shape_cast %swap3A_127 : vector<1x16xf32> to vector<16xf32>
      %swap3A_129 = vector.shape_cast %broadcast_in_dim3A_124 : vector<16xf32> to vector<1x16xf32>
      tpu.vector_store %arg11[%swap3A_125, %swap3A_126], %swap3A_129 {strides = array<i32>} : memref<160x128xf32, #tpu.memory_space<vmem>>, vector<1x16xf32>,
      %broadcast_in_dim3A_130 = arith.constant 0.000000e+00 : f32
      %broadcast_in_dim3A_131 = vector.broadcast %broadcast_in_dim3A_130 : f32 to vector<16xf32>
      %swap3A_132 = arith.index_cast %scan3A_95 : i32 to index
      %swap3A_133 = arith.constant 80 : index
      %swap3A_134 = tpu.vector_load %arg11[%swap3A_132, %swap3A_133] {strides = array<i32>} : memref<160x128xf32, #tpu.memory_space<vmem>>, vector<1x16xf32>,
      %swap3A_135 = vector.shape_cast %swap3A_134 : vector<1x16xf32> to vector<16xf32>
      %swap3A_136 = vector.shape_cast %broadcast_in_dim3A_131 : vector<16xf32> to vector<1x16xf32>
      tpu.vector_store %arg11[%swap3A_132, %swap3A_133], %swap3A_136 {strides = array<i32>} : memref<160x128xf32, #tpu.memory_space<vmem>>, vector<1x16xf32>,
      %broadcast_in_dim3A_137 = arith.constant 0.000000e+00 : f32
      %broadcast_in_dim3A_138 = vector.broadcast %broadcast_in_dim3A_137 : f32 to vector<16xf32>
      %swap3A_139 = arith.index_cast %scan3A_95 : i32 to index
      %swap3A_140 = arith.constant 96 : index
      %swap3A_141 = tpu.vector_load %arg11[%swap3A_139, %swap3A_140] {strides = array<i32>} : memref<160x128xf32, #tpu.memory_space<vmem>>, vector<1x16xf32>,
      %swap3A_142 = vector.shape_cast %swap3A_141 : vector<1x16xf32> to vector<16xf32>
      %swap3A_143 = vector.shape_cast %broadcast_in_dim3A_138 : vector<16xf32> to vector<1x16xf32>
      tpu.vector_store %arg11[%swap3A_139, %swap3A_140], %swap3A_143 {strides = array<i32>} : memref<160x128xf32, #tpu.memory_space<vmem>>, vector<1x16xf32>,
      %broadcast_in_dim3A_144 = arith.constant 0.000000e+00 : f32
      %broadcast_in_dim3A_145 = vector.broadcast %broadcast_in_dim3A_144 : f32 to vector<16xf32>
      %swap3A_146 = arith.index_cast %scan3A_95 : i32 to index
      %swap3A_147 = arith.constant 112 : index
      %swap3A_148 = tpu.vector_load %arg11[%swap3A_146, %swap3A_147] {strides = array<i32>} : memref<160x128xf32, #tpu.memory_space<vmem>>, vector<1x16xf32>,
      %swap3A_149 = vector.shape_cast %swap3A_148 : vector<1x16xf32> to vector<16xf32>
      %swap3A_150 = vector.shape_cast %broadcast_in_dim3A_145 : vector<16xf32> to vector<1x16xf32>
      tpu.vector_store %arg11[%swap3A_146, %swap3A_147], %swap3A_150 {strides = array<i32>} : memref<160x128xf32, #tpu.memory_space<vmem>>, vector<1x16xf32>,
      %scan3A_151 = arith.constant 0 : i32
      scf.yield %scan3A_151 : i32
    }
    %scan3A_6 = arith.constant 160 : i32
    "tpu.region"() ({
      %run_scoped3A_95 = tpu.sem_alloc : memref<!tpu.dma_semaphore, #tpu.memory_space<semaphore_mem>>
      %dma_start3A_96 = arith.constant 0 : i32
      %dma_start3A_97 = arith.constant 0 : i32
      %dma_start3A_98 = tpu.memref_slice %arg3[%add3A, %dma_start3A_96, %dma_start3A_97] : memref<32x125x80xi32, #tpu.memory_space<hbm>> -> memref<1x125x80xi32, #tpu.memory_space<hbm>>
      %dma_start3A_99 = tpu.memref_squeeze %dma_start3A_98 : memref<1x125x80xi32, #tpu.memory_space<hbm>> -> memref<125x80xi32, #tpu.memory_space<hbm>>
      %dma_start3A_100 = arith.constant 0 : i32
      %dma_start3A_101 = arith.constant 0 : i32
      %dma_start3A_102 = tpu.memref_slice %arg3[%add3A, %dma_start3A_100, %dma_start3A_101] : memref<32x125x80xi32, #tpu.memory_space<hbm>> -> memref<1x125x80xi32, #tpu.memory_space<hbm>>
      %dma_start3A_103 = tpu.memref_squeeze %dma_start3A_102 : memref<1x125x80xi32, #tpu.memory_space<hbm>> -> memref<125x80xi32, #tpu.memory_space<hbm>>
      tpu.enqueue_dma source(%dma_start3A_103 : memref<125x80xi32, #tpu.memory_space<hbm>>) target(%arg6 : memref<125x80xi32, #tpu.memory_space<vmem>>) target_semaphore(%run_scoped3A_95 : memref<!tpu.dma_semaphore, #tpu.memory_space<semaphore_mem>>)
      %dma_wait3A_104 = arith.constant 0 : i32
      %dma_wait3A_105 = arith.constant 0 : i32
      %dma_wait3A_106 = tpu.memref_slice %arg3[%add3A, %dma_wait3A_104, %dma_wait3A_105] : memref<32x125x80xi32, #tpu.memory_space<hbm>> -> memref<1x125x80xi32, #tpu.memory_space<hbm>>
      %dma_wait3A_107 = tpu.memref_squeeze %dma_wait3A_106 : memref<1x125x80xi32, #tpu.memory_space<hbm>> -> memref<125x80xi32, #tpu.memory_space<hbm>>
      %dma_wait3A_108 = arith.constant 0 : i32
      %dma_wait3A_109 = arith.constant 0 : i32
      %dma_wait3A_110 = tpu.memref_slice %arg3[%add3A, %dma_wait3A_108, %dma_wait3A_109] : memref<32x125x80xi32, #tpu.memory_space<hbm>> -> memref<1x125x80xi32, #tpu.memory_space<hbm>>
      %dma_wait3A_111 = tpu.memref_squeeze %dma_wait3A_110 : memref<1x125x80xi32, #tpu.memory_space<hbm>> -> memref<125x80xi32, #tpu.memory_space<hbm>>
      tpu.wait_dma2 semaphore(%run_scoped3A_95 : memref<!tpu.dma_semaphore, #tpu.memory_space<semaphore_mem>>) src(%dma_wait3A_111 : memref<125x80xi32, #tpu.memory_space<hbm>>) dst(%arg6 : memref<125x80xi32, #tpu.memory_space<vmem>>)
      tpu.yield
    }) : () -> ()
    "tpu.region"() ({
      %run_scoped3A_95 = tpu.sem_alloc : memref<!tpu.dma_semaphore, #tpu.memory_space<semaphore_mem>>
      %dma_start3A_96 = arith.constant 0 : i32
      %dma_start3A_97 = arith.constant 0 : i32
      %dma_start3A_98 = tpu.memref_slice %arg4[%add3A, %dma_start3A_96, %dma_start3A_97] : memref<32x125x80xi32, #tpu.memory_space<hbm>> -> memref<1x125x80xi32, #tpu.memory_space<hbm>>
      %dma_start3A_99 = tpu.memref_squeeze %dma_start3A_98 : memref<1x125x80xi32, #tpu.memory_space<hbm>> -> memref<125x80xi32, #tpu.memory_space<hbm>>
      %dma_start3A_100 = arith.constant 0 : i32
      %dma_start3A_101 = arith.constant 0 : i32
      %dma_start3A_102 = tpu.memref_slice %arg4[%add3A, %dma_start3A_100, %dma_start3A_101] : memref<32x125x80xi32, #tpu.memory_space<hbm>> -> memref<1x125x80xi32, #tpu.memory_space<hbm>>
      %dma_start3A_103 = tpu.memref_squeeze %dma_start3A_102 : memref<1x125x80xi32, #tpu.memory_space<hbm>> -> memref<125x80xi32, #tpu.memory_space<hbm>>
      tpu.enqueue_dma source(%dma_start3A_103 : memref<125x80xi32, #tpu.memory_space<hbm>>) target(%arg7 : memref<125x80xi32, #tpu.memory_space<vmem>>) target_semaphore(%run_scoped3A_95 : memref<!tpu.dma_semaphore, #tpu.memory_space<semaphore_mem>>)
      %dma_wait3A_104 = arith.constant 0 : i32
      %dma_wait3A_105 = arith.constant 0 : i32
      %dma_wait3A_106 = tpu.memref_slice %arg4[%add3A, %dma_wait3A_104, %dma_wait3A_105] : memref<32x125x80xi32, #tpu.memory_space<hbm>> -> memref<1x125x80xi32, #tpu.memory_space<hbm>>
      %dma_wait3A_107 = tpu.memref_squeeze %dma_wait3A_106 : memref<1x125x80xi32, #tpu.memory_space<hbm>> -> memref<125x80xi32, #tpu.memory_space<hbm>>
      %dma_wait3A_108 = arith.constant 0 : i32
      %dma_wait3A_109 = arith.constant 0 : i32
      %dma_wait3A_110 = tpu.memref_slice %arg4[%add3A, %dma_wait3A_108, %dma_wait3A_109] : memref<32x125x80xi32, #tpu.memory_space<hbm>> -> memref<1x125x80xi32, #tpu.memory_space<hbm>>
      %dma_wait3A_111 = tpu.memref_squeeze %dma_wait3A_110 : memref<1x125x80xi32, #tpu.memory_space<hbm>> -> memref<125x80xi32, #tpu.memory_space<hbm>>
      tpu.wait_dma2 semaphore(%run_scoped3A_95 : memref<!tpu.dma_semaphore, #tpu.memory_space<semaphore_mem>>) src(%dma_wait3A_111 : memref<125x80xi32, #tpu.memory_space<hbm>>) dst(%arg7 : memref<125x80xi32, #tpu.memory_space<vmem>>)
      tpu.yield
    }) : () -> ()
    %scan3A_7 = arith.constant 0 : i32
    %scan3A_8 = arith.constant 0 : i32
    %scan3A_9 = arith.constant 125 : i32
    %scan3A_10 = arith.addi %scan3A_8, %scan3A_9 : i32
    %scan3A_11 = arith.constant 1 : i32
    %scan3A_12 = scf.for %scan3A_95 = %scan3A_8 to %scan3A_10 step %scan3A_11 iter_args(%scan3A_96 = %scan3A_7) -> (i32)  : i32 {
      %get3A = arith.index_cast %scan3A_95 : i32 to index
      %get3A_97 = arith.constant 0 : index
      %get3A_98 = tpu.vector_load %arg7[%get3A, %get3A_97] {strides = array<i32>} : memref<125x80xi32, #tpu.memory_space<vmem>>, vector<1x16xi32>,
      %get3A_99 = vector.shape_cast %get3A_98 : vector<1x16xi32> to vector<16xi32>
      %add3A_100 = arith.constant 120 : i32
      %add3A_101 = vector.broadcast %add3A_100 : i32 to vector<16xi32>
      %add3A_102 = arith.addi %get3A_99, %add3A_101 : vector<16xi32>
      %ge3A = arith.constant 0 : i32
      %ge3A_103 = vector.broadcast %ge3A : i32 to vector<16xi32>
      %ge3A_104 = arith.cmpi sge, %add3A_102, %ge3A_103 : vector<16xi32>
      %lt3A = arith.constant 5120 : i32
      %lt3A_105 = vector.broadcast %lt3A : i32 to vector<16xi32>
      %lt3A_106 = arith.cmpi slt, %add3A_102, %lt3A_105 : vector<16xi32>
      %and3A = arith.andi %ge3A_104, %lt3A_106 : vector<16xi1>
      %jit3A = arith.constant 0 : i32
      %broadcast_in_dim3A = vector.broadcast %jit3A : i32 to vector<16xi32>
      %select_n3A = arith.select %and3A, %add3A_102, %broadcast_in_dim3A : vector<16xi1>, vector<16xi32>
      %swap3A = arith.index_cast %scan3A_95 : i32 to index
      %swap3A_107 = arith.constant 0 : index
      %swap3A_108 = tpu.vector_load %arg8[%swap3A, %swap3A_107] {strides = array<i32>} : memref<125x80xi32, #tpu.memory_space<vmem>>, vector<1x16xi32>,
      %swap3A_109 = vector.shape_cast %swap3A_108 : vector<1x16xi32> to vector<16xi32>
      %swap3A_110 = vector.shape_cast %select_n3A : vector<16xi32> to vector<1x16xi32>
      tpu.vector_store %arg8[%swap3A, %swap3A_107], %swap3A_110 {strides = array<i32>} : memref<125x80xi32, #tpu.memory_space<vmem>>, vector<1x16xi32>,
      %get3A_111 = arith.index_cast %scan3A_95 : i32 to index
      %get3A_112 = arith.constant 16 : index
      %get3A_113 = tpu.vector_load %arg7[%get3A_111, %get3A_112] {strides = array<i32>} : memref<125x80xi32, #tpu.memory_space<vmem>>, vector<1x16xi32>,
      %get3A_114 = vector.shape_cast %get3A_113 : vector<1x16xi32> to vector<16xi32>
      %add3A_115 = arith.constant 120 : i32
      %add3A_116 = vector.broadcast %add3A_115 : i32 to vector<16xi32>
      %add3A_117 = arith.addi %get3A_114, %add3A_116 : vector<16xi32>
      %ge3A_118 = arith.constant 0 : i32
      %ge3A_119 = vector.broadcast %ge3A_118 : i32 to vector<16xi32>
      %ge3A_120 = arith.cmpi sge, %add3A_117, %ge3A_119 : vector<16xi32>
      %lt3A_121 = arith.constant 5120 : i32
      %lt3A_122 = vector.broadcast %lt3A_121 : i32 to vector<16xi32>
      %lt3A_123 = arith.cmpi slt, %add3A_117, %lt3A_122 : vector<16xi32>
      %and3A_124 = arith.andi %ge3A_120, %lt3A_123 : vector<16xi1>
      %jit3A_125 = arith.constant 0 : i32
      %broadcast_in_dim3A_126 = vector.broadcast %jit3A_125 : i32 to vector<16xi32>
      %select_n3A_127 = arith.select %and3A_124, %add3A_117, %broadcast_in_dim3A_126 : vector<16xi1>, vector<16xi32>
      %swap3A_128 = arith.index_cast %scan3A_95 : i32 to index
      %swap3A_129 = arith.constant 16 : index
      %swap3A_130 = tpu.vector_load %arg8[%swap3A_128, %swap3A_129] {strides = array<i32>} : memref<125x80xi32, #tpu.memory_space<vmem>>, vector<1x16xi32>,
      %swap3A_131 = vector.shape_cast %swap3A_130 : vector<1x16xi32> to vector<16xi32>
      %swap3A_132 = vector.shape_cast %select_n3A_127 : vector<16xi32> to vector<1x16xi32>
      tpu.vector_store %arg8[%swap3A_128, %swap3A_129], %swap3A_132 {strides = array<i32>} : memref<125x80xi32, #tpu.memory_space<vmem>>, vector<1x16xi32>,
      %get3A_133 = arith.index_cast %scan3A_95 : i32 to index
      %get3A_134 = arith.constant 32 : index
      %get3A_135 = tpu.vector_load %arg7[%get3A_133, %get3A_134] {strides = array<i32>} : memref<125x80xi32, #tpu.memory_space<vmem>>, vector<1x16xi32>,
      %get3A_136 = vector.shape_cast %get3A_135 : vector<1x16xi32> to vector<16xi32>
      %add3A_137 = arith.constant 120 : i32
      %add3A_138 = vector.broadcast %add3A_137 : i32 to vector<16xi32>
      %add3A_139 = arith.addi %get3A_136, %add3A_138 : vector<16xi32>
      %ge3A_140 = arith.constant 0 : i32
      %ge3A_141 = vector.broadcast %ge3A_140 : i32 to vector<16xi32>
      %ge3A_142 = arith.cmpi sge, %add3A_139, %ge3A_141 : vector<16xi32>
      %lt3A_143 = arith.constant 5120 : i32
      %lt3A_144 = vector.broadcast %lt3A_143 : i32 to vector<16xi32>
      %lt3A_145 = arith.cmpi slt, %add3A_139, %lt3A_144 : vector<16xi32>
      %and3A_146 = arith.andi %ge3A_142, %lt3A_145 : vector<16xi1>
      %jit3A_147 = arith.constant 0 : i32
      %broadcast_in_dim3A_148 = vector.broadcast %jit3A_147 : i32 to vector<16xi32>
      %select_n3A_149 = arith.select %and3A_146, %add3A_139, %broadcast_in_dim3A_148 : vector<16xi1>, vector<16xi32>
      %swap3A_150 = arith.index_cast %scan3A_95 : i32 to index
      %swap3A_151 = arith.constant 32 : index
      %swap3A_152 = tpu.vector_load %arg8[%swap3A_150, %swap3A_151] {strides = array<i32>} : memref<125x80xi32, #tpu.memory_space<vmem>>, vector<1x16xi32>,
      %swap3A_153 = vector.shape_cast %swap3A_152 : vector<1x16xi32> to vector<16xi32>
      %swap3A_154 = vector.shape_cast %select_n3A_149 : vector<16xi32> to vector<1x16xi32>
      tpu.vector_store %arg8[%swap3A_150, %swap3A_151], %swap3A_154 {strides = array<i32>} : memref<125x80xi32, #tpu.memory_space<vmem>>, vector<1x16xi32>,
      %get3A_155 = arith.index_cast %scan3A_95 : i32 to index
      %get3A_156 = arith.constant 48 : index
      %get3A_157 = tpu.vector_load %arg7[%get3A_155, %get3A_156] {strides = array<i32>} : memref<125x80xi32, #tpu.memory_space<vmem>>, vector<1x16xi32>,
      %get3A_158 = vector.shape_cast %get3A_157 : vector<1x16xi32> to vector<16xi32>
      %add3A_159 = arith.constant 120 : i32
      %add3A_160 = vector.broadcast %add3A_159 : i32 to vector<16xi32>
      %add3A_161 = arith.addi %get3A_158, %add3A_160 : vector<16xi32>
      %ge3A_162 = arith.constant 0 : i32
      %ge3A_163 = vector.broadcast %ge3A_162 : i32 to vector<16xi32>
      %ge3A_164 = arith.cmpi sge, %add3A_161, %ge3A_163 : vector<16xi32>
      %lt3A_165 = arith.constant 5120 : i32
      %lt3A_166 = vector.broadcast %lt3A_165 : i32 to vector<16xi32>
      %lt3A_167 = arith.cmpi slt, %add3A_161, %lt3A_166 : vector<16xi32>
      %and3A_168 = arith.andi %ge3A_164, %lt3A_167 : vector<16xi1>
      %jit3A_169 = arith.constant 0 : i32
      %broadcast_in_dim3A_170 = vector.broadcast %jit3A_169 : i32 to vector<16xi32>
      %select_n3A_171 = arith.select %and3A_168, %add3A_161, %broadcast_in_dim3A_170 : vector<16xi1>, vector<16xi32>
      %swap3A_172 = arith.index_cast %scan3A_95 : i32 to index
      %swap3A_173 = arith.constant 48 : index
      %swap3A_174 = tpu.vector_load %arg8[%swap3A_172, %swap3A_173] {strides = array<i32>} : memref<125x80xi32, #tpu.memory_space<vmem>>, vector<1x16xi32>,
      %swap3A_175 = vector.shape_cast %swap3A_174 : vector<1x16xi32> to vector<16xi32>
      %swap3A_176 = vector.shape_cast %select_n3A_171 : vector<16xi32> to vector<1x16xi32>
      tpu.vector_store %arg8[%swap3A_172, %swap3A_173], %swap3A_176 {strides = array<i32>} : memref<125x80xi32, #tpu.memory_space<vmem>>, vector<1x16xi32>,
      %get3A_177 = arith.index_cast %scan3A_95 : i32 to index
      %get3A_178 = arith.constant 64 : index
      %get3A_179 = tpu.vector_load %arg7[%get3A_177, %get3A_178] {strides = array<i32>} : memref<125x80xi32, #tpu.memory_space<vmem>>, vector<1x16xi32>,
      %get3A_180 = vector.shape_cast %get3A_179 : vector<1x16xi32> to vector<16xi32>
      %add3A_181 = arith.constant 120 : i32
      %add3A_182 = vector.broadcast %add3A_181 : i32 to vector<16xi32>
      %add3A_183 = arith.addi %get3A_180, %add3A_182 : vector<16xi32>
      %ge3A_184 = arith.constant 0 : i32
      %ge3A_185 = vector.broadcast %ge3A_184 : i32 to vector<16xi32>
      %ge3A_186 = arith.cmpi sge, %add3A_183, %ge3A_185 : vector<16xi32>
      %lt3A_187 = arith.constant 5120 : i32
      %lt3A_188 = vector.broadcast %lt3A_187 : i32 to vector<16xi32>
      %lt3A_189 = arith.cmpi slt, %add3A_183, %lt3A_188 : vector<16xi32>
      %and3A_190 = arith.andi %ge3A_186, %lt3A_189 : vector<16xi1>
      %jit3A_191 = arith.constant 0 : i32
      %broadcast_in_dim3A_192 = vector.broadcast %jit3A_191 : i32 to vector<16xi32>
      %select_n3A_193 = arith.select %and3A_190, %add3A_183, %broadcast_in_dim3A_192 : vector<16xi1>, vector<16xi32>
      %swap3A_194 = arith.index_cast %scan3A_95 : i32 to index
      %swap3A_195 = arith.constant 64 : index
      %swap3A_196 = tpu.vector_load %arg8[%swap3A_194, %swap3A_195] {strides = array<i32>} : memref<125x80xi32, #tpu.memory_space<vmem>>, vector<1x16xi32>,
      %swap3A_197 = vector.shape_cast %swap3A_196 : vector<1x16xi32> to vector<16xi32>
      %swap3A_198 = vector.shape_cast %select_n3A_193 : vector<16xi32> to vector<1x16xi32>
      tpu.vector_store %arg8[%swap3A_194, %swap3A_195], %swap3A_198 {strides = array<i32>} : memref<125x80xi32, #tpu.memory_space<vmem>>, vector<1x16xi32>,
      %scan3A_199 = arith.constant 0 : i32
      scf.yield %scan3A_199 : i32
    }
    %scan3A_13 = arith.constant 125 : i32
    %mul3A_14 = arith.constant 320 : i32
    %mul3A_15 = arith.muli %arg1, %mul3A_14 : i32
    %add3A_16 = arith.constant 0 : i32
    %add3A_17 = arith.addi %mul3A_15, %add3A_16 : i32
    "tpu.region"() ({
      %run_scoped3A_95 = tpu.sem_alloc : memref<!tpu.dma_semaphore, #tpu.memory_space<semaphore_mem>>
      %dma_start3A_96 = arith.constant 0 : i32
      %dma_start3A_97 = tpu.memref_slice %arg12[%add3A_17, %dma_start3A_96] : memref<5120x128xf32, #tpu.memory_space<vmem_shared>> -> memref<160x128xf32, #tpu.memory_space<vmem_shared>>
      %dma_start3A_98 = arith.constant 0 : i32
      %dma_start3A_99 = tpu.memref_slice %arg12[%add3A_17, %dma_start3A_98] : memref<5120x128xf32, #tpu.memory_space<vmem_shared>> -> memref<160x128xf32, #tpu.memory_space<vmem_shared>>
      tpu.enqueue_dma source(%arg11 : memref<160x128xf32, #tpu.memory_space<vmem>>) target(%dma_start3A_99 : memref<160x128xf32, #tpu.memory_space<vmem_shared>>) target_semaphore(%run_scoped3A_95 : memref<!tpu.dma_semaphore, #tpu.memory_space<semaphore_mem>>)
      %dma_wait3A_100 = arith.constant 0 : i32
      %dma_wait3A_101 = tpu.memref_slice %arg12[%add3A_17, %dma_wait3A_100] : memref<5120x128xf32, #tpu.memory_space<vmem_shared>> -> memref<160x128xf32, #tpu.memory_space<vmem_shared>>
      %dma_wait3A_102 = arith.constant 0 : i32
      %dma_wait3A_103 = tpu.memref_slice %arg12[%add3A_17, %dma_wait3A_102] : memref<5120x128xf32, #tpu.memory_space<vmem_shared>> -> memref<160x128xf32, #tpu.memory_space<vmem_shared>>
      tpu.wait_dma2 semaphore(%run_scoped3A_95 : memref<!tpu.dma_semaphore, #tpu.memory_space<semaphore_mem>>) src(%arg11 : memref<160x128xf32, #tpu.memory_space<vmem>>) dst(%dma_wait3A_103 : memref<160x128xf32, #tpu.memory_space<vmem_shared>>)
      tpu.yield
    }) : () -> ()
    %mul3A_18 = arith.constant 320 : i32
    %mul3A_19 = arith.muli %arg1, %mul3A_18 : i32
    %add3A_20 = arith.constant 160 : i32
    %add3A_21 = arith.addi %mul3A_19, %add3A_20 : i32
    "tpu.region"() ({
      %run_scoped3A_95 = tpu.sem_alloc : memref<!tpu.dma_semaphore, #tpu.memory_space<semaphore_mem>>
      %dma_start3A_96 = arith.constant 0 : i32
      %dma_start3A_97 = tpu.memref_slice %arg12[%add3A_21, %dma_start3A_96] : memref<5120x128xf32, #tpu.memory_space<vmem_shared>> -> memref<160x128xf32, #tpu.memory_space<vmem_shared>>
      %dma_start3A_98 = arith.constant 0 : i32
      %dma_start3A_99 = tpu.memref_slice %arg12[%add3A_21, %dma_start3A_98] : memref<5120x128xf32, #tpu.memory_space<vmem_shared>> -> memref<160x128xf32, #tpu.memory_space<vmem_shared>>
      tpu.enqueue_dma source(%arg11 : memref<160x128xf32, #tpu.memory_space<vmem>>) target(%dma_start3A_99 : memref<160x128xf32, #tpu.memory_space<vmem_shared>>) target_semaphore(%run_scoped3A_95 : memref<!tpu.dma_semaphore, #tpu.memory_space<semaphore_mem>>)
      %dma_wait3A_100 = arith.constant 0 : i32
      %dma_wait3A_101 = tpu.memref_slice %arg12[%add3A_21, %dma_wait3A_100] : memref<5120x128xf32, #tpu.memory_space<vmem_shared>> -> memref<160x128xf32, #tpu.memory_space<vmem_shared>>
      %dma_wait3A_102 = arith.constant 0 : i32
      %dma_wait3A_103 = tpu.memref_slice %arg12[%add3A_21, %dma_wait3A_102] : memref<5120x128xf32, #tpu.memory_space<vmem_shared>> -> memref<160x128xf32, #tpu.memory_space<vmem_shared>>
      tpu.wait_dma2 semaphore(%run_scoped3A_95 : memref<!tpu.dma_semaphore, #tpu.memory_space<semaphore_mem>>) src(%arg11 : memref<160x128xf32, #tpu.memory_space<vmem>>) dst(%dma_wait3A_103 : memref<160x128xf32, #tpu.memory_space<vmem_shared>>)
      tpu.yield
    }) : () -> ()
    %barrier3A = arith.constant 0 : index
    tpu.barrier barrier_id(%barrier3A)
    %dma_start3A = arith.constant 0 : i32
    %dma_start3A_22 = arith.constant 0 : i32
    %dma_start3A_23 = tpu.memref_slice %arg6[%dma_start3A, %dma_start3A_22] : memref<125x80xi32, #tpu.memory_space<vmem>> -> memref<1x80xi32, #tpu.memory_space<vmem>>
    %dma_start3A_24 = tpu.memref_squeeze %dma_start3A_23 : memref<1x80xi32, #tpu.memory_space<vmem>> -> memref<80xi32, #tpu.memory_space<vmem>>
    %dma_start3A_25 = arith.constant 0 : i32
    %dma_start3A_26 = arith.constant 0 : i32
    %dma_start3A_27 = tpu.memref_slice %arg2[%dma_start3A_25, %dma_start3A_26] : memref<10000x128xf32, #tpu.memory_space<hbm>> -> memref<10000x128xf32, #tpu.memory_space<hbm>>
    tpu.enqueue_indirect_dma source(%dma_start3A_27 : memref<10000x128xf32, #tpu.memory_space<hbm>>) target(%arg9 : memref<80x128xf32, #tpu.memory_space<vmem>>) offsets(%dma_start3A_24 : memref<80xi32, #tpu.memory_space<vmem>>) semaphore(%arg13 : memref<!tpu.dma_semaphore, #tpu.memory_space<semaphore_mem>>)
    %scan3A_28 = arith.constant 0 : i32
    %scan3A_29 = arith.constant 0 : i32
    %scan3A_30 = arith.constant 62 : i32
    %scan3A_31 = arith.addi %scan3A_29, %scan3A_30 : i32
    %scan3A_32 = arith.constant 1 : i32
    %scan3A_33 = scf.for %scan3A_95 = %scan3A_29 to %scan3A_31 step %scan3A_32 iter_args(%scan3A_96 = %scan3A_28) -> (i32)  : i32 {
      %mul3A_97 = arith.constant 2 : i32
      %mul3A_98 = arith.muli %mul3A_97, %scan3A_95 : i32
      %dma_wait3A_99 = arith.constant 0 : i32
      %dma_wait3A_100 = tpu.memref_slice %arg6[%mul3A_98, %dma_wait3A_99] : memref<125x80xi32, #tpu.memory_space<vmem>> -> memref<1x80xi32, #tpu.memory_space<vmem>>
      %dma_wait3A_101 = tpu.memref_squeeze %dma_wait3A_100 : memref<1x80xi32, #tpu.memory_space<vmem>> -> memref<80xi32, #tpu.memory_space<vmem>>
      %dma_wait3A_102 = arith.constant 0 : i32
      %dma_wait3A_103 = arith.constant 0 : i32
      %dma_wait3A_104 = tpu.memref_slice %arg2[%dma_wait3A_102, %dma_wait3A_103] : memref<10000x128xf32, #tpu.memory_space<hbm>> -> memref<10000x128xf32, #tpu.memory_space<hbm>>
      tpu.wait_indirect_dma semaphore(%arg13 : memref<!tpu.dma_semaphore, #tpu.memory_space<semaphore_mem>>) src(%dma_wait3A_104 : memref<10000x128xf32, #tpu.memory_space<hbm>>) dst(%arg9 : memref<80x128xf32, #tpu.memory_space<vmem>>)
      %add3A_105 = arith.constant 1 : i32
      %add3A_106 = arith.addi %mul3A_98, %add3A_105 : i32
      %dma_start3A_107 = arith.constant 0 : i32
      %dma_start3A_108 = tpu.memref_slice %arg6[%add3A_106, %dma_start3A_107] : memref<125x80xi32, #tpu.memory_space<vmem>> -> memref<1x80xi32, #tpu.memory_space<vmem>>
      %dma_start3A_109 = tpu.memref_squeeze %dma_start3A_108 : memref<1x80xi32, #tpu.memory_space<vmem>> -> memref<80xi32, #tpu.memory_space<vmem>>
      %dma_start3A_110 = arith.constant 0 : i32
      %dma_start3A_111 = arith.constant 0 : i32
      %dma_start3A_112 = tpu.memref_slice %arg2[%dma_start3A_110, %dma_start3A_111] : memref<10000x128xf32, #tpu.memory_space<hbm>> -> memref<10000x128xf32, #tpu.memory_space<hbm>>
      tpu.enqueue_indirect_dma source(%dma_start3A_112 : memref<10000x128xf32, #tpu.memory_space<hbm>>) target(%arg10 : memref<80x128xf32, #tpu.memory_space<vmem>>) offsets(%dma_start3A_109 : memref<80xi32, #tpu.memory_space<vmem>>) semaphore(%arg14 : memref<!tpu.dma_semaphore, #tpu.memory_space<semaphore_mem>>)
      "tpu.region"() ({
        %run_scoped3A_132 = tpu.sem_alloc : memref<!tpu.dma_semaphore, #tpu.memory_space<semaphore_mem>>
        %dma_start3A_133 = arith.constant 0 : i32
        %dma_start3A_134 = tpu.memref_slice %arg8[%mul3A_98, %dma_start3A_133] : memref<125x80xi32, #tpu.memory_space<vmem>> -> memref<1x80xi32, #tpu.memory_space<vmem>>
        %dma_start3A_135 = tpu.memref_squeeze %dma_start3A_134 : memref<1x80xi32, #tpu.memory_space<vmem>> -> memref<80xi32, #tpu.memory_space<vmem>>
        %dma_start3A_136 = arith.constant 0 : i32
        %dma_start3A_137 = arith.constant 0 : i32
        %dma_start3A_138 = tpu.memref_slice %arg12[%dma_start3A_136, %dma_start3A_137] : memref<5120x128xf32, #tpu.memory_space<vmem_shared>> -> memref<5120x128xf32, #tpu.memory_space<vmem_shared>>
        tpu.enqueue_indirect_dma source(%arg9 : memref<80x128xf32, #tpu.memory_space<vmem>>) target(%dma_start3A_138 : memref<5120x128xf32, #tpu.memory_space<vmem_shared>>) offsets(%dma_start3A_135 : memref<80xi32, #tpu.memory_space<vmem>>) semaphore(%run_scoped3A_132 : memref<!tpu.dma_semaphore, #tpu.memory_space<semaphore_mem>>) {add = true}
        %dma_wait3A_139 = arith.constant 0 : i32
        %dma_wait3A_140 = tpu.memref_slice %arg8[%mul3A_98, %dma_wait3A_139] : memref<125x80xi32, #tpu.memory_space<vmem>> -> memref<1x80xi32, #tpu.memory_space<vmem>>
        %dma_wait3A_141 = tpu.memref_squeeze %dma_wait3A_140 : memref<1x80xi32, #tpu.memory_space<vmem>> -> memref<80xi32, #tpu.memory_space<vmem>>
        %dma_wait3A_142 = arith.constant 0 : i32
        %dma_wait3A_143 = arith.constant 0 : i32
        %dma_wait3A_144 = tpu.memref_slice %arg12[%dma_wait3A_142, %dma_wait3A_143] : memref<5120x128xf32, #tpu.memory_space<vmem_shared>> -> memref<5120x128xf32, #tpu.memory_space<vmem_shared>>
        tpu.wait_indirect_dma semaphore(%run_scoped3A_132 : memref<!tpu.dma_semaphore, #tpu.memory_space<semaphore_mem>>) src(%arg9 : memref<80x128xf32, #tpu.memory_space<vmem>>) dst(%dma_wait3A_144 : memref<5120x128xf32, #tpu.memory_space<vmem_shared>>)
        tpu.yield
      }) : () -> ()
      %add3A_113 = arith.constant 1 : i32
      %add3A_114 = arith.addi %mul3A_98, %add3A_113 : i32
      %dma_wait3A_115 = arith.constant 0 : i32
      %dma_wait3A_116 = tpu.memref_slice %arg6[%add3A_114, %dma_wait3A_115] : memref<125x80xi32, #tpu.memory_space<vmem>> -> memref<1x80xi32, #tpu.memory_space<vmem>>
      %dma_wait3A_117 = tpu.memref_squeeze %dma_wait3A_116 : memref<1x80xi32, #tpu.memory_space<vmem>> -> memref<80xi32, #tpu.memory_space<vmem>>
      %dma_wait3A_118 = arith.constant 0 : i32
      %dma_wait3A_119 = arith.constant 0 : i32
      %dma_wait3A_120 = tpu.memref_slice %arg2[%dma_wait3A_118, %dma_wait3A_119] : memref<10000x128xf32, #tpu.memory_space<hbm>> -> memref<10000x128xf32, #tpu.memory_space<hbm>>
      tpu.wait_indirect_dma semaphore(%arg14 : memref<!tpu.dma_semaphore, #tpu.memory_space<semaphore_mem>>) src(%dma_wait3A_120 : memref<10000x128xf32, #tpu.memory_space<hbm>>) dst(%arg10 : memref<80x128xf32, #tpu.memory_space<vmem>>)
      %add3A_121 = arith.constant 2 : i32
      %add3A_122 = arith.addi %mul3A_98, %add3A_121 : i32
      %dma_start3A_123 = arith.constant 0 : i32
      %dma_start3A_124 = tpu.memref_slice %arg6[%add3A_122, %dma_start3A_123] : memref<125x80xi32, #tpu.memory_space<vmem>> -> memref<1x80xi32, #tpu.memory_space<vmem>>
      %dma_start3A_125 = tpu.memref_squeeze %dma_start3A_124 : memref<1x80xi32, #tpu.memory_space<vmem>> -> memref<80xi32, #tpu.memory_space<vmem>>
      %dma_start3A_126 = arith.constant 0 : i32
      %dma_start3A_127 = arith.constant 0 : i32
      %dma_start3A_128 = tpu.memref_slice %arg2[%dma_start3A_126, %dma_start3A_127] : memref<10000x128xf32, #tpu.memory_space<hbm>> -> memref<10000x128xf32, #tpu.memory_space<hbm>>
      tpu.enqueue_indirect_dma source(%dma_start3A_128 : memref<10000x128xf32, #tpu.memory_space<hbm>>) target(%arg9 : memref<80x128xf32, #tpu.memory_space<vmem>>) offsets(%dma_start3A_125 : memref<80xi32, #tpu.memory_space<vmem>>) semaphore(%arg13 : memref<!tpu.dma_semaphore, #tpu.memory_space<semaphore_mem>>)
      %add3A_129 = arith.constant 1 : i32
      %add3A_130 = arith.addi %mul3A_98, %add3A_129 : i32
      "tpu.region"() ({
        %run_scoped3A_132 = tpu.sem_alloc : memref<!tpu.dma_semaphore, #tpu.memory_space<semaphore_mem>>
        %dma_start3A_133 = arith.constant 0 : i32
        %dma_start3A_134 = tpu.memref_slice %arg8[%add3A_130, %dma_start3A_133] : memref<125x80xi32, #tpu.memory_space<vmem>> -> memref<1x80xi32, #tpu.memory_space<vmem>>
        %dma_start3A_135 = tpu.memref_squeeze %dma_start3A_134 : memref<1x80xi32, #tpu.memory_space<vmem>> -> memref<80xi32, #tpu.memory_space<vmem>>
        %dma_start3A_136 = arith.constant 0 : i32
        %dma_start3A_137 = arith.constant 0 : i32
        %dma_start3A_138 = tpu.memref_slice %arg12[%dma_start3A_136, %dma_start3A_137] : memref<5120x128xf32, #tpu.memory_space<vmem_shared>> -> memref<5120x128xf32, #tpu.memory_space<vmem_shared>>
        tpu.enqueue_indirect_dma source(%arg10 : memref<80x128xf32, #tpu.memory_space<vmem>>) target(%dma_start3A_138 : memref<5120x128xf32, #tpu.memory_space<vmem_shared>>) offsets(%dma_start3A_135 : memref<80xi32, #tpu.memory_space<vmem>>) semaphore(%run_scoped3A_132 : memref<!tpu.dma_semaphore, #tpu.memory_space<semaphore_mem>>) {add = true}
        %dma_wait3A_139 = arith.constant 0 : i32
        %dma_wait3A_140 = tpu.memref_slice %arg8[%add3A_130, %dma_wait3A_139] : memref<125x80xi32, #tpu.memory_space<vmem>> -> memref<1x80xi32, #tpu.memory_space<vmem>>
        %dma_wait3A_141 = tpu.memref_squeeze %dma_wait3A_140 : memref<1x80xi32, #tpu.memory_space<vmem>> -> memref<80xi32, #tpu.memory_space<vmem>>
        %dma_wait3A_142 = arith.constant 0 : i32
        %dma_wait3A_143 = arith.constant 0 : i32
        %dma_wait3A_144 = tpu.memref_slice %arg12[%dma_wait3A_142, %dma_wait3A_143] : memref<5120x128xf32, #tpu.memory_space<vmem_shared>> -> memref<5120x128xf32, #tpu.memory_space<vmem_shared>>
        tpu.wait_indirect_dma semaphore(%run_scoped3A_132 : memref<!tpu.dma_semaphore, #tpu.memory_space<semaphore_mem>>) src(%arg10 : memref<80x128xf32, #tpu.memory_space<vmem>>) dst(%dma_wait3A_144 : memref<5120x128xf32, #tpu.memory_space<vmem_shared>>)
        tpu.yield
      }) : () -> ()
      %scan3A_131 = arith.constant 0 : i32
      scf.yield %scan3A_131 : i32
    }
    %scan3A_34 = arith.constant 62 : i32
    %dma_wait3A = arith.constant 124 : i32
    %dma_wait3A_35 = arith.constant 0 : i32
    %dma_wait3A_36 = tpu.memref_slice %arg6[%dma_wait3A, %dma_wait3A_35] : memref<125x80xi32, #tpu.memory_space<vmem>> -> memref<1x80xi32, #tpu.memory_space<vmem>>
    %dma_wait3A_37 = tpu.memref_squeeze %dma_wait3A_36 : memref<1x80xi32, #tpu.memory_space<vmem>> -> memref<80xi32, #tpu.memory_space<vmem>>
    %dma_wait3A_38 = arith.constant 0 : i32
    %dma_wait3A_39 = arith.constant 0 : i32
    %dma_wait3A_40 = tpu.memref_slice %arg2[%dma_wait3A_38, %dma_wait3A_39] : memref<10000x128xf32, #tpu.memory_space<hbm>> -> memref<10000x128xf32, #tpu.memory_space<hbm>>
    tpu.wait_indirect_dma semaphore(%arg13 : memref<!tpu.dma_semaphore, #tpu.memory_space<semaphore_mem>>) src(%dma_wait3A_40 : memref<10000x128xf32, #tpu.memory_space<hbm>>) dst(%arg9 : memref<80x128xf32, #tpu.memory_space<vmem>>)
    %run_scoped3A = arith.constant 124 : i32
    "tpu.region"() ({
      %run_scoped3A_95 = tpu.sem_alloc : memref<!tpu.dma_semaphore, #tpu.memory_space<semaphore_mem>>
      %dma_start3A_96 = arith.constant 0 : i32
      %dma_start3A_97 = tpu.memref_slice %arg8[%run_scoped3A, %dma_start3A_96] : memref<125x80xi32, #tpu.memory_space<vmem>> -> memref<1x80xi32, #tpu.memory_space<vmem>>
      %dma_start3A_98 = tpu.memref_squeeze %dma_start3A_97 : memref<1x80xi32, #tpu.memory_space<vmem>> -> memref<80xi32, #tpu.memory_space<vmem>>
      %dma_start3A_99 = arith.constant 0 : i32
      %dma_start3A_100 = arith.constant 0 : i32
      %dma_start3A_101 = tpu.memref_slice %arg12[%dma_start3A_99, %dma_start3A_100] : memref<5120x128xf32, #tpu.memory_space<vmem_shared>> -> memref<5120x128xf32, #tpu.memory_space<vmem_shared>>
      tpu.enqueue_indirect_dma source(%arg9 : memref<80x128xf32, #tpu.memory_space<vmem>>) target(%dma_start3A_101 : memref<5120x128xf32, #tpu.memory_space<vmem_shared>>) offsets(%dma_start3A_98 : memref<80xi32, #tpu.memory_space<vmem>>) semaphore(%run_scoped3A_95 : memref<!tpu.dma_semaphore, #tpu.memory_space<semaphore_mem>>) {add = true}
      %dma_wait3A_102 = arith.constant 0 : i32
      %dma_wait3A_103 = tpu.memref_slice %arg8[%run_scoped3A, %dma_wait3A_102] : memref<125x80xi32, #tpu.memory_space<vmem>> -> memref<1x80xi32, #tpu.memory_space<vmem>>
      %dma_wait3A_104 = tpu.memref_squeeze %dma_wait3A_103 : memref<1x80xi32, #tpu.memory_space<vmem>> -> memref<80xi32, #tpu.memory_space<vmem>>
      %dma_wait3A_105 = arith.constant 0 : i32
      %dma_wait3A_106 = arith.constant 0 : i32
      %dma_wait3A_107 = tpu.memref_slice %arg12[%dma_wait3A_105, %dma_wait3A_106] : memref<5120x128xf32, #tpu.memory_space<vmem_shared>> -> memref<5120x128xf32, #tpu.memory_space<vmem_shared>>
      tpu.wait_indirect_dma semaphore(%run_scoped3A_95 : memref<!tpu.dma_semaphore, #tpu.memory_space<semaphore_mem>>) src(%arg9 : memref<80x128xf32, #tpu.memory_space<vmem>>) dst(%dma_wait3A_107 : memref<5120x128xf32, #tpu.memory_space<vmem_shared>>)
      tpu.yield
    }) : () -> ()
    %barrier3A_41 = arith.constant 0 : index
    tpu.barrier barrier_id(%barrier3A_41)
    %mul3A_42 = arith.constant 320 : i32
    %mul3A_43 = arith.muli %arg1, %mul3A_42 : i32
    %mul3A_44 = arith.constant 320 : i32
    %mul3A_45 = arith.muli %arg1, %mul3A_44 : i32
    %add3A_46 = arith.constant 0 : i32
    %add3A_47 = arith.addi %add3A_46, %mul3A_45 : i32
    "tpu.region"() ({
      %run_scoped3A_95 = tpu.sem_alloc : memref<!tpu.dma_semaphore, #tpu.memory_space<semaphore_mem>>
      %dma_start3A_96 = arith.constant 0 : i32
      %dma_start3A_97 = tpu.memref_slice %arg5[%arg0, %add3A_47, %dma_start3A_96] : memref<2x10240x128xf32, #tpu.memory_space<hbm>> -> memref<1x320x128xf32, #tpu.memory_space<hbm>>
      %dma_start3A_98 = tpu.memref_squeeze %dma_start3A_97 : memref<1x320x128xf32, #tpu.memory_space<hbm>> -> memref<320x128xf32, #tpu.memory_space<hbm>>
      %dma_start3A_99 = arith.constant 0 : i32
      %dma_start3A_100 = tpu.memref_slice %arg12[%mul3A_43, %dma_start3A_99] : memref<5120x128xf32, #tpu.memory_space<vmem_shared>> -> memref<320x128xf32, #tpu.memory_space<vmem_shared>>
      tpu.enqueue_dma source(%dma_start3A_100 : memref<320x128xf32, #tpu.memory_space<vmem_shared>>) target(%dma_start3A_98 : memref<320x128xf32, #tpu.memory_space<hbm>>) target_semaphore(%run_scoped3A_95 : memref<!tpu.dma_semaphore, #tpu.memory_space<semaphore_mem>>)
      %dma_wait3A_101 = arith.constant 0 : i32
      %dma_wait3A_102 = tpu.memref_slice %arg5[%arg0, %add3A_47, %dma_wait3A_101] : memref<2x10240x128xf32, #tpu.memory_space<hbm>> -> memref<1x320x128xf32, #tpu.memory_space<hbm>>
      %dma_wait3A_103 = tpu.memref_squeeze %dma_wait3A_102 : memref<1x320x128xf32, #tpu.memory_space<hbm>> -> memref<320x128xf32, #tpu.memory_space<hbm>>
      %dma_wait3A_104 = arith.constant 0 : i32
      %dma_wait3A_105 = tpu.memref_slice %arg12[%mul3A_43, %dma_wait3A_104] : memref<5120x128xf32, #tpu.memory_space<vmem_shared>> -> memref<320x128xf32, #tpu.memory_space<vmem_shared>>
      tpu.wait_dma2 semaphore(%run_scoped3A_95 : memref<!tpu.dma_semaphore, #tpu.memory_space<semaphore_mem>>) src(%dma_wait3A_105 : memref<320x128xf32, #tpu.memory_space<vmem_shared>>) dst(%dma_wait3A_103 : memref<320x128xf32, #tpu.memory_space<hbm>>)
      tpu.yield
    }) : () -> ()
    %barrier3A_48 = arith.constant 0 : index
    tpu.barrier barrier_id(%barrier3A_48)
    %scan3A_49 = arith.constant 0 : i32
    %scan3A_50 = arith.constant 0 : i32
    %scan3A_51 = arith.constant 125 : i32
    %scan3A_52 = arith.addi %scan3A_50, %scan3A_51 : i32
    %scan3A_53 = arith.constant 1 : i32
    %scan3A_54 = scf.for %scan3A_95 = %scan3A_50 to %scan3A_52 step %scan3A_53 iter_args(%scan3A_96 = %scan3A_49) -> (i32)  : i32 {
      %get3A = arith.index_cast %scan3A_95 : i32 to index
      %get3A_97 = arith.constant 0 : index
      %get3A_98 = tpu.vector_load %arg7[%get3A, %get3A_97] {strides = array<i32>} : memref<125x80xi32, #tpu.memory_space<vmem>>, vector<1x16xi32>,
      %get3A_99 = vector.shape_cast %get3A_98 : vector<1x16xi32> to vector<16xi32>
      %add3A_100 = arith.constant -5000 : i32
      %add3A_101 = vector.broadcast %add3A_100 : i32 to vector<16xi32>
      %add3A_102 = arith.addi %get3A_99, %add3A_101 : vector<16xi32>
      %ge3A = arith.constant 0 : i32
      %ge3A_103 = vector.broadcast %ge3A : i32 to vector<16xi32>
      %ge3A_104 = arith.cmpi sge, %add3A_102, %ge3A_103 : vector<16xi32>
      %lt3A = arith.constant 5120 : i32
      %lt3A_105 = vector.broadcast %lt3A : i32 to vector<16xi32>
      %lt3A_106 = arith.cmpi slt, %add3A_102, %lt3A_105 : vector<16xi32>
      %and3A = arith.andi %ge3A_104, %lt3A_106 : vector<16xi1>
      %jit3A = arith.constant 5119 : i32
      %broadcast_in_dim3A = vector.broadcast %jit3A : i32 to vector<16xi32>
      %select_n3A = arith.select %and3A, %add3A_102, %broadcast_in_dim3A : vector<16xi1>, vector<16xi32>
      %swap3A = arith.index_cast %scan3A_95 : i32 to index
      %swap3A_107 = arith.constant 0 : index
      %swap3A_108 = tpu.vector_load %arg8[%swap3A, %swap3A_107] {strides = array<i32>} : memref<125x80xi32, #tpu.memory_space<vmem>>, vector<1x16xi32>,
      %swap3A_109 = vector.shape_cast %swap3A_108 : vector<1x16xi32> to vector<16xi32>
      %swap3A_110 = vector.shape_cast %select_n3A : vector<16xi32> to vector<1x16xi32>
      tpu.vector_store %arg8[%swap3A, %swap3A_107], %swap3A_110 {strides = array<i32>} : memref<125x80xi32, #tpu.memory_space<vmem>>, vector<1x16xi32>,
      %get3A_111 = arith.index_cast %scan3A_95 : i32 to index
      %get3A_112 = arith.constant 16 : index
      %get3A_113 = tpu.vector_load %arg7[%get3A_111, %get3A_112] {strides = array<i32>} : memref<125x80xi32, #tpu.memory_space<vmem>>, vector<1x16xi32>,
      %get3A_114 = vector.shape_cast %get3A_113 : vector<1x16xi32> to vector<16xi32>
      %add3A_115 = arith.constant -5000 : i32
      %add3A_116 = vector.broadcast %add3A_115 : i32 to vector<16xi32>
      %add3A_117 = arith.addi %get3A_114, %add3A_116 : vector<16xi32>
      %ge3A_118 = arith.constant 0 : i32
      %ge3A_119 = vector.broadcast %ge3A_118 : i32 to vector<16xi32>
      %ge3A_120 = arith.cmpi sge, %add3A_117, %ge3A_119 : vector<16xi32>
      %lt3A_121 = arith.constant 5120 : i32
      %lt3A_122 = vector.broadcast %lt3A_121 : i32 to vector<16xi32>
      %lt3A_123 = arith.cmpi slt, %add3A_117, %lt3A_122 : vector<16xi32>
      %and3A_124 = arith.andi %ge3A_120, %lt3A_123 : vector<16xi1>
      %jit3A_125 = arith.constant 5119 : i32
      %broadcast_in_dim3A_126 = vector.broadcast %jit3A_125 : i32 to vector<16xi32>
      %select_n3A_127 = arith.select %and3A_124, %add3A_117, %broadcast_in_dim3A_126 : vector<16xi1>, vector<16xi32>
      %swap3A_128 = arith.index_cast %scan3A_95 : i32 to index
      %swap3A_129 = arith.constant 16 : index
      %swap3A_130 = tpu.vector_load %arg8[%swap3A_128, %swap3A_129] {strides = array<i32>} : memref<125x80xi32, #tpu.memory_space<vmem>>, vector<1x16xi32>,
      %swap3A_131 = vector.shape_cast %swap3A_130 : vector<1x16xi32> to vector<16xi32>
      %swap3A_132 = vector.shape_cast %select_n3A_127 : vector<16xi32> to vector<1x16xi32>
      tpu.vector_store %arg8[%swap3A_128, %swap3A_129], %swap3A_132 {strides = array<i32>} : memref<125x80xi32, #tpu.memory_space<vmem>>, vector<1x16xi32>,
      %get3A_133 = arith.index_cast %scan3A_95 : i32 to index
      %get3A_134 = arith.constant 32 : index
      %get3A_135 = tpu.vector_load %arg7[%get3A_133, %get3A_134] {strides = array<i32>} : memref<125x80xi32, #tpu.memory_space<vmem>>, vector<1x16xi32>,
      %get3A_136 = vector.shape_cast %get3A_135 : vector<1x16xi32> to vector<16xi32>
      %add3A_137 = arith.constant -5000 : i32
      %add3A_138 = vector.broadcast %add3A_137 : i32 to vector<16xi32>
      %add3A_139 = arith.addi %get3A_136, %add3A_138 : vector<16xi32>
      %ge3A_140 = arith.constant 0 : i32
      %ge3A_141 = vector.broadcast %ge3A_140 : i32 to vector<16xi32>
      %ge3A_142 = arith.cmpi sge, %add3A_139, %ge3A_141 : vector<16xi32>
      %lt3A_143 = arith.constant 5120 : i32
      %lt3A_144 = vector.broadcast %lt3A_143 : i32 to vector<16xi32>
      %lt3A_145 = arith.cmpi slt, %add3A_139, %lt3A_144 : vector<16xi32>
      %and3A_146 = arith.andi %ge3A_142, %lt3A_145 : vector<16xi1>
      %jit3A_147 = arith.constant 5119 : i32
      %broadcast_in_dim3A_148 = vector.broadcast %jit3A_147 : i32 to vector<16xi32>
      %select_n3A_149 = arith.select %and3A_146, %add3A_139, %broadcast_in_dim3A_148 : vector<16xi1>, vector<16xi32>
      %swap3A_150 = arith.index_cast %scan3A_95 : i32 to index
      %swap3A_151 = arith.constant 32 : index
      %swap3A_152 = tpu.vector_load %arg8[%swap3A_150, %swap3A_151] {strides = array<i32>} : memref<125x80xi32, #tpu.memory_space<vmem>>, vector<1x16xi32>,
      %swap3A_153 = vector.shape_cast %swap3A_152 : vector<1x16xi32> to vector<16xi32>
      %swap3A_154 = vector.shape_cast %select_n3A_149 : vector<16xi32> to vector<1x16xi32>
      tpu.vector_store %arg8[%swap3A_150, %swap3A_151], %swap3A_154 {strides = array<i32>} : memref<125x80xi32, #tpu.memory_space<vmem>>, vector<1x16xi32>,
      %get3A_155 = arith.index_cast %scan3A_95 : i32 to index
      %get3A_156 = arith.constant 48 : index
      %get3A_157 = tpu.vector_load %arg7[%get3A_155, %get3A_156] {strides = array<i32>} : memref<125x80xi32, #tpu.memory_space<vmem>>, vector<1x16xi32>,
      %get3A_158 = vector.shape_cast %get3A_157 : vector<1x16xi32> to vector<16xi32>
      %add3A_159 = arith.constant -5000 : i32
      %add3A_160 = vector.broadcast %add3A_159 : i32 to vector<16xi32>
      %add3A_161 = arith.addi %get3A_158, %add3A_160 : vector<16xi32>
      %ge3A_162 = arith.constant 0 : i32
      %ge3A_163 = vector.broadcast %ge3A_162 : i32 to vector<16xi32>
      %ge3A_164 = arith.cmpi sge, %add3A_161, %ge3A_163 : vector<16xi32>
      %lt3A_165 = arith.constant 5120 : i32
      %lt3A_166 = vector.broadcast %lt3A_165 : i32 to vector<16xi32>
      %lt3A_167 = arith.cmpi slt, %add3A_161, %lt3A_166 : vector<16xi32>
      %and3A_168 = arith.andi %ge3A_164, %lt3A_167 : vector<16xi1>
      %jit3A_169 = arith.constant 5119 : i32
      %broadcast_in_dim3A_170 = vector.broadcast %jit3A_169 : i32 to vector<16xi32>
      %select_n3A_171 = arith.select %and3A_168, %add3A_161, %broadcast_in_dim3A_170 : vector<16xi1>, vector<16xi32>
      %swap3A_172 = arith.index_cast %scan3A_95 : i32 to index
      %swap3A_173 = arith.constant 48 : index
      %swap3A_174 = tpu.vector_load %arg8[%swap3A_172, %swap3A_173] {strides = array<i32>} : memref<125x80xi32, #tpu.memory_space<vmem>>, vector<1x16xi32>,
      %swap3A_175 = vector.shape_cast %swap3A_174 : vector<1x16xi32> to vector<16xi32>
      %swap3A_176 = vector.shape_cast %select_n3A_171 : vector<16xi32> to vector<1x16xi32>
      tpu.vector_store %arg8[%swap3A_172, %swap3A_173], %swap3A_176 {strides = array<i32>} : memref<125x80xi32, #tpu.memory_space<vmem>>, vector<1x16xi32>,
      %get3A_177 = arith.index_cast %scan3A_95 : i32 to index
      %get3A_178 = arith.constant 64 : index
      %get3A_179 = tpu.vector_load %arg7[%get3A_177, %get3A_178] {strides = array<i32>} : memref<125x80xi32, #tpu.memory_space<vmem>>, vector<1x16xi32>,
      %get3A_180 = vector.shape_cast %get3A_179 : vector<1x16xi32> to vector<16xi32>
      %add3A_181 = arith.constant -5000 : i32
      %add3A_182 = vector.broadcast %add3A_181 : i32 to vector<16xi32>
      %add3A_183 = arith.addi %get3A_180, %add3A_182 : vector<16xi32>
      %ge3A_184 = arith.constant 0 : i32
      %ge3A_185 = vector.broadcast %ge3A_184 : i32 to vector<16xi32>
      %ge3A_186 = arith.cmpi sge, %add3A_183, %ge3A_185 : vector<16xi32>
      %lt3A_187 = arith.constant 5120 : i32
      %lt3A_188 = vector.broadcast %lt3A_187 : i32 to vector<16xi32>
      %lt3A_189 = arith.cmpi slt, %add3A_183, %lt3A_188 : vector<16xi32>
      %and3A_190 = arith.andi %ge3A_186, %lt3A_189 : vector<16xi1>
      %jit3A_191 = arith.constant 5119 : i32
      %broadcast_in_dim3A_192 = vector.broadcast %jit3A_191 : i32 to vector<16xi32>
      %select_n3A_193 = arith.select %and3A_190, %add3A_183, %broadcast_in_dim3A_192 : vector<16xi1>, vector<16xi32>
      %swap3A_194 = arith.index_cast %scan3A_95 : i32 to index
      %swap3A_195 = arith.constant 64 : index
      %swap3A_196 = tpu.vector_load %arg8[%swap3A_194, %swap3A_195] {strides = array<i32>} : memref<125x80xi32, #tpu.memory_space<vmem>>, vector<1x16xi32>,
      %swap3A_197 = vector.shape_cast %swap3A_196 : vector<1x16xi32> to vector<16xi32>
      %swap3A_198 = vector.shape_cast %select_n3A_193 : vector<16xi32> to vector<1x16xi32>
      tpu.vector_store %arg8[%swap3A_194, %swap3A_195], %swap3A_198 {strides = array<i32>} : memref<125x80xi32, #tpu.memory_space<vmem>>, vector<1x16xi32>,
      %scan3A_199 = arith.constant 0 : i32
      scf.yield %scan3A_199 : i32
    }
    %scan3A_55 = arith.constant 125 : i32
    %mul3A_56 = arith.constant 320 : i32
    %mul3A_57 = arith.muli %arg1, %mul3A_56 : i32
    %add3A_58 = arith.constant 0 : i32
    %add3A_59 = arith.addi %mul3A_57, %add3A_58 : i32
    "tpu.region"() ({
      %run_scoped3A_95 = tpu.sem_alloc : memref<!tpu.dma_semaphore, #tpu.memory_space<semaphore_mem>>
      %dma_start3A_96 = arith.constant 0 : i32
      %dma_start3A_97 = tpu.memref_slice %arg12[%add3A_59, %dma_start3A_96] : memref<5120x128xf32, #tpu.memory_space<vmem_shared>> -> memref<160x128xf32, #tpu.memory_space<vmem_shared>>
      %dma_start3A_98 = arith.constant 0 : i32
      %dma_start3A_99 = tpu.memref_slice %arg12[%add3A_59, %dma_start3A_98] : memref<5120x128xf32, #tpu.memory_space<vmem_shared>> -> memref<160x128xf32, #tpu.memory_space<vmem_shared>>
      tpu.enqueue_dma source(%arg11 : memref<160x128xf32, #tpu.memory_space<vmem>>) target(%dma_start3A_99 : memref<160x128xf32, #tpu.memory_space<vmem_shared>>) target_semaphore(%run_scoped3A_95 : memref<!tpu.dma_semaphore, #tpu.memory_space<semaphore_mem>>)
      %dma_wait3A_100 = arith.constant 0 : i32
      %dma_wait3A_101 = tpu.memref_slice %arg12[%add3A_59, %dma_wait3A_100] : memref<5120x128xf32, #tpu.memory_space<vmem_shared>> -> memref<160x128xf32, #tpu.memory_space<vmem_shared>>
      %dma_wait3A_102 = arith.constant 0 : i32
      %dma_wait3A_103 = tpu.memref_slice %arg12[%add3A_59, %dma_wait3A_102] : memref<5120x128xf32, #tpu.memory_space<vmem_shared>> -> memref<160x128xf32, #tpu.memory_space<vmem_shared>>
      tpu.wait_dma2 semaphore(%run_scoped3A_95 : memref<!tpu.dma_semaphore, #tpu.memory_space<semaphore_mem>>) src(%arg11 : memref<160x128xf32, #tpu.memory_space<vmem>>) dst(%dma_wait3A_103 : memref<160x128xf32, #tpu.memory_space<vmem_shared>>)
      tpu.yield
    }) : () -> ()
    %mul3A_60 = arith.constant 320 : i32
    %mul3A_61 = arith.muli %arg1, %mul3A_60 : i32
    %add3A_62 = arith.constant 160 : i32
    %add3A_63 = arith.addi %mul3A_61, %add3A_62 : i32
    "tpu.region"() ({
      %run_scoped3A_95 = tpu.sem_alloc : memref<!tpu.dma_semaphore, #tpu.memory_space<semaphore_mem>>
      %dma_start3A_96 = arith.constant 0 : i32
      %dma_start3A_97 = tpu.memref_slice %arg12[%add3A_63, %dma_start3A_96] : memref<5120x128xf32, #tpu.memory_space<vmem_shared>> -> memref<160x128xf32, #tpu.memory_space<vmem_shared>>
      %dma_start3A_98 = arith.constant 0 : i32
      %dma_start3A_99 = tpu.memref_slice %arg12[%add3A_63, %dma_start3A_98] : memref<5120x128xf32, #tpu.memory_space<vmem_shared>> -> memref<160x128xf32, #tpu.memory_space<vmem_shared>>
      tpu.enqueue_dma source(%arg11 : memref<160x128xf32, #tpu.memory_space<vmem>>) target(%dma_start3A_99 : memref<160x128xf32, #tpu.memory_space<vmem_shared>>) target_semaphore(%run_scoped3A_95 : memref<!tpu.dma_semaphore, #tpu.memory_space<semaphore_mem>>)
      %dma_wait3A_100 = arith.constant 0 : i32
      %dma_wait3A_101 = tpu.memref_slice %arg12[%add3A_63, %dma_wait3A_100] : memref<5120x128xf32, #tpu.memory_space<vmem_shared>> -> memref<160x128xf32, #tpu.memory_space<vmem_shared>>
      %dma_wait3A_102 = arith.constant 0 : i32
      %dma_wait3A_103 = tpu.memref_slice %arg12[%add3A_63, %dma_wait3A_102] : memref<5120x128xf32, #tpu.memory_space<vmem_shared>> -> memref<160x128xf32, #tpu.memory_space<vmem_shared>>
      tpu.wait_dma2 semaphore(%run_scoped3A_95 : memref<!tpu.dma_semaphore, #tpu.memory_space<semaphore_mem>>) src(%arg11 : memref<160x128xf32, #tpu.memory_space<vmem>>) dst(%dma_wait3A_103 : memref<160x128xf32, #tpu.memory_space<vmem_shared>>)
      tpu.yield
    }) : () -> ()
    %barrier3A_64 = arith.constant 0 : index
    tpu.barrier barrier_id(%barrier3A_64)
    %dma_start3A_65 = arith.constant 0 : i32
    %dma_start3A_66 = arith.constant 0 : i32
    %dma_start3A_67 = tpu.memref_slice %arg6[%dma_start3A_65, %dma_start3A_66] : memref<125x80xi32, #tpu.memory_space<vmem>> -> memref<1x80xi32, #tpu.memory_space<vmem>>
    %dma_start3A_68 = tpu.memref_squeeze %dma_start3A_67 : memref<1x80xi32, #tpu.memory_space<vmem>> -> memref<80xi32, #tpu.memory_space<vmem>>
    %dma_start3A_69 = arith.constant 0 : i32
    %dma_start3A_70 = arith.constant 0 : i32
    %dma_start3A_71 = tpu.memref_slice %arg2[%dma_start3A_69, %dma_start3A_70] : memref<10000x128xf32, #tpu.memory_space<hbm>> -> memref<10000x128xf32, #tpu.memory_space<hbm>>
    tpu.enqueue_indirect_dma source(%dma_start3A_71 : memref<10000x128xf32, #tpu.memory_space<hbm>>) target(%arg9 : memref<80x128xf32, #tpu.memory_space<vmem>>) offsets(%dma_start3A_68 : memref<80xi32, #tpu.memory_space<vmem>>) semaphore(%arg13 : memref<!tpu.dma_semaphore, #tpu.memory_space<semaphore_mem>>)
    %scan3A_72 = arith.constant 0 : i32
    %scan3A_73 = arith.constant 0 : i32
    %scan3A_74 = arith.constant 62 : i32
    %scan3A_75 = arith.addi %scan3A_73, %scan3A_74 : i32
    %scan3A_76 = arith.constant 1 : i32
    %scan3A_77 = scf.for %scan3A_95 = %scan3A_73 to %scan3A_75 step %scan3A_76 iter_args(%scan3A_96 = %scan3A_72) -> (i32)  : i32 {
      %mul3A_97 = arith.constant 2 : i32
      %mul3A_98 = arith.muli %mul3A_97, %scan3A_95 : i32
      %dma_wait3A_99 = arith.constant 0 : i32
      %dma_wait3A_100 = tpu.memref_slice %arg6[%mul3A_98, %dma_wait3A_99] : memref<125x80xi32, #tpu.memory_space<vmem>> -> memref<1x80xi32, #tpu.memory_space<vmem>>
      %dma_wait3A_101 = tpu.memref_squeeze %dma_wait3A_100 : memref<1x80xi32, #tpu.memory_space<vmem>> -> memref<80xi32, #tpu.memory_space<vmem>>
      %dma_wait3A_102 = arith.constant 0 : i32
      %dma_wait3A_103 = arith.constant 0 : i32
      %dma_wait3A_104 = tpu.memref_slice %arg2[%dma_wait3A_102, %dma_wait3A_103] : memref<10000x128xf32, #tpu.memory_space<hbm>> -> memref<10000x128xf32, #tpu.memory_space<hbm>>
      tpu.wait_indirect_dma semaphore(%arg13 : memref<!tpu.dma_semaphore, #tpu.memory_space<semaphore_mem>>) src(%dma_wait3A_104 : memref<10000x128xf32, #tpu.memory_space<hbm>>) dst(%arg9 : memref<80x128xf32, #tpu.memory_space<vmem>>)
      %add3A_105 = arith.constant 1 : i32
      %add3A_106 = arith.addi %mul3A_98, %add3A_105 : i32
      %dma_start3A_107 = arith.constant 0 : i32
      %dma_start3A_108 = tpu.memref_slice %arg6[%add3A_106, %dma_start3A_107] : memref<125x80xi32, #tpu.memory_space<vmem>> -> memref<1x80xi32, #tpu.memory_space<vmem>>
      %dma_start3A_109 = tpu.memref_squeeze %dma_start3A_108 : memref<1x80xi32, #tpu.memory_space<vmem>> -> memref<80xi32, #tpu.memory_space<vmem>>
      %dma_start3A_110 = arith.constant 0 : i32
      %dma_start3A_111 = arith.constant 0 : i32
      %dma_start3A_112 = tpu.memref_slice %arg2[%dma_start3A_110, %dma_start3A_111] : memref<10000x128xf32, #tpu.memory_space<hbm>> -> memref<10000x128xf32, #tpu.memory_space<hbm>>
      tpu.enqueue_indirect_dma source(%dma_start3A_112 : memref<10000x128xf32, #tpu.memory_space<hbm>>) target(%arg10 : memref<80x128xf32, #tpu.memory_space<vmem>>) offsets(%dma_start3A_109 : memref<80xi32, #tpu.memory_space<vmem>>) semaphore(%arg14 : memref<!tpu.dma_semaphore, #tpu.memory_space<semaphore_mem>>)
      "tpu.region"() ({
        %run_scoped3A_132 = tpu.sem_alloc : memref<!tpu.dma_semaphore, #tpu.memory_space<semaphore_mem>>
        %dma_start3A_133 = arith.constant 0 : i32
        %dma_start3A_134 = tpu.memref_slice %arg8[%mul3A_98, %dma_start3A_133] : memref<125x80xi32, #tpu.memory_space<vmem>> -> memref<1x80xi32, #tpu.memory_space<vmem>>
        %dma_start3A_135 = tpu.memref_squeeze %dma_start3A_134 : memref<1x80xi32, #tpu.memory_space<vmem>> -> memref<80xi32, #tpu.memory_space<vmem>>
        %dma_start3A_136 = arith.constant 0 : i32
        %dma_start3A_137 = arith.constant 0 : i32
        %dma_start3A_138 = tpu.memref_slice %arg12[%dma_start3A_136, %dma_start3A_137] : memref<5120x128xf32, #tpu.memory_space<vmem_shared>> -> memref<5120x128xf32, #tpu.memory_space<vmem_shared>>
        tpu.enqueue_indirect_dma source(%arg9 : memref<80x128xf32, #tpu.memory_space<vmem>>) target(%dma_start3A_138 : memref<5120x128xf32, #tpu.memory_space<vmem_shared>>) offsets(%dma_start3A_135 : memref<80xi32, #tpu.memory_space<vmem>>) semaphore(%run_scoped3A_132 : memref<!tpu.dma_semaphore, #tpu.memory_space<semaphore_mem>>) {add = true}
        %dma_wait3A_139 = arith.constant 0 : i32
        %dma_wait3A_140 = tpu.memref_slice %arg8[%mul3A_98, %dma_wait3A_139] : memref<125x80xi32, #tpu.memory_space<vmem>> -> memref<1x80xi32, #tpu.memory_space<vmem>>
        %dma_wait3A_141 = tpu.memref_squeeze %dma_wait3A_140 : memref<1x80xi32, #tpu.memory_space<vmem>> -> memref<80xi32, #tpu.memory_space<vmem>>
        %dma_wait3A_142 = arith.constant 0 : i32
        %dma_wait3A_143 = arith.constant 0 : i32
        %dma_wait3A_144 = tpu.memref_slice %arg12[%dma_wait3A_142, %dma_wait3A_143] : memref<5120x128xf32, #tpu.memory_space<vmem_shared>> -> memref<5120x128xf32, #tpu.memory_space<vmem_shared>>
        tpu.wait_indirect_dma semaphore(%run_scoped3A_132 : memref<!tpu.dma_semaphore, #tpu.memory_space<semaphore_mem>>) src(%arg9 : memref<80x128xf32, #tpu.memory_space<vmem>>) dst(%dma_wait3A_144 : memref<5120x128xf32, #tpu.memory_space<vmem_shared>>)
        tpu.yield
      }) : () -> ()
      %add3A_113 = arith.constant 1 : i32
      %add3A_114 = arith.addi %mul3A_98, %add3A_113 : i32
      %dma_wait3A_115 = arith.constant 0 : i32
      %dma_wait3A_116 = tpu.memref_slice %arg6[%add3A_114, %dma_wait3A_115] : memref<125x80xi32, #tpu.memory_space<vmem>> -> memref<1x80xi32, #tpu.memory_space<vmem>>
      %dma_wait3A_117 = tpu.memref_squeeze %dma_wait3A_116 : memref<1x80xi32, #tpu.memory_space<vmem>> -> memref<80xi32, #tpu.memory_space<vmem>>
      %dma_wait3A_118 = arith.constant 0 : i32
      %dma_wait3A_119 = arith.constant 0 : i32
      %dma_wait3A_120 = tpu.memref_slice %arg2[%dma_wait3A_118, %dma_wait3A_119] : memref<10000x128xf32, #tpu.memory_space<hbm>> -> memref<10000x128xf32, #tpu.memory_space<hbm>>
      tpu.wait_indirect_dma semaphore(%arg14 : memref<!tpu.dma_semaphore, #tpu.memory_space<semaphore_mem>>) src(%dma_wait3A_120 : memref<10000x128xf32, #tpu.memory_space<hbm>>) dst(%arg10 : memref<80x128xf32, #tpu.memory_space<vmem>>)
      %add3A_121 = arith.constant 2 : i32
      %add3A_122 = arith.addi %mul3A_98, %add3A_121 : i32
      %dma_start3A_123 = arith.constant 0 : i32
      %dma_start3A_124 = tpu.memref_slice %arg6[%add3A_122, %dma_start3A_123] : memref<125x80xi32, #tpu.memory_space<vmem>> -> memref<1x80xi32, #tpu.memory_space<vmem>>
      %dma_start3A_125 = tpu.memref_squeeze %dma_start3A_124 : memref<1x80xi32, #tpu.memory_space<vmem>> -> memref<80xi32, #tpu.memory_space<vmem>>
      %dma_start3A_126 = arith.constant 0 : i32
      %dma_start3A_127 = arith.constant 0 : i32
      %dma_start3A_128 = tpu.memref_slice %arg2[%dma_start3A_126, %dma_start3A_127] : memref<10000x128xf32, #tpu.memory_space<hbm>> -> memref<10000x128xf32, #tpu.memory_space<hbm>>
      tpu.enqueue_indirect_dma source(%dma_start3A_128 : memref<10000x128xf32, #tpu.memory_space<hbm>>) target(%arg9 : memref<80x128xf32, #tpu.memory_space<vmem>>) offsets(%dma_start3A_125 : memref<80xi32, #tpu.memory_space<vmem>>) semaphore(%arg13 : memref<!tpu.dma_semaphore, #tpu.memory_space<semaphore_mem>>)
      %add3A_129 = arith.constant 1 : i32
      %add3A_130 = arith.addi %mul3A_98, %add3A_129 : i32
      "tpu.region"() ({
        %run_scoped3A_132 = tpu.sem_alloc : memref<!tpu.dma_semaphore, #tpu.memory_space<semaphore_mem>>
        %dma_start3A_133 = arith.constant 0 : i32
        %dma_start3A_134 = tpu.memref_slice %arg8[%add3A_130, %dma_start3A_133] : memref<125x80xi32, #tpu.memory_space<vmem>> -> memref<1x80xi32, #tpu.memory_space<vmem>>
        %dma_start3A_135 = tpu.memref_squeeze %dma_start3A_134 : memref<1x80xi32, #tpu.memory_space<vmem>> -> memref<80xi32, #tpu.memory_space<vmem>>
        %dma_start3A_136 = arith.constant 0 : i32
        %dma_start3A_137 = arith.constant 0 : i32
        %dma_start3A_138 = tpu.memref_slice %arg12[%dma_start3A_136, %dma_start3A_137] : memref<5120x128xf32, #tpu.memory_space<vmem_shared>> -> memref<5120x128xf32, #tpu.memory_space<vmem_shared>>
        tpu.enqueue_indirect_dma source(%arg10 : memref<80x128xf32, #tpu.memory_space<vmem>>) target(%dma_start3A_138 : memref<5120x128xf32, #tpu.memory_space<vmem_shared>>) offsets(%dma_start3A_135 : memref<80xi32, #tpu.memory_space<vmem>>) semaphore(%run_scoped3A_132 : memref<!tpu.dma_semaphore, #tpu.memory_space<semaphore_mem>>) {add = true}
        %dma_wait3A_139 = arith.constant 0 : i32
        %dma_wait3A_140 = tpu.memref_slice %arg8[%add3A_130, %dma_wait3A_139] : memref<125x80xi32, #tpu.memory_space<vmem>> -> memref<1x80xi32, #tpu.memory_space<vmem>>
        %dma_wait3A_141 = tpu.memref_squeeze %dma_wait3A_140 : memref<1x80xi32, #tpu.memory_space<vmem>> -> memref<80xi32, #tpu.memory_space<vmem>>
        %dma_wait3A_142 = arith.constant 0 : i32
        %dma_wait3A_143 = arith.constant 0 : i32
        %dma_wait3A_144 = tpu.memref_slice %arg12[%dma_wait3A_142, %dma_wait3A_143] : memref<5120x128xf32, #tpu.memory_space<vmem_shared>> -> memref<5120x128xf32, #tpu.memory_space<vmem_shared>>
        tpu.wait_indirect_dma semaphore(%run_scoped3A_132 : memref<!tpu.dma_semaphore, #tpu.memory_space<semaphore_mem>>) src(%arg10 : memref<80x128xf32, #tpu.memory_space<vmem>>) dst(%dma_wait3A_144 : memref<5120x128xf32, #tpu.memory_space<vmem_shared>>)
        tpu.yield
      }) : () -> ()
      %scan3A_131 = arith.constant 0 : i32
      scf.yield %scan3A_131 : i32
    }
    %scan3A_78 = arith.constant 62 : i32
    %dma_wait3A_79 = arith.constant 124 : i32
    %dma_wait3A_80 = arith.constant 0 : i32
    %dma_wait3A_81 = tpu.memref_slice %arg6[%dma_wait3A_79, %dma_wait3A_80] : memref<125x80xi32, #tpu.memory_space<vmem>> -> memref<1x80xi32, #tpu.memory_space<vmem>>
    %dma_wait3A_82 = tpu.memref_squeeze %dma_wait3A_81 : memref<1x80xi32, #tpu.memory_space<vmem>> -> memref<80xi32, #tpu.memory_space<vmem>>
    %dma_wait3A_83 = arith.constant 0 : i32
    %dma_wait3A_84 = arith.constant 0 : i32
    %dma_wait3A_85 = tpu.memref_slice %arg2[%dma_wait3A_83, %dma_wait3A_84] : memref<10000x128xf32, #tpu.memory_space<hbm>> -> memref<10000x128xf32, #tpu.memory_space<hbm>>
    tpu.wait_indirect_dma semaphore(%arg13 : memref<!tpu.dma_semaphore, #tpu.memory_space<semaphore_mem>>) src(%dma_wait3A_85 : memref<10000x128xf32, #tpu.memory_space<hbm>>) dst(%arg9 : memref<80x128xf32, #tpu.memory_space<vmem>>)
    %run_scoped3A_86 = arith.constant 124 : i32
    "tpu.region"() ({
      %run_scoped3A_95 = tpu.sem_alloc : memref<!tpu.dma_semaphore, #tpu.memory_space<semaphore_mem>>
      %dma_start3A_96 = arith.constant 0 : i32
      %dma_start3A_97 = tpu.memref_slice %arg8[%run_scoped3A_86, %dma_start3A_96] : memref<125x80xi32, #tpu.memory_space<vmem>> -> memref<1x80xi32, #tpu.memory_space<vmem>>
      %dma_start3A_98 = tpu.memref_squeeze %dma_start3A_97 : memref<1x80xi32, #tpu.memory_space<vmem>> -> memref<80xi32, #tpu.memory_space<vmem>>
      %dma_start3A_99 = arith.constant 0 : i32
      %dma_start3A_100 = arith.constant 0 : i32
      %dma_start3A_101 = tpu.memref_slice %arg12[%dma_start3A_99, %dma_start3A_100] : memref<5120x128xf32, #tpu.memory_space<vmem_shared>> -> memref<5120x128xf32, #tpu.memory_space<vmem_shared>>
      tpu.enqueue_indirect_dma source(%arg9 : memref<80x128xf32, #tpu.memory_space<vmem>>) target(%dma_start3A_101 : memref<5120x128xf32, #tpu.memory_space<vmem_shared>>) offsets(%dma_start3A_98 : memref<80xi32, #tpu.memory_space<vmem>>) semaphore(%run_scoped3A_95 : memref<!tpu.dma_semaphore, #tpu.memory_space<semaphore_mem>>) {add = true}
      %dma_wait3A_102 = arith.constant 0 : i32
      %dma_wait3A_103 = tpu.memref_slice %arg8[%run_scoped3A_86, %dma_wait3A_102] : memref<125x80xi32, #tpu.memory_space<vmem>> -> memref<1x80xi32, #tpu.memory_space<vmem>>
      %dma_wait3A_104 = tpu.memref_squeeze %dma_wait3A_103 : memref<1x80xi32, #tpu.memory_space<vmem>> -> memref<80xi32, #tpu.memory_space<vmem>>
      %dma_wait3A_105 = arith.constant 0 : i32
      %dma_wait3A_106 = arith.constant 0 : i32
      %dma_wait3A_107 = tpu.memref_slice %arg12[%dma_wait3A_105, %dma_wait3A_106] : memref<5120x128xf32, #tpu.memory_space<vmem_shared>> -> memref<5120x128xf32, #tpu.memory_space<vmem_shared>>
      tpu.wait_indirect_dma semaphore(%run_scoped3A_95 : memref<!tpu.dma_semaphore, #tpu.memory_space<semaphore_mem>>) src(%arg9 : memref<80x128xf32, #tpu.memory_space<vmem>>) dst(%dma_wait3A_107 : memref<5120x128xf32, #tpu.memory_space<vmem_shared>>)
      tpu.yield
    }) : () -> ()
    %barrier3A_87 = arith.constant 0 : index
    tpu.barrier barrier_id(%barrier3A_87)
    %mul3A_88 = arith.constant 320 : i32
    %mul3A_89 = arith.muli %arg1, %mul3A_88 : i32
    %mul3A_90 = arith.constant 320 : i32
    %mul3A_91 = arith.muli %arg1, %mul3A_90 : i32
    %add3A_92 = arith.constant 5120 : i32
    %add3A_93 = arith.addi %add3A_92, %mul3A_91 : i32
    "tpu.region"() ({
      %run_scoped3A_95 = tpu.sem_alloc : memref<!tpu.dma_semaphore, #tpu.memory_space<semaphore_mem>>
      %dma_start3A_96 = arith.constant 0 : i32
      %dma_start3A_97 = tpu.memref_slice %arg5[%arg0, %add3A_93, %dma_start3A_96] : memref<2x10240x128xf32, #tpu.memory_space<hbm>> -> memref<1x320x128xf32, #tpu.memory_space<hbm>>
      %dma_start3A_98 = tpu.memref_squeeze %dma_start3A_97 : memref<1x320x128xf32, #tpu.memory_space<hbm>> -> memref<320x128xf32, #tpu.memory_space<hbm>>
      %dma_start3A_99 = arith.constant 0 : i32
      %dma_start3A_100 = tpu.memref_slice %arg12[%mul3A_89, %dma_start3A_99] : memref<5120x128xf32, #tpu.memory_space<vmem_shared>> -> memref<320x128xf32, #tpu.memory_space<vmem_shared>>
      tpu.enqueue_dma source(%dma_start3A_100 : memref<320x128xf32, #tpu.memory_space<vmem_shared>>) target(%dma_start3A_98 : memref<320x128xf32, #tpu.memory_space<hbm>>) target_semaphore(%run_scoped3A_95 : memref<!tpu.dma_semaphore, #tpu.memory_space<semaphore_mem>>)
      %dma_wait3A_101 = arith.constant 0 : i32
      %dma_wait3A_102 = tpu.memref_slice %arg5[%arg0, %add3A_93, %dma_wait3A_101] : memref<2x10240x128xf32, #tpu.memory_space<hbm>> -> memref<1x320x128xf32, #tpu.memory_space<hbm>>
      %dma_wait3A_103 = tpu.memref_squeeze %dma_wait3A_102 : memref<1x320x128xf32, #tpu.memory_space<hbm>> -> memref<320x128xf32, #tpu.memory_space<hbm>>
      %dma_wait3A_104 = arith.constant 0 : i32
      %dma_wait3A_105 = tpu.memref_slice %arg12[%mul3A_89, %dma_wait3A_104] : memref<5120x128xf32, #tpu.memory_space<vmem_shared>> -> memref<320x128xf32, #tpu.memory_space<vmem_shared>>
      tpu.wait_dma2 semaphore(%run_scoped3A_95 : memref<!tpu.dma_semaphore, #tpu.memory_space<semaphore_mem>>) src(%dma_wait3A_105 : memref<320x128xf32, #tpu.memory_space<vmem_shared>>) dst(%dma_wait3A_103 : memref<320x128xf32, #tpu.memory_space<hbm>>)
      tpu.yield
    }) : () -> ()
    %barrier3A_94 = arith.constant 0 : index
    tpu.barrier barrier_id(%barrier3A_94)
    return
  }
}

module attributes {stable_mosaic.version = 14 : i64} {
  func.func @_tc_in(%arg0: i32, %arg1: memref<1000x128xf32, #tpu.memory_space<vmem>>, %arg2: memref<128x128xf32, #tpu.memory_space<vmem>>, %arg3: memref<1000x32xf32, #tpu.memory_space<vmem>>, %arg4: memref<1000x128xf32, #tpu.memory_space<vmem>>) attributes {dimension_semantics = [#tpu.dimension_semantics<arbitrary>], iteration_bounds = array<i64: 10>, scalar_prefetch = 0 : i64, scratch_operands = 0 : i64, tpu.core_type = #tpu.core_type<tc>, window_params = [{transform_indices = @transform_0, window_bounds = array<i64: 1000, 128>}, {pipeline_mode = #tpu.pipeline_mode<synchronous>, transform_indices = @transform_1, window_bounds = array<i64: 128, 128>}, {transform_indices = @transform_2, window_bounds = array<i64: 1000, 32>}, {transform_indices = @transform_3, window_bounds = array<i64: 1000, 128>}]} {
    %get3A = arith.constant 0 : index
    %get3A_0 = arith.constant 0 : index
    %get3A_1 = vector.load %arg3[%get3A, %get3A_0] : memref<1000x32xf32, #tpu.memory_space<vmem>>, vector<1000x32xf32>
    %reduce_sum3A = arith.constant dense<0.000000e+00> : vector<1000xf32>
    %reduce_sum3A_2 = vector.multi_reduction <add>, %get3A_1, %reduce_sum3A [1] : vector<1000x32xf32> to vector<1000xf32>
    %add3A = arith.constant 1.000000e+00 : f32
    %add3A_3 = vector.broadcast %add3A : f32 to vector<1000xf32>
    %add3A_4 = arith.addf %reduce_sum3A_2, %add3A_3 : vector<1000xf32>
    %rsqrt3A = math.rsqrt %add3A_4 : vector<1000xf32>
    %get3A_5 = arith.constant 0 : index
    %get3A_6 = arith.constant 0 : index
    %get3A_7 = vector.load %arg1[%get3A_5, %get3A_6] : memref<1000x128xf32, #tpu.memory_space<vmem>>, vector<1000x128xf32>
    %get3A_8 = arith.constant 0 : index
    %get3A_9 = arith.constant 0 : index
    %get3A_10 = vector.load %arg2[%get3A_8, %get3A_9] : memref<128x128xf32, #tpu.memory_space<vmem>>, vector<128x128xf32>
    %dot_general3A = arith.constant dense<0.000000e+00> : vector<1000x128xf32>
    %dot_general3A_11 = tpu.matmul %get3A_7, %get3A_10, %dot_general3A {dimension_numbers = #tpu.dot_dimension_numbers<[1], [0], [0], [1], [0, 0, 1, 1], [], []>, transpose_lhs_hint = false} : vector<1000x128xf32>, vector<128x128xf32>, vector<1000x128xf32> -> vector<1000x128xf32>
    %broadcast_in_dim3A = vector.shape_cast %rsqrt3A : vector<1000xf32> to vector<1000x1xf32>
    %mul3A = vector.broadcast %broadcast_in_dim3A : vector<1000x1xf32> to vector<1000x128xf32>
    %mul3A_12 = arith.mulf %dot_general3A_11, %mul3A : vector<1000x128xf32>
    %swap3A = arith.constant 0 : index
    %swap3A_13 = arith.constant 0 : index
    %swap3A_14 = vector.load %arg4[%swap3A, %swap3A_13] : memref<1000x128xf32, #tpu.memory_space<vmem>>, vector<1000x128xf32>
    tpu.vector_store %arg4[%swap3A, %swap3A_13], %mul3A_12 {strides = array<i32>} : memref<1000x128xf32, #tpu.memory_space<vmem>>, vector<1000x128xf32>,
    return
  }
  func.func @transform_0(%arg0: i32) -> (i32, i32) {
    %c0_i32 = arith.constant 0 : i32
    %c0_i32_0 = arith.constant 0 : i32
    return %arg0, %c0_i32 : i32, i32
  }
  func.func @transform_1(%arg0: i32) -> (i32, i32) {
    %c0_i32 = arith.constant 0 : i32
    %c0_i32_0 = arith.constant 0 : i32
    %c0_i32_1 = arith.constant 0 : i32
    return %c0_i32, %c0_i32_0 : i32, i32
  }
  func.func @transform_2(%arg0: i32) -> (i32, i32) {
    %c0_i32 = arith.constant 0 : i32
    %c0_i32_0 = arith.constant 0 : i32
    return %arg0, %c0_i32 : i32, i32
  }
  func.func @transform_3(%arg0: i32) -> (i32, i32) {
    %c0_i32 = arith.constant 0 : i32
    %c0_i32_0 = arith.constant 0 : i32
    return %arg0, %c0_i32 : i32, i32
  }
}

module attributes {stable_mosaic.version = 14 : i64} {
  func.func @_tc_mid(%arg0: i32, %arg1: memref<1x1000x128xf32, #tpu.memory_space<vmem>>, %arg2: memref<1x1000x128xf32, #tpu.memory_space<vmem>>, %arg3: memref<1000x128xf32, #tpu.memory_space<vmem>>, %arg4: memref<1000x32xf32, #tpu.memory_space<vmem>>, %arg5: memref<128x128xf32, #tpu.memory_space<vmem>>, %arg6: memref<1x128xf32, #tpu.memory_space<vmem>>, %arg7: memref<1000x128xf32, #tpu.memory_space<vmem>>) attributes {dimension_semantics = [#tpu.dimension_semantics<arbitrary>], iteration_bounds = array<i64: 10>, scalar_prefetch = 0 : i64, scratch_operands = 0 : i64, tpu.core_type = #tpu.core_type<tc>, window_params = [{transform_indices = @transform_0, window_bounds = array<i64: 1, 1000, 128>}, {transform_indices = @transform_1, window_bounds = array<i64: 1, 1000, 128>}, {transform_indices = @transform_2, window_bounds = array<i64: 1000, 128>}, {transform_indices = @transform_3, window_bounds = array<i64: 1000, 32>}, {pipeline_mode = #tpu.pipeline_mode<synchronous>, transform_indices = @transform_4, window_bounds = array<i64: 128, 128>}, {pipeline_mode = #tpu.pipeline_mode<synchronous>, transform_indices = @transform_5, window_bounds = array<i64: 1, 128>}, {transform_indices = @transform_6, window_bounds = array<i64: 1000, 128>}]} {
    %get3A = arith.constant 0 : index
    %get3A_0 = arith.constant 0 : index
    %get3A_1 = vector.load %arg4[%get3A, %get3A_0] : memref<1000x32xf32, #tpu.memory_space<vmem>>, vector<1000x32xf32>
    %reduce_sum3A = arith.constant dense<0.000000e+00> : vector<1000xf32>
    %reduce_sum3A_2 = vector.multi_reduction <add>, %get3A_1, %reduce_sum3A [1] : vector<1000x32xf32> to vector<1000xf32>
    %add3A = arith.constant 1.000000e+00 : f32
    %add3A_3 = vector.broadcast %add3A : f32 to vector<1000xf32>
    %add3A_4 = arith.addf %reduce_sum3A_2, %add3A_3 : vector<1000xf32>
    %rsqrt3A = math.rsqrt %add3A_4 : vector<1000xf32>
    %get3A_5 = arith.constant 0 : index
    %get3A_6 = arith.constant 0 : index
    %get3A_7 = arith.constant 0 : index
    %get3A_8 = vector.load %arg1[%get3A_5, %get3A_6, %get3A_7] : memref<1x1000x128xf32, #tpu.memory_space<vmem>>, vector<1x1000x128xf32>
    %get3A_9 = vector.shape_cast %get3A_8 : vector<1x1000x128xf32> to vector<1000x128xf32>
    %get3A_10 = arith.constant 0 : index
    %get3A_11 = arith.constant 0 : index
    %get3A_12 = arith.constant 0 : index
    %get3A_13 = vector.load %arg2[%get3A_10, %get3A_11, %get3A_12] : memref<1x1000x128xf32, #tpu.memory_space<vmem>>, vector<1x1000x128xf32>
    %get3A_14 = vector.shape_cast %get3A_13 : vector<1x1000x128xf32> to vector<1000x128xf32>
    %add3A_15 = arith.addf %get3A_9, %get3A_14 : vector<1000x128xf32>
    %get3A_16 = arith.constant 0 : index
    %get3A_17 = arith.constant 0 : index
    %get3A_18 = vector.load %arg3[%get3A_16, %get3A_17] : memref<1000x128xf32, #tpu.memory_space<vmem>>, vector<1000x128xf32>
    %add3A_19 = arith.addf %add3A_15, %get3A_18 : vector<1000x128xf32>
    %broadcast_in_dim3A = vector.shape_cast %rsqrt3A : vector<1000xf32> to vector<1000x1xf32>
    %mul3A = vector.broadcast %broadcast_in_dim3A : vector<1000x1xf32> to vector<1000x128xf32>
    %mul3A_20 = arith.mulf %add3A_19, %mul3A : vector<1000x128xf32>
    %get3A_21 = arith.constant 0 : index
    %get3A_22 = arith.constant 0 : index
    %get3A_23 = vector.load %arg6[%get3A_21, %get3A_22] : memref<1x128xf32, #tpu.memory_space<vmem>>, vector<1x128xf32>
    %add3A_24 = vector.broadcast %get3A_23 : vector<1x128xf32> to vector<1000x128xf32>
    %add3A_25 = arith.addf %mul3A_20, %add3A_24 : vector<1000x128xf32>
    %max3A = arith.constant 0.000000e+00 : f32
    %max3A_26 = vector.broadcast %max3A : f32 to vector<1000x128xf32>
    %max3A_27 = arith.maximumf %add3A_25, %max3A_26 : vector<1000x128xf32>
    %get3A_28 = arith.constant 0 : index
    %get3A_29 = arith.constant 0 : index
    %get3A_30 = vector.load %arg5[%get3A_28, %get3A_29] : memref<128x128xf32, #tpu.memory_space<vmem>>, vector<128x128xf32>
    %dot_general3A = arith.constant dense<0.000000e+00> : vector<1000x128xf32>
    %dot_general3A_31 = tpu.matmul %max3A_27, %get3A_30, %dot_general3A {dimension_numbers = #tpu.dot_dimension_numbers<[1], [0], [0], [1], [0, 0, 1, 1], [], []>, transpose_lhs_hint = false} : vector<1000x128xf32>, vector<128x128xf32>, vector<1000x128xf32> -> vector<1000x128xf32>
    %broadcast_in_dim3A_32 = vector.shape_cast %rsqrt3A : vector<1000xf32> to vector<1000x1xf32>
    %mul3A_33 = vector.broadcast %broadcast_in_dim3A_32 : vector<1000x1xf32> to vector<1000x128xf32>
    %mul3A_34 = arith.mulf %dot_general3A_31, %mul3A_33 : vector<1000x128xf32>
    %swap3A = arith.constant 0 : index
    %swap3A_35 = arith.constant 0 : index
    %swap3A_36 = vector.load %arg7[%swap3A, %swap3A_35] : memref<1000x128xf32, #tpu.memory_space<vmem>>, vector<1000x128xf32>
    tpu.vector_store %arg7[%swap3A, %swap3A_35], %mul3A_34 {strides = array<i32>} : memref<1000x128xf32, #tpu.memory_space<vmem>>, vector<1000x128xf32>,
    return
  }
  func.func @transform_0(%arg0: i32) -> (i32, i32, i32) {
    %c0_i32 = arith.constant 0 : i32
    %c0_i32_0 = arith.constant 0 : i32
    %c0_i32_1 = arith.constant 0 : i32
    return %c0_i32, %arg0, %c0_i32_0 : i32, i32, i32
  }
  func.func @transform_1(%arg0: i32) -> (i32, i32, i32) {
    %c1_i32 = arith.constant 1 : i32
    %c0_i32 = arith.constant 0 : i32
    %c0_i32_0 = arith.constant 0 : i32
    return %c1_i32, %arg0, %c0_i32 : i32, i32, i32
  }
  func.func @transform_2(%arg0: i32) -> (i32, i32) {
    %c0_i32 = arith.constant 0 : i32
    %c0_i32_0 = arith.constant 0 : i32
    return %arg0, %c0_i32 : i32, i32
  }
  func.func @transform_3(%arg0: i32) -> (i32, i32) {
    %c0_i32 = arith.constant 0 : i32
    %c0_i32_0 = arith.constant 0 : i32
    return %arg0, %c0_i32 : i32, i32
  }
  func.func @transform_4(%arg0: i32) -> (i32, i32) {
    %c0_i32 = arith.constant 0 : i32
    %c0_i32_0 = arith.constant 0 : i32
    %c0_i32_1 = arith.constant 0 : i32
    return %c0_i32, %c0_i32_0 : i32, i32
  }
  func.func @transform_5(%arg0: i32) -> (i32, i32) {
    %c0_i32 = arith.constant 0 : i32
    %c0_i32_0 = arith.constant 0 : i32
    %c0_i32_1 = arith.constant 0 : i32
    return %c0_i32, %c0_i32_0 : i32, i32
  }
  func.func @transform_6(%arg0: i32) -> (i32, i32) {
    %c0_i32 = arith.constant 0 : i32
    %c0_i32_0 = arith.constant 0 : i32
    return %arg0, %c0_i32 : i32, i32
  }
}

module attributes {stable_mosaic.version = 14 : i64} {
  func.func @_tc_out(%arg0: i32, %arg1: memref<1x1000x128xf32, #tpu.memory_space<vmem>>, %arg2: memref<1x1000x128xf32, #tpu.memory_space<vmem>>, %arg3: memref<1000x128xf32, #tpu.memory_space<vmem>>, %arg4: memref<1000x32xf32, #tpu.memory_space<vmem>>, %arg5: memref<128x64xf32, #tpu.memory_space<vmem>>, %arg6: memref<1x128xf32, #tpu.memory_space<vmem>>, %arg7: memref<1x64xf32, #tpu.memory_space<vmem>>, %arg8: memref<1000x64xf32, #tpu.memory_space<vmem>>) attributes {dimension_semantics = [#tpu.dimension_semantics<arbitrary>], iteration_bounds = array<i64: 10>, scalar_prefetch = 0 : i64, scratch_operands = 0 : i64, tpu.core_type = #tpu.core_type<tc>, window_params = [{transform_indices = @transform_0, window_bounds = array<i64: 1, 1000, 128>}, {transform_indices = @transform_1, window_bounds = array<i64: 1, 1000, 128>}, {transform_indices = @transform_2, window_bounds = array<i64: 1000, 128>}, {transform_indices = @transform_3, window_bounds = array<i64: 1000, 32>}, {pipeline_mode = #tpu.pipeline_mode<synchronous>, transform_indices = @transform_4, window_bounds = array<i64: 128, 64>}, {pipeline_mode = #tpu.pipeline_mode<synchronous>, transform_indices = @transform_5, window_bounds = array<i64: 1, 128>}, {pipeline_mode = #tpu.pipeline_mode<synchronous>, transform_indices = @transform_6, window_bounds = array<i64: 1, 64>}, {transform_indices = @transform_7, window_bounds = array<i64: 1000, 64>}]} {
    %get3A = arith.constant 0 : index
    %get3A_0 = arith.constant 0 : index
    %get3A_1 = vector.load %arg4[%get3A, %get3A_0] : memref<1000x32xf32, #tpu.memory_space<vmem>>, vector<1000x32xf32>
    %reduce_sum3A = arith.constant dense<0.000000e+00> : vector<1000xf32>
    %reduce_sum3A_2 = vector.multi_reduction <add>, %get3A_1, %reduce_sum3A [1] : vector<1000x32xf32> to vector<1000xf32>
    %add3A = arith.constant 1.000000e+00 : f32
    %add3A_3 = vector.broadcast %add3A : f32 to vector<1000xf32>
    %add3A_4 = arith.addf %reduce_sum3A_2, %add3A_3 : vector<1000xf32>
    %rsqrt3A = math.rsqrt %add3A_4 : vector<1000xf32>
    %get3A_5 = arith.constant 0 : index
    %get3A_6 = arith.constant 0 : index
    %get3A_7 = arith.constant 0 : index
    %get3A_8 = vector.load %arg1[%get3A_5, %get3A_6, %get3A_7] : memref<1x1000x128xf32, #tpu.memory_space<vmem>>, vector<1x1000x128xf32>
    %get3A_9 = vector.shape_cast %get3A_8 : vector<1x1000x128xf32> to vector<1000x128xf32>
    %get3A_10 = arith.constant 0 : index
    %get3A_11 = arith.constant 0 : index
    %get3A_12 = arith.constant 0 : index
    %get3A_13 = vector.load %arg2[%get3A_10, %get3A_11, %get3A_12] : memref<1x1000x128xf32, #tpu.memory_space<vmem>>, vector<1x1000x128xf32>
    %get3A_14 = vector.shape_cast %get3A_13 : vector<1x1000x128xf32> to vector<1000x128xf32>
    %add3A_15 = arith.addf %get3A_9, %get3A_14 : vector<1000x128xf32>
    %get3A_16 = arith.constant 0 : index
    %get3A_17 = arith.constant 0 : index
    %get3A_18 = vector.load %arg3[%get3A_16, %get3A_17] : memref<1000x128xf32, #tpu.memory_space<vmem>>, vector<1000x128xf32>
    %add3A_19 = arith.addf %add3A_15, %get3A_18 : vector<1000x128xf32>
    %broadcast_in_dim3A = vector.shape_cast %rsqrt3A : vector<1000xf32> to vector<1000x1xf32>
    %mul3A = vector.broadcast %broadcast_in_dim3A : vector<1000x1xf32> to vector<1000x128xf32>
    %mul3A_20 = arith.mulf %add3A_19, %mul3A : vector<1000x128xf32>
    %get3A_21 = arith.constant 0 : index
    %get3A_22 = arith.constant 0 : index
    %get3A_23 = vector.load %arg6[%get3A_21, %get3A_22] : memref<1x128xf32, #tpu.memory_space<vmem>>, vector<1x128xf32>
    %add3A_24 = vector.broadcast %get3A_23 : vector<1x128xf32> to vector<1000x128xf32>
    %add3A_25 = arith.addf %mul3A_20, %add3A_24 : vector<1000x128xf32>
    %max3A = arith.constant 0.000000e+00 : f32
    %max3A_26 = vector.broadcast %max3A : f32 to vector<1000x128xf32>
    %max3A_27 = arith.maximumf %add3A_25, %max3A_26 : vector<1000x128xf32>
    %get3A_28 = arith.constant 0 : index
    %get3A_29 = arith.constant 0 : index
    %get3A_30 = vector.load %arg5[%get3A_28, %get3A_29] : memref<128x64xf32, #tpu.memory_space<vmem>>, vector<128x64xf32>
    %dot_general3A = arith.constant dense<0.000000e+00> : vector<1000x64xf32>
    %dot_general3A_31 = tpu.matmul %max3A_27, %get3A_30, %dot_general3A {dimension_numbers = #tpu.dot_dimension_numbers<[1], [0], [0], [1], [0, 0, 1, 1], [], []>, transpose_lhs_hint = false} : vector<1000x128xf32>, vector<128x64xf32>, vector<1000x64xf32> -> vector<1000x64xf32>
    %get3A_32 = arith.constant 0 : index
    %get3A_33 = arith.constant 0 : index
    %get3A_34 = vector.load %arg7[%get3A_32, %get3A_33] : memref<1x64xf32, #tpu.memory_space<vmem>>, vector<1x64xf32>
    %add3A_35 = vector.broadcast %get3A_34 : vector<1x64xf32> to vector<1000x64xf32>
    %add3A_36 = arith.addf %dot_general3A_31, %add3A_35 : vector<1000x64xf32>
    %logistic3A = arith.negf %add3A_36 : vector<1000x64xf32>
    %logistic3A_37 = math.exp %logistic3A : vector<1000x64xf32>
    %logistic3A_38 = arith.constant 1.000000e+00 : f32
    %logistic3A_39 = vector.broadcast %logistic3A_38 : f32 to vector<1000x64xf32>
    %logistic3A_40 = arith.addf %logistic3A_39, %logistic3A_37 : vector<1000x64xf32>
    %logistic3A_41 = arith.divf %logistic3A_39, %logistic3A_40 : vector<1000x64xf32>
    %swap3A = arith.constant 0 : index
    %swap3A_42 = arith.constant 0 : index
    %swap3A_43 = vector.load %arg8[%swap3A, %swap3A_42] : memref<1000x64xf32, #tpu.memory_space<vmem>>, vector<1000x64xf32>
    tpu.vector_store %arg8[%swap3A, %swap3A_42], %logistic3A_41 {strides = array<i32>} : memref<1000x64xf32, #tpu.memory_space<vmem>>, vector<1000x64xf32>,
    return
  }
  func.func @transform_0(%arg0: i32) -> (i32, i32, i32) {
    %c0_i32 = arith.constant 0 : i32
    %c0_i32_0 = arith.constant 0 : i32
    %c0_i32_1 = arith.constant 0 : i32
    return %c0_i32, %arg0, %c0_i32_0 : i32, i32, i32
  }
  func.func @transform_1(%arg0: i32) -> (i32, i32, i32) {
    %c1_i32 = arith.constant 1 : i32
    %c0_i32 = arith.constant 0 : i32
    %c0_i32_0 = arith.constant 0 : i32
    return %c1_i32, %arg0, %c0_i32 : i32, i32, i32
  }
  func.func @transform_2(%arg0: i32) -> (i32, i32) {
    %c0_i32 = arith.constant 0 : i32
    %c0_i32_0 = arith.constant 0 : i32
    return %arg0, %c0_i32 : i32, i32
  }
  func.func @transform_3(%arg0: i32) -> (i32, i32) {
    %c0_i32 = arith.constant 0 : i32
    %c0_i32_0 = arith.constant 0 : i32
    return %arg0, %c0_i32 : i32, i32
  }
  func.func @transform_4(%arg0: i32) -> (i32, i32) {
    %c0_i32 = arith.constant 0 : i32
    %c0_i32_0 = arith.constant 0 : i32
    %c0_i32_1 = arith.constant 0 : i32
    return %c0_i32, %c0_i32_0 : i32, i32
  }
  func.func @transform_5(%arg0: i32) -> (i32, i32) {
    %c0_i32 = arith.constant 0 : i32
    %c0_i32_0 = arith.constant 0 : i32
    %c0_i32_1 = arith.constant 0 : i32
    return %c0_i32, %c0_i32_0 : i32, i32
  }
  func.func @transform_6(%arg0: i32) -> (i32, i32) {
    %c0_i32 = arith.constant 0 : i32
    %c0_i32_0 = arith.constant 0 : i32
    %c0_i32_1 = arith.constant 0 : i32
    return %c0_i32, %c0_i32_0 : i32, i32
  }
  func.func @transform_7(%arg0: i32) -> (i32, i32) {
    %c0_i32 = arith.constant 0 : i32
    %c0_i32_0 = arith.constant 0 : i32
    return %arg0, %c0_i32 : i32, i32
  }
}

</mosaic_0001>

<sc_bundles>
// kernel: kernel.11.cloned.1.call-start
scs
__scs_entry_jumppad:
0x0: {  	(pc) =	sbr.rel $0x88, $3  }
0x1: {  	(tag) =	ssettag $0x0;
	lr =	simm.s32 $0x1  }
0x2: {  	[smem:$0x3F99] =	sst lr;
	_ =	strace $0xD0000000  }
0x3: {  	_ = 	snop  }
0x4: {  	_ = 	snop  }
0x5: {  	_ = 	snop  }
0x6: {  	_ = 	snop  }
0x7: {  	_ = 	snop  }
__scs_overlays_trampoline_lowered:
0x8: {  	[smem:$0x3FA8] =	sst s0  }
0x9: {  	[smem:$0x3FA9] =	sst s1  }
0xa: {  	[smem:$0x3FAA] =	sst s2  }
0xb: {  	[smem:$0x3FAB] =	sst s3  }
0xc: {  	[smem:$0x3FAC] =	sst s4  }
0xd: {  	[smem:$0x3FAD] =	sst s5  }
0xe: {  	[smem:$0x3FAE] =	sst s6  }
0xf: {  	[smem:$0x3FAF] =	sst s7  }
0x10: {  	[smem:$0x3FB0] =	sst s8  }
0x11: {  	[smem:$0x3FB1] =	sst s9;
	s0 =	simm.s32 @!p0 $0x0  }
0x12: {  	s1 =	sld [smem:$0x3F97];
	s0 =	simm.s32 @p0 $0x1  }
0x13: {  	[smem:$0x3FB2] =	sst s0;
	s0 =	simm.s32 @!p1 $0x0  }
0x14: {  	s2 =	sld [smem:$0x3F96];
	s0 =	simm.s32 @p1 $0x1  }
0x15: {  	[smem:$0x3FB3] =	sst s0;
	s0 =	simm.s32 @!p2 $0x0  }
0x16: {  	s3 =	sld [smem:$0x3FDB];
	s0 =	simm.s32 @p2 $0x1  }
0x17: {  	s4 =	simm.s32 $0x1BF5;
	[smem:$0x3FB5] =	sst s0  }
0x18: {  	s0 =	sld [smem:$0x3F98];
	_ =	swait.ge [sflag:s4], $0x0  }
0x19: {  	s7 =	sld [smem:$0x3F99]  }
0x1a: {  	s8 =	sadd.s32 $0xFFFFE003, lr  }
0x1b: {  	s9 =	sadd.s32 $0xFFFFFEF7, lr;
	s5 =	simm.s32 $0xFFFFFFFF;
	p2 =	slt.u32 s8, $0xFFFFF086  }
0x1c: {  	p1 =	slt.u32 s9, $0xF7A;
	s5 =	simm.s32 @!p2 $0x0  }
0x1d: {  	s5 =	simm.s32 @p1 $0x1;
	p0 =	seq.s32 s7, s2  }
0x1e: {  	s7 =	smul.u32 @!p0 $0xF7A, s2;
	p2 =	seq.s32 @!p0 s5, $0x0  }
0x1f: {  	s9 =	smul.u32 $0xF7A, s1;
	s8 =	simm.s32 @!p0 $0x1BF5;
	p2 =	por !p2, p0  }
0x20: {  	[sflag:s8] =	ssyncset.s32 @!p0 $0xFFFFF086;
	s6 =	sadd.s32 @!p0 s3, s7;
	s7 =	simm.s32 @!p0 $0x108  }
0x21: {  	s3 =	sadd.s32 s3, s9;
	s6 =	sadd.s32 @!p0 $0x88, s6;
	s7 =	simm.s32 @p2 $0x1082  }
0x22: {  	[simem:s7], [sflag:s8] =	dma.local @!p0 [hbm:s6], $0xF7A  }
0x23: {  	s9 =	sor.u32 $0xD0000000, s2;
	s6 =	simm.s32 $0x108;
	_ =	swait.ge @!p0 [sflag:s8], $0x0  }
0x24: {  	s3 =	sadd.s32 $0x88, s3;
	s6 =	simm.s32 @!p1 $0x1082;
	[sflag:s4] =	ssyncset.s32 $0xFFFFF086  }
0x25: {  	[simem:s6], [sflag:s4] =	dma.local [hbm:s3], $0xF7A  }
0x26: {  	[smem:$0x3F99] =	sst s1;
	(tag) =	ssettag s2;
	_ =	strace s9  }
0x27: {  	s1 =	sld [smem:$0x3FA9]  }
0x28: {  	s2 =	sld [smem:$0x3FAA]  }
0x29: {  	s4 =	sld [smem:$0x3FAC]  }
0x2a: {  	p0 =	seq.s32 s5, $0x0;
	s5 =	sld [smem:$0x3FAD]  }
0x2b: {  	s6 =	sld [smem:$0x3FAE]  }
0x2c: {  	s7 =	sld [smem:$0x3FAF]  }
0x2d: {  	s3 =	simm.s32 $0x108;
	s8 =	sld [smem:$0x3FB0]  }
0x2e: {  	s3 =	simm.s32 @!p0 $0x1082;
	s9 =	sld [smem:$0x3FB1]  }
0x2f: {  	lr =	sadd.s32 s0, s3;
	s0 =	sld [smem:$0x3FA8]  }
0x30: {  	s3 =	sld [smem:$0x3FAB]  }
0x31: {  	[smem:$0x3FB4] =	sst s10  }
0x32: {  	s10 =	sld [smem:$0x3FB2];
	_ =	sdelay $0x3  }
0x33: {  	p0 =	seq.s32 s10, $0x1;
	s10 =	sld [smem:$0x3FB4];
	_ =	sdelay $0x3  }
0x34: {  	[smem:$0x3FB4] =	sst s10  }
0x35: {  	s10 =	sld [smem:$0x3FB3];
	_ =	sdelay $0x3  }
0x36: {  	p1 =	seq.s32 s10, $0x1;
	s10 =	sld [smem:$0x3FB4];
	_ =	sdelay $0x3  }
0x37: {  	[smem:$0x3FB4] =	sst s10  }
0x38: {  	s10 =	sld [smem:$0x3FB5]  }
0x39: {  	_ = 	snop;
	(pc) =	sbr.ind lr, $3  }
0x3a: {  	_ = 	snop  }
0x3b: {  	_ = 	snop  }
0x3c: {  	p2 =	seq.s32 s10, $0x1;
	s10 =	sld [smem:$0x3FB4]  }
0x3d: {  	_ =	shalt  }
0x3e: {  	_ =	shalt  }
0x3f: {  	_ =	shalt  }
0x40: {  	_ =	shalt  }
0x41: {  	_ =	shalt  }
0x42: {  	_ =	shalt  }
0x43: {  	_ =	shalt  }
0x44: {  	_ =	shalt  }
0x45: {  	_ =	shalt  }
0x46: {  	_ =	shalt  }
0x47: {  	_ =	shalt  }
0x48: {  	_ =	shalt  }
0x49: {  	_ =	shalt  }
0x4a: {  	_ =	shalt  }
0x4b: {  	_ =	shalt  }
0x4c: {  	_ =	shalt  }
0x4d: {  	_ =	shalt  }
0x4e: {  	_ =	shalt  }
0x4f: {  	_ =	shalt  }
0x50: {  	_ =	shalt  }
0x51: {  	_ =	shalt  }
0x52: {  	_ =	shalt  }
0x53: {  	_ =	shalt  }
0x54: {  	_ =	shalt  }
0x55: {  	_ =	shalt  }
0x56: {  	_ =	shalt  }
0x57: {  	_ =	shalt  }
0x58: {  	_ =	shalt  }
0x59: {  	_ =	shalt  }
0x5a: {  	_ =	shalt  }
0x5b: {  	_ =	shalt  }
0x5c: {  	_ =	shalt  }
0x5d: {  	_ =	shalt  }
0x5e: {  	_ =	shalt  }
0x5f: {  	_ =	shalt  }
0x60: {  	_ =	shalt  }
0x61: {  	_ =	shalt  }
0x62: {  	_ =	shalt  }
0x63: {  	_ =	shalt  }
0x64: {  	_ =	shalt  }
0x65: {  	_ =	shalt  }
0x66: {  	_ =	shalt  }
0x67: {  	_ =	shalt  }
0x68: {  	_ =	shalt  }
0x69: {  	_ =	shalt  }
0x6a: {  	_ =	shalt  }
0x6b: {  	_ =	shalt  }
0x6c: {  	_ =	shalt  }
0x6d: {  	_ =	shalt  }
0x6e: {  	_ =	shalt  }
0x6f: {  	_ =	shalt  }
0x70: {  	_ =	shalt  }
0x71: {  	_ =	shalt  }
0x72: {  	_ =	shalt  }
0x73: {  	_ =	shalt  }
0x74: {  	_ =	shalt  }
0x75: {  	_ =	shalt  }
0x76: {  	_ =	shalt  }
0x77: {  	_ =	shalt  }
0x78: {  	_ =	shalt  }
0x79: {  	_ =	shalt  }
0x7a: {  	_ =	shalt  }
0x7b: {  	_ =	shalt  }
0x7c: {  	_ =	shalt  }
0x7d: {  	_ =	shalt  }
0x7e: {  	_ =	shalt  }
0x7f: {  	_ =	shalt  }
0x80: {  	_ =	shalt  }
0x81: {  	_ =	shalt  }
0x82: {  	_ =	shalt  }
0x83: {  	_ =	shalt  }
0x84: {  	_ =	shalt  }
0x85: {  	_ =	shalt  }
0x86: {  	_ =	shalt  }
0x87: {  	_ =	shalt  }
.Lfunc_end0:
.L_simem_size_0:
called_computation.1_lowered:
.L_overlay_start_0:
0x88: {  	s2 =	sld [smem:$0x3FD9]  }
0x89: {  	s3 =	sld [smem:$0x3FFE];
	_ =	sdelay $0x1  }
0x8a: {  	s1 =	srdreg.scid  }
0x8b: {  	s0 =	sand.u32 $0x1, s1  }
0x8c: {  	s17 =	sshll.u32 s0, $0xA;
	s2 =	sadd.s32 s3, s2  }
0x8d: {  	s2 =	sadd.s32 s2, s17  }
0x8e: {  	[smem:$0x3FC0] =	sst s2  }
0x8f: {  	_ = 	snop  }
0x90: {  	s2 =	sld [smem:$0x3FD0];
	(tm) =	ssettm $0x1  }
0x91: {  	s18 =	sld [smem:$0x3FFB];
	_ =	sdelay $0x3  }
0x92: {  	_ =	strace s18  }
0x93: {  	s3 =	sld [smem:$0x3FFC];
	_ =	sdelay $0x3  }
0x94: {  	_ =	strace s3  }
0x95: {  	s3 =	sld [smem:$0x3FFD];
	_ =	sdelay $0x3  }
0x96: {  	_ =	strace s3  }
0x97: {  	_ =	strace $0x8FFFFFFF  }
0x98: {  	s19 =	sld [smem:$0x3FDB];
	_ =	sdelay $0x1  }
0x99: {  	s4 =	simm.s32 $_scs_section_size  }
0x9a: {  	s5 =	simm.s32 $_size__tile_overlayer_lowered;
	s6 =	simm.s32 $_tile_overlayer_lowered  }
0x9b: {  	s22 =	simm.s32 $0x1BFF;
	s21 =	sshll.u32 s6, $0x1;
	s3 =	sadd.s32 s4, s19  }
0x9c: {  	s7 =	simm.s32 $0x0;
	s20 =	sshll.u32 s5, $0x1;
	s5 =	sadd.s32 s21, s3  }
0x9d: {  	[timem:s7], [sflag:s22] =	dma.local [hbm:s5], s20  }
0x9e: {  	_ =	swait.ge [sflag:s22], s20  }
0x9f: {  	s4 =	ssub.s32 $0x0, s20;
	[sflag:s22] =	ssyncset.done $0x0  }
0xa0: {  	[sflag:s22] =	ssyncadd.s32 s4;
	_ =	sdelay $0x1  }
0xa1: {  	s23 =	simm.s32 $0x1B8B  }
0xa2: {  	_ =	swait.ge [sflag:s23], $0x1  }
0xa3: {  	[sflag:s23] =	ssyncset.done $0x0  }
0xa4: {  	s25 =	simm.s32 $0x1B8E;
	s24 =	sld [smem:$0x3FFE];
	[sflag:s23] =	ssyncadd.s32 $0xFFFFFFFF  }
0xa5: {  	s26 =	simm.s32 $execute0_lowered;
	[smem:$0x3FD2] =	sst s25  }
0xa6: {  	s5 =	sshll.u32 s26, $0x1;
	_ =	strace $0x80000049;
	[dreg:$0x1] =	wrdreg $0xFFFFFFFF  }
0xa7: {  	s28 =	simm.s32 $_size_execute0_lowered;
	s3 =	sadd.s32 s3, s5;
	[dreg:$0x0] =	wrdreg $0x0  }
0xa8: {  	s5 =	sshll.u32 s28, $0x1;
	[dreg:$0x2] =	wrdreg s3  }
0xa9: {  	[dreg:$0x3] =	wrdreg s5  }
0xaa: {  	[dreg:$0x4] =	wrdreg $0xC0  }
0xab: {  	_ =	task [dreg:s7], $0x5FFFF  }
0xac: {  	[dreg:$0x1] =	wrdreg $0xFFFFFFFF  }
0xad: {  	[dreg:$0x0] =	wrdreg $0x60  }
0xae: {  	[dreg:$0x2] =	wrdreg s24  }
0xaf: {  	[dreg:$0x3] =	wrdreg s2  }
0xb0: {  	[dreg:$0x4] =	wrdreg $0x160000  }
0xb1: {  	[dreg:$0x5] =	wrdreg $0x9  }
0xb2: {  	_ =	task.clear_ibuf [dreg:s7], $0x6FFFF;
	_ =	strace $0x90000049  }
0xb3: {  	s29 =	simm.s32 $0x9;
	_ =	strace $0x8000004B  }
0xb4: {  	_ =	swait.ge [sflag:s29], $0x1  }
0xb5: {  	[sflag:s29] =	ssyncadd.s32 $0xFFFFFFFF  }
0xb6: {  	_ =	strace $0x9000004B  }
0xb7: {  	_ =	sfence  }
0xb8: {  	s30 =	sld [smem:$0x0];
	_ =	sdelay $0x2  }
0xb9: {  	s31 =	sshll.u32 s1, $0xD;
	s1 =	sshrl.u32 s1, $0x2  }
0xba: {  	s3 =	sand.u32 $0x4000, s31;
	s1 =	sadd.s32 s1, s30  }
0xbb: {  	s0 =	sor.u32 s3, s0;
	s1 =	sshll.u32 s1, $0x11  }
0xbc: {  	s0 =	sor.u32 s1, s0  }
0xbd: {  	s0 =	sadd.s32 $0x8F2B, s0  }
0xbe: {  	[sflag:s0] =	ssyncadd.remote.s32 $0x1  }
0xbf: {  	_ =	sfence.sel $0xFFFF  }
0xc0: {  	[dreg:$0x0] =	wrdreg $0xFFFFFFFF;
	(pc) =	sbr.abs _section_cstart, $3  }
0xc1: {  	[dreg:$0x1] =	wrdreg $0xFFFFFFFF  }
0xc2: {  	_ =	task.clear_ibuf [dreg:s7], $0x2FFFF;
	_ =	strace $0x9FFFFFFF  }
0xc3: {  	(tm) =	ssettm $0x7FFFFFFF  }
tec
execute0_lowered:
.L_overlay_start_1:
0x0: {  	(tag) =	ssettag $0x1  }
0x1: {  	s5 =	rddreg [dreg:$0x0]  }
0x2: {  	s6 =	rddreg [dreg:$0x1]  }
0x3: {  	s1 =	rddreg [dreg:$0x2]  }
0x4: {  	s0 =	rddreg [dreg:$0x3];
	s2 =	simm.s32 $0x0  }
0x5: {  	s3 =	srdreg.scid;
	s14 =	simm.s32 $0x11000;
	s15 =	simm.s32 $0x50  }
0x6: {  	s16 =	simm.s32 $0xC000;
	s17 =	simm.s32 $0x1;
	s18 =	simm.s32 $0xE800  }
0x7: {  	s19 =	simm.s32 $0x2;
	[smem:$0x7FF] =	sst s2;
	s7 =	sand.u32 $0x1, s3  }
0x8: {  	s20 =	simm.s32 $0xBE00;
	s3 =	stileid.u32;
	s8 =	smul.u32 $0x140000, s7  }
0x9: {  	s4 =	sadd.s32 $0x25E00, s5;
	s9 =	sshll.u32 s7, $0xF;
	s11 =	smul.u32 $0xA000, s3  }
0xa: {  	s10 =	sshll.u32 s3, $0xB;
	s30 =	smul.u32 $0x28000, s3;
	s7 =	ssub.s32 $0x2, s7  }
0xb: {  	_ =	strace $0x8000004A;
	s9 =	sor.u32 s10, s9;
	s31 =	sshrl.u32 s7, $0x1  }
0xc: {  	s12 =	sadd.s32 s9, s5;
	s8 =	sadd.s32 s11, s8;
	s10 =	sshrl.u32 s30, $0x2  }
0xd: {  	s11 =	ssub.s32 s7, s31;
	s6 =	sadd.s32 s6, s9;
	s8 =	sshrl.u32 s8, $0x3  }
0xe: {  	s7 =	sadd.s32 $0x15E00, s12;
	s13 =	sadd.s32 s8, s5;
	s5 =	sadd.s32 s10, s1  }
0xf: {  	s11 =	smax.u32 s11, $0x1;
	s12 =	simm.s32 $0x3;
	s8 =	sadd.s32 $0x5000, s5  }
0x10: {  	v0 =	vimm.f32 $0.0e+00;
	s9 =	sadd.s32 $0x4D000, s13;
	s10 =	sadd.s32 $0x61000, s13;
	s13 =	simm.s32 $0x4000  }
.LBB2_1:
0x11: {  	s21 =	simm.s32 $0x0;
	s22 =	simm.s32 $0x200  }
.LBB2_2:
0x12: {  	p0 =	sne.s32 s22, $0x13E00;
	[tilespmem:s21+$0x11070] =	vst v0  }
0x13: {  	[tilespmem:s21+$0x11000] =	vst v0  }
0x14: {  	[tilespmem:s21+$0x11010] =	vst v0  }
.Ltmp0:
0x15: {  	[tilespmem:s21+$0x11020] =	vst v0;
	(pc) =	sbr.rel @p0 .LBB2_2-.Ltmp0, $4  }
0x16: {  	[tilespmem:s21+$0x11030] =	vst v0  }
0x17: {  	[tilespmem:s21+$0x11040] =	vst v0  }
0x18: {  	[tilespmem:s21+$0x11050] =	vst v0  }
0x19: {  	[tilespmem:s21+$0x11060] =	vst v0;
	s21 =	sshra.s32 s22, $0x2;
	s22 =	sadd.s32 $0x200, s22  }
0x1a: {  	[tilespmem:s21+$0x11070] =	vst v0  }
0x1b: {  	[tilespmem:s21+$0x11000] =	vst v0  }
0x1c: {  	[tilespmem:s21+$0x11010] =	vst v0  }
0x1d: {  	[tilespmem:s21+$0x11020] =	vst v0  }
0x1e: {  	[tilespmem:s21+$0x11030] =	vst v0  }
0x1f: {  	[tilespmem:s21+$0x11040] =	vst v0  }
0x20: {  	[tilespmem:s21+$0x11050] =	vst v0  }
0x21: {  	[tilespmem:s21+$0x11060] =	vst v0;
	s31 =	simm.s32 $0x0  }
0x22: {  	[tilespmem:s31], [sflag:$0x3] =	stream.linear.gather [hbm4b:s6+s31], $0x3E80, $0x38;
	v63 =	vld [tilespmem:$0x0]  }
0x23: {  	_ =	swait.ge [sflag:s12], $0x3E80  }
0x24: {  	[sflag:s12] =	ssyncset.done $0x0  }
0x25: {  	[sflag:s12] =	ssyncadd.s32 $0xFFFFC180  }
0x26: {  	[tilespmem:s13], [sflag:$0x3] =	stream.linear.gather [hbm4b:s7+s31], $0x3E80, $0x38;
	v63 =	vld [tilespmem:$0x0]  }
0x27: {  	_ =	swait.ge [sflag:s12], $0x3E80  }
0x28: {  	[sflag:s12] =	ssyncset.done $0x0  }
0x29: {  	s22 =	simm.s32 $0x0;
	[sflag:s12] =	ssyncadd.s32 $0xFFFFC180  }
0x2a: {  	v1 =	vld [tilespmem:s22+$0x4040]  }
0x2b: {  	v2 =	vld [tilespmem:s22+$0x4000]  }
0x2c: {  	v3 =	vld [tilespmem:s22+$0x4010]  }
0x2d: {  	v6 =	vld [tilespmem:s22+$0x4020]  }
0x2e: {  	v7 =	vld [tilespmem:s22+$0x4030]  }
0x2f: {  	s21 =	simm.s32 $0x80;
	v1 =	vadd.s32 $0x78, v1  }
0x30: {  	v4 =	vld [tilespmem:s21+$0x4040];
	v2 =	vadd.s32 $0x78, v2;
	vm0 =	vlt.u32 v1, $0x1400  }
0x31: {  	v5 =	vld [tilespmem:s21+$0x4000];
	v3 =	vadd.s32 $0x78, v3;
	v8 =	vnsel vm0, $0x0, v1;
	vm0 =	vlt.u32 v2, $0x1400  }
0x32: {  	v9 =	vadd.s32 $0x78, v6;
	v1 =	vld [tilespmem:s21+$0x4010];
	[tilespmem:s22+$0x8040] =	vst v8;
	v8 =	vnsel vm0, $0x0, v2;
	vm0 =	vlt.u32 v3, $0x1400  }
0x33: {  	v6 =	vadd.s32 $0x78, v7;
	v2 =	vld [tilespmem:s21+$0x4020];
	[tilespmem:s22+$0x8000] =	vst v8;
	v8 =	vnsel vm0, $0x0, v3;
	vm0 =	vlt.u32 v9, $0x1400  }
0x34: {  	s23 =	simm.s32 $0x400;
	v3 =	vld [tilespmem:s21+$0x4030];
	[tilespmem:s22+$0x8010] =	vst v8;
	v7 =	vnsel vm0, $0x0, v9;
	vm0 =	vlt.u32 v6, $0x1400  }
.LBB2_4:
0x35: {  	s24 =	sshra.s32 s23, $0x2;
	p0 =	sne.s32 s23, $0xF800;
	s23 =	sadd.s32 $0x200, s23;
	v8 =	vadd.s32 $0x78, v4;
	[tilespmem:s22+$0x8020] =	vst v7;
	v6 =	vnsel vm0, $0x0, v6  }
.Ltmp1:
0x36: {  	v4 =	vld [tilespmem:s24+$0x4040];
	v7 =	vadd.s32 $0x78, v5;
	vm0 =	vlt.u32 v8, $0x1400;
	[tilespmem:s22+$0x8030] =	vst v6;
	s22 =	smov.u32 s21;
	s21 =	smov.u32 s24;
	(pc) =	sbr.rel @p0 .LBB2_4-.Ltmp1, $4  }
0x37: {  	v5 =	vld [tilespmem:s21+$0x4000];
	vm1 =	vlt.u32 v7, $0x1400;
	v6 =	vadd.s32 $0x78, v1;
	v8 =	vnsel vm0, $0x0, v8  }
0x38: {  	v1 =	vld [tilespmem:s21+$0x4010];
	v7 =	vnsel vm1, $0x0, v7;
	vm0 =	vlt.u32 v6, $0x1400;
	v9 =	vadd.s32 $0x78, v2;
	[tilespmem:s22+$0x8040] =	vst v8  }
0x39: {  	v2 =	vld [tilespmem:s21+$0x4020];
	[tilespmem:s22+$0x8000] =	vst v7;
	v7 =	vnsel vm0, $0x0, v6;
	vm0 =	vlt.u32 v9, $0x1400;
	v6 =	vadd.s32 $0x78, v3  }
0x3a: {  	v3 =	vld [tilespmem:s21+$0x4030];
	[tilespmem:s22+$0x8010] =	vst v7;
	v7 =	vnsel vm0, $0x0, v9;
	vm0 =	vlt.u32 v6, $0x1400  }
0x3b: {  	v4 =	vadd.s32 $0x78, v4  }
0x3c: {  	[tilespmem:s22+$0x8020] =	vst v7;
	v6 =	vnsel vm0, $0x0, v6;
	v5 =	vadd.s32 $0x78, v5;
	vm12 =	vlt.u32 v4, $0x1400  }
0x3d: {  	[tilespmem:s22+$0x8030] =	vst v6;
	vm1 =	vlt.u32 v5, $0x1400;
	v1 =	vadd.s32 $0x78, v1;
	v4 =	vnsel vm12, $0x0, v4  }
0x3e: {  	v5 =	vnsel vm1, $0x0, v5;
	vm13 =	vlt.u32 v1, $0x1400;
	v2 =	vadd.s32 $0x78, v2;
	[tilespmem:s21+$0x8040] =	vst v4  }
0x3f: {  	[tilespmem:s21+$0x8000] =	vst v5;
	v1 =	vnsel vm13, $0x0, v1;
	vm14 =	vlt.u32 v2, $0x1400;
	v3 =	vadd.s32 $0x78, v3  }
0x40: {  	[tilespmem:s21+$0x8010] =	vst v1;
	v1 =	vnsel vm14, $0x0, v2;
	vm15 =	vlt.u32 v3, $0x1400  }
0x41: {  	[tilespmem:s21+$0x8020] =	vst v1;
	v1 =	vnsel vm15, $0x0, v3  }
0x42: {  	[tilespmem:s21+$0x8030] =	vst v1  }
0x43: {  	[spmem:s5] =	stream.linear.scatter [tilespmem:s14], [sflag:$0x3], $0x5000, $0x38;
	v63 =	vld [tilespmem:$0x0]  }
0x44: {  	_ =	swait.ge [sflag:s12], $0x5000  }
0x45: {  	[sflag:s12] =	ssyncset.done $0x0  }
0x46: {  	[sflag:s12] =	ssyncadd.s32 $0xFFFFB000  }
0x47: {  	[spmem:s8] =	stream.linear.scatter [tilespmem:s14], [sflag:$0x3], $0x5000, $0x38;
	v63 =	vld [tilespmem:$0x0]  }
0x48: {  	_ =	swait.ge [sflag:s12], $0x5000  }
0x49: {  	[sflag:s12] =	ssyncset.done $0x0  }
0x4a: {  	[sflag:s12] =	ssyncadd.s32 $0xFFFFB000  }
0x4b: {  	s26 =	simm.s32 $0x0;
	[bflag:$0x0] =	sbarrier.arrive $0xFFFF  }
0x4c: {  	[tilespmem:s16], [sflag:$0x1] =	stream.indirect.gather [hbm4b:s4+s15], $0x80, s26, s15, $0xb8;
	v63 =	vld [tilespmem:$0x0]  }
0x4d: {  	_ =	swait.ge [sflag:s17], $0x2800  }
0x4e: {  	[sflag:s17] =	ssyncset.done $0x0  }
0x4f: {  	s28 =	simm.s32 $0x80;
	[sflag:s17] =	ssyncadd.s32 $0xFFFFD800  }
0x50: {  	[tilespmem:s18], [sflag:$0x2] =	stream.indirect.gather [hbm4b:s4+s15], $0x80, s28, s15, $0xb8;
	v63 =	vld [tilespmem:$0x0]  }
0x51: {  	s29 =	simm.s32 $0x8000  }
0x52: {  	[spmem:s1] =	stream.indirect.scatter.add.f32 [tilespmem:s16], [sflag:$0x3], $0x80, s29, s15, $0xb8;
	v63 =	vld [tilespmem:$0x0]  }
0x53: {  	_ =	swait.ge [sflag:s12], $0x2800  }
0x54: {  	[sflag:s12] =	ssyncset.done $0x0  }
0x55: {  	[sflag:s12] =	ssyncadd.s32 $0xFFFFD800  }
0x56: {  	_ =	swait.ge [sflag:s19], $0x2800  }
0x57: {  	[sflag:s19] =	ssyncset.done $0x0  }
0x58: {  	s30 =	simm.s32 $0x100;
	[sflag:s19] =	ssyncadd.s32 $0xFFFFD800  }
0x59: {  	[tilespmem:s16], [sflag:$0x1] =	stream.indirect.gather [hbm4b:s4+s15], $0x80, s30, s15, $0xb8;
	v63 =	vld [tilespmem:$0x0]  }
0x5a: {  	s31 =	simm.s32 $0x8080  }
0x5b: {  	[spmem:s1] =	stream.indirect.scatter.add.f32 [tilespmem:s18], [sflag:$0x3], $0x80, s31, s15, $0xb8;
	v63 =	vld [tilespmem:$0x0]  }
0x5c: {  	_ =	swait.ge [sflag:s12], $0x2800  }
0x5d: {  	s21 =	simm.s32 $0x400;
	[sflag:s12] =	ssyncset.done $0x0  }
.LBB2_6:
0x5e: {  	p0 =	sne.s32 s21, $0xF400  }
0x5f: {  	[sflag:s12] =	ssyncadd.s32 $0xFFFFD800;
	s22 =	smov.u32 s21;
	s21 =	sadd.s32 $0x400, s21  }
0x60: {  	_ = 	snop  }
0x61: {  	_ =	swait.ge [sflag:s17], $0x2800  }
0x62: {  	s22 =	sshra.s32 s22, $0x2;
	[sflag:s17] =	ssyncset.done $0x0  }
0x63: {  	s23 =	sadd.s32 $0x80, s22;
	[sflag:s17] =	ssyncadd.s32 $0xFFFFD800  }
0x64: {  	[tilespmem:s18], [sflag:$0x2] =	stream.indirect.gather [hbm4b:s4+s15], $0x80, s23, s15, $0xb8;
	v63 =	vld [tilespmem:$0x0]  }
0x65: {  	s23 =	sadd.s32 $0x8000, s22  }
0x66: {  	[spmem:s1] =	stream.indirect.scatter.add.f32 [tilespmem:s16], [sflag:$0x3], $0x80, s23, s15, $0xb8;
	v63 =	vld [tilespmem:$0x0]  }
0x67: {  	_ =	swait.ge [sflag:s12], $0x2800  }
0x68: {  	[sflag:s12] =	ssyncset.done $0x0  }
0x69: {  	[sflag:s12] =	ssyncadd.s32 $0xFFFFD800  }
0x6a: {  	_ =	swait.ge [sflag:s19], $0x2800  }
0x6b: {  	[sflag:s19] =	ssyncset.done $0x0  }
0x6c: {  	s23 =	sadd.s32 $0x100, s22;
	[sflag:s19] =	ssyncadd.s32 $0xFFFFD800  }
0x6d: {  	[tilespmem:s16], [sflag:$0x1] =	stream.indirect.gather [hbm4b:s4+s15], $0x80, s23, s15, $0xb8;
	v63 =	vld [tilespmem:$0x0]  }
.Ltmp2:
0x6e: {  	_ = 	snop;
	(pc) =	sbr.rel @p0 .LBB2_6-.Ltmp2, $4  }
0x6f: {  	s22 =	sadd.s32 $0x8080, s22  }
0x70: {  	[spmem:s1] =	stream.indirect.scatter.add.f32 [tilespmem:s18], [sflag:$0x3], $0x80, s22, s15, $0xb8;
	v63 =	vld [tilespmem:$0x0]  }
0x71: {  	_ =	swait.ge [sflag:s12], $0x2800  }
0x72: {  	[sflag:s12] =	ssyncset.done $0x0  }
0x73: {  	[sflag:s12] =	ssyncadd.s32 $0xFFFFD800  }
0x74: {  	_ =	swait.ge [sflag:s17], $0x2800  }
0x75: {  	[sflag:s17] =	ssyncset.done $0x0  }
0x76: {  	[sflag:s17] =	ssyncadd.s32 $0xFFFFD800  }
0x77: {  	[spmem:s1] =	stream.indirect.scatter.add.f32 [tilespmem:s16], [sflag:$0x3], $0x80, s20, s15, $0xb8;
	v63 =	vld [tilespmem:$0x0]  }
0x78: {  	_ =	swait.ge [sflag:s12], $0x2800  }
0x79: {  	[sflag:s12] =	ssyncset.done $0x0  }
0x7a: {  	s21 =	sshll.u32 s3, $0x6;
	[sflag:s12] =	ssyncadd.s32 $0xFFFFD800  }
0x7b: {  	s22 =	sshrl.u32 s5, $0x3;
	s21 =	sor.u32 $0x1C03, s21;
	[bflag:$0x0] =	sbarrier.arrive $0xFFFF  }
0x7c: {  	[hbm:s9], [sflag:s21] =	dma.local [spmem:s22], $0x1400  }
0x7d: {  	_ =	swait.ge [sflag:s12], $0x1400  }
0x7e: {  	[sflag:s12] =	ssyncset.done $0x0  }
0x7f: {  	[sflag:s12] =	ssyncadd.s32 $0xFFFFEC00  }
0x80: {  	s24 =	simm.s32 $0x0;
	[bflag:$0x0] =	sbarrier.arrive $0xFFFF  }
0x81: {  	v1 =	vld [tilespmem:s24+$0x4040]  }
0x82: {  	v2 =	vld [tilespmem:s24+$0x4000]  }
0x83: {  	v3 =	vld [tilespmem:s24+$0x4010]  }
0x84: {  	v6 =	vld [tilespmem:s24+$0x4020]  }
0x85: {  	v7 =	vld [tilespmem:s24+$0x4030]  }
0x86: {  	s23 =	simm.s32 $0x80;
	v1 =	vadd.s32 $0xFFFFEC78, v1  }
0x87: {  	v4 =	vld [tilespmem:s23+$0x4040];
	v2 =	vadd.s32 $0xFFFFEC78, v2;
	vm0 =	vlt.u32 v1, $0x1400  }
0x88: {  	v5 =	vld [tilespmem:s23+$0x4000];
	v3 =	vadd.s32 $0xFFFFEC78, v3;
	v8 =	vnsel vm0, $0x13FF, v1;
	vm0 =	vlt.u32 v2, $0x1400  }
0x89: {  	v9 =	vadd.s32 $0xFFFFEC78, v6;
	v1 =	vld [tilespmem:s23+$0x4010];
	[tilespmem:s24+$0x8040] =	vst v8;
	v8 =	vnsel vm0, $0x13FF, v2;
	vm0 =	vlt.u32 v3, $0x1400  }
0x8a: {  	v6 =	vadd.s32 $0xFFFFEC78, v7;
	v2 =	vld [tilespmem:s23+$0x4020];
	[tilespmem:s24+$0x8000] =	vst v8;
	v8 =	vnsel vm0, $0x13FF, v3;
	vm0 =	vlt.u32 v9, $0x1400  }
0x8b: {  	s25 =	simm.s32 $0x400;
	v3 =	vld [tilespmem:s23+$0x4030];
	[tilespmem:s24+$0x8010] =	vst v8;
	v7 =	vnsel vm0, $0x13FF, v9;
	vm0 =	vlt.u32 v6, $0x1400  }
.LBB2_8:
0x8c: {  	s26 =	sshra.s32 s25, $0x2;
	p0 =	sne.s32 s25, $0xF800;
	s25 =	sadd.s32 $0x200, s25;
	v8 =	vadd.s32 $0xFFFFEC78, v4;
	[tilespmem:s24+$0x8020] =	vst v7;
	v6 =	vnsel vm0, $0x13FF, v6  }
.Ltmp3:
0x8d: {  	v4 =	vld [tilespmem:s26+$0x4040];
	v7 =	vadd.s32 $0xFFFFEC78, v5;
	vm0 =	vlt.u32 v8, $0x1400;
	[tilespmem:s24+$0x8030] =	vst v6;
	s24 =	smov.u32 s23;
	s23 =	smov.u32 s26;
	(pc) =	sbr.rel @p0 .LBB2_8-.Ltmp3, $4  }
0x8e: {  	v5 =	vld [tilespmem:s23+$0x4000];
	vm1 =	vlt.u32 v7, $0x1400;
	v6 =	vadd.s32 $0xFFFFEC78, v1;
	v8 =	vnsel vm0, $0x13FF, v8  }
0x8f: {  	v1 =	vld [tilespmem:s23+$0x4010];
	v7 =	vnsel vm1, $0x13FF, v7;
	vm0 =	vlt.u32 v6, $0x1400;
	v9 =	vadd.s32 $0xFFFFEC78, v2;
	[tilespmem:s24+$0x8040] =	vst v8  }
0x90: {  	v2 =	vld [tilespmem:s23+$0x4020];
	[tilespmem:s24+$0x8000] =	vst v7;
	v7 =	vnsel vm0, $0x13FF, v6;
	vm0 =	vlt.u32 v9, $0x1400;
	v6 =	vadd.s32 $0xFFFFEC78, v3  }
0x91: {  	v3 =	vld [tilespmem:s23+$0x4030];
	[tilespmem:s24+$0x8010] =	vst v7;
	v7 =	vnsel vm0, $0x13FF, v9;
	vm0 =	vlt.u32 v6, $0x1400  }
0x92: {  	v4 =	vadd.s32 $0xFFFFEC78, v4  }
0x93: {  	[tilespmem:s24+$0x8020] =	vst v7;
	v6 =	vnsel vm0, $0x13FF, v6;
	v5 =	vadd.s32 $0xFFFFEC78, v5;
	vm12 =	vlt.u32 v4, $0x1400  }
0x94: {  	[tilespmem:s24+$0x8030] =	vst v6;
	vm1 =	vlt.u32 v5, $0x1400;
	v1 =	vadd.s32 $0xFFFFEC78, v1;
	v4 =	vnsel vm12, $0x13FF, v4  }
0x95: {  	v5 =	vnsel vm1, $0x13FF, v5;
	vm13 =	vlt.u32 v1, $0x1400;
	v2 =	vadd.s32 $0xFFFFEC78, v2;
	[tilespmem:s23+$0x8040] =	vst v4  }
0x96: {  	[tilespmem:s23+$0x8000] =	vst v5;
	v1 =	vnsel vm13, $0x13FF, v1;
	vm14 =	vlt.u32 v2, $0x1400;
	v3 =	vadd.s32 $0xFFFFEC78, v3  }
0x97: {  	[tilespmem:s23+$0x8010] =	vst v1;
	v1 =	vnsel vm14, $0x13FF, v2;
	vm15 =	vlt.u32 v3, $0x1400  }
0x98: {  	[tilespmem:s23+$0x8020] =	vst v1;
	v1 =	vnsel vm15, $0x13FF, v3  }
0x99: {  	[tilespmem:s23+$0x8030] =	vst v1  }
0x9a: {  	[spmem:s5] =	stream.linear.scatter [tilespmem:s14], [sflag:$0x3], $0x5000, $0x38;
	v63 =	vld [tilespmem:$0x0]  }
0x9b: {  	_ =	swait.ge [sflag:s12], $0x5000  }
0x9c: {  	[sflag:s12] =	ssyncset.done $0x0  }
0x9d: {  	[sflag:s12] =	ssyncadd.s32 $0xFFFFB000  }
0x9e: {  	[spmem:s8] =	stream.linear.scatter [tilespmem:s14], [sflag:$0x3], $0x5000, $0x38;
	v63 =	vld [tilespmem:$0x0]  }
0x9f: {  	_ =	swait.ge [sflag:s12], $0x5000  }
0xa0: {  	[sflag:s12] =	ssyncset.done $0x0  }
0xa1: {  	[sflag:s12] =	ssyncadd.s32 $0xFFFFB000  }
0xa2: {  	s26 =	simm.s32 $0x0;
	[bflag:$0x0] =	sbarrier.arrive $0xFFFF  }
0xa3: {  	[tilespmem:s16], [sflag:$0x1] =	stream.indirect.gather [hbm4b:s4+s15], $0x80, s26, s15, $0xb8;
	v63 =	vld [tilespmem:$0x0]  }
0xa4: {  	_ =	swait.ge [sflag:s17], $0x2800  }
0xa5: {  	[sflag:s17] =	ssyncset.done $0x0  }
0xa6: {  	s28 =	simm.s32 $0x80;
	[sflag:s17] =	ssyncadd.s32 $0xFFFFD800  }
0xa7: {  	[tilespmem:s18], [sflag:$0x2] =	stream.indirect.gather [hbm4b:s4+s15], $0x80, s28, s15, $0xb8;
	v63 =	vld [tilespmem:$0x0]  }
0xa8: {  	s29 =	simm.s32 $0x8000  }
0xa9: {  	[spmem:s1] =	stream.indirect.scatter.add.f32 [tilespmem:s16], [sflag:$0x3], $0x80, s29, s15, $0xb8;
	v63 =	vld [tilespmem:$0x0]  }
0xaa: {  	_ =	swait.ge [sflag:s12], $0x2800  }
0xab: {  	[sflag:s12] =	ssyncset.done $0x0  }
0xac: {  	[sflag:s12] =	ssyncadd.s32 $0xFFFFD800  }
0xad: {  	_ =	swait.ge [sflag:s19], $0x2800  }
0xae: {  	[sflag:s19] =	ssyncset.done $0x0  }
0xaf: {  	s30 =	simm.s32 $0x100;
	[sflag:s19] =	ssyncadd.s32 $0xFFFFD800  }
0xb0: {  	[tilespmem:s16], [sflag:$0x1] =	stream.indirect.gather [hbm4b:s4+s15], $0x80, s30, s15, $0xb8;
	v63 =	vld [tilespmem:$0x0]  }
0xb1: {  	s31 =	simm.s32 $0x8080  }
0xb2: {  	[spmem:s1] =	stream.indirect.scatter.add.f32 [tilespmem:s18], [sflag:$0x3], $0x80, s31, s15, $0xb8;
	v63 =	vld [tilespmem:$0x0]  }
0xb3: {  	_ =	swait.ge [sflag:s12], $0x2800  }
0xb4: {  	s23 =	simm.s32 $0x400;
	[sflag:s12] =	ssyncset.done $0x0  }
.LBB2_10:
0xb5: {  	p0 =	sne.s32 s23, $0xF400  }
0xb6: {  	[sflag:s12] =	ssyncadd.s32 $0xFFFFD800;
	s24 =	smov.u32 s23;
	s23 =	sadd.s32 $0x400, s23  }
0xb7: {  	_ = 	snop  }
0xb8: {  	_ =	swait.ge [sflag:s17], $0x2800  }
0xb9: {  	s24 =	sshra.s32 s24, $0x2;
	[sflag:s17] =	ssyncset.done $0x0  }
0xba: {  	s25 =	sadd.s32 $0x80, s24;
	[sflag:s17] =	ssyncadd.s32 $0xFFFFD800  }
0xbb: {  	[tilespmem:s18], [sflag:$0x2] =	stream.indirect.gather [hbm4b:s4+s15], $0x80, s25, s15, $0xb8;
	v63 =	vld [tilespmem:$0x0]  }
0xbc: {  	s25 =	sadd.s32 $0x8000, s24  }
0xbd: {  	[spmem:s1] =	stream.indirect.scatter.add.f32 [tilespmem:s16], [sflag:$0x3], $0x80, s25, s15, $0xb8;
	v63 =	vld [tilespmem:$0x0]  }
0xbe: {  	_ =	swait.ge [sflag:s12], $0x2800  }
0xbf: {  	[sflag:s12] =	ssyncset.done $0x0  }
0xc0: {  	[sflag:s12] =	ssyncadd.s32 $0xFFFFD800  }
0xc1: {  	_ =	swait.ge [sflag:s19], $0x2800  }
0xc2: {  	[sflag:s19] =	ssyncset.done $0x0  }
0xc3: {  	s25 =	sadd.s32 $0x100, s24;
	[sflag:s19] =	ssyncadd.s32 $0xFFFFD800  }
0xc4: {  	[tilespmem:s16], [sflag:$0x1] =	stream.indirect.gather [hbm4b:s4+s15], $0x80, s25, s15, $0xb8;
	v63 =	vld [tilespmem:$0x0]  }
.Ltmp4:
0xc5: {  	_ = 	snop;
	(pc) =	sbr.rel @p0 .LBB2_10-.Ltmp4, $4  }
0xc6: {  	s24 =	sadd.s32 $0x8080, s24  }
0xc7: {  	[spmem:s1] =	stream.indirect.scatter.add.f32 [tilespmem:s18], [sflag:$0x3], $0x80, s24, s15, $0xb8;
	v63 =	vld [tilespmem:$0x0]  }
0xc8: {  	_ =	swait.ge [sflag:s12], $0x2800  }
0xc9: {  	[sflag:s12] =	ssyncset.done $0x0  }
0xca: {  	[sflag:s12] =	ssyncadd.s32 $0xFFFFD800  }
0xcb: {  	_ =	swait.ge [sflag:s17], $0x2800  }
0xcc: {  	[sflag:s17] =	ssyncset.done $0x0  }
0xcd: {  	[sflag:s17] =	ssyncadd.s32 $0xFFFFD800  }
0xce: {  	[spmem:s1] =	stream.indirect.scatter.add.f32 [tilespmem:s16], [sflag:$0x3], $0x80, s20, s15, $0xb8;
	v63 =	vld [tilespmem:$0x0]  }
0xcf: {  	_ =	swait.ge [sflag:s12], $0x2800  }
0xd0: {  	[sflag:s12] =	ssyncset.done $0x0  }
0xd1: {  	s2 =	sadd.s32 $0x1, s2;
	[sflag:s12] =	ssyncadd.s32 $0xFFFFD800  }
0xd2: {  	p0 =	sne.s32 s2, s11;
	[bflag:$0x0] =	sbarrier.arrive $0xFFFF  }
0xd3: {  	[hbm:s10], [sflag:s21] =	dma.local [spmem:s22], $0x1400  }
.Ltmp5:
0xd4: {  	_ =	swait.ge [sflag:s12], $0x1400;
	(pc) =	sbr.rel @p0 .LBB2_1-.Ltmp5, $3  }
0xd5: {  	[sflag:s12] =	ssyncset.done $0x0  }
0xd6: {  	[sflag:s12] =	ssyncadd.s32 $0xFFFFEC00  }
0xd7: {  	[bflag:$0x0] =	sbarrier.arrive $0xFFFF;
	_ =	sdelay $0x1  }
0xd8: {  	_ =	sfence.sel $0x180000  }
0xd9: {  	[bflag:$0x0] =	sbarrier.arrive $0xFFFF  }
0xda: {  	p0 =	sne.s32 s3, $0x0;
	_ =	strace $0x9000004A  }
0xdb: {  	s0 =	sadd.s32 @!p0 $0x100000, s0;
	[bflag:$0x2] =	sbarrier.arrive $0xFFFF  }
0xdc: {  	[sflag:s0] =	ssyncadd.tile.s32 @!p0 $0x1;
	_ =	shalt  }
.Lfunc_end2:
_tile_overlayer_lowered:
.L_overlay_start_2:
0xdd: {  	(tag) =	ssettag $0x2  }
0xde: {  	s0 =	rddreg [dreg:$0x0];
	s2 =	stileid.u32  }
0xdf: {  	s1 =	rddreg [dreg:$0x1];
	p0 =	sne.s32 s2, $0x0  }
0xe0: {  	s3 =	rddreg [dreg:$0x2];
	[bflag:$0x3] =	sbarrier.arrive $0xFFFF;
	s2 =	simm.s32 @!p0 $0x1C03  }
0xe1: {  	[timem:s3], [sflag:s2] =	dma.local @!p0 [hbm:s0], s1  }
0xe2: {  	s0 =	simm.s32 @!p0 $0x3  }
0xe3: {  	_ =	swait.ge @!p0 [sflag:s0], s1  }
0xe4: {  	s1 =	ssub.s32 @!p0 $0x0, s1;
	[sflag:s0] =	ssyncset.done @!p0 $0x0  }
0xe5: {  	[sflag:s0] =	ssyncadd.s32 @!p0 s1  }
0xe6: {  	[bflag:$0x3] =	sbarrier.arrive $0xFFFF  }
0xe7: {  	_ =	shalt  }

// kernel: kernel.14.cloned.1.call-start
scs
__scs_entry_jumppad:
0x0: {  	(pc) =	sbr.rel $0x88, $3  }
0x1: {  	(tag) =	ssettag $0x0;
	lr =	simm.s32 $0x1  }
0x2: {  	[smem:$0x3F99] =	sst lr;
	_ =	strace $0xD0000000  }
0x3: {  	_ = 	snop  }
0x4: {  	_ = 	snop  }
0x5: {  	_ = 	snop  }
0x6: {  	_ = 	snop  }
0x7: {  	_ = 	snop  }
__scs_overlays_trampoline_lowered:
0x8: {  	[smem:$0x3FA8] =	sst s0  }
0x9: {  	[smem:$0x3FA9] =	sst s1  }
0xa: {  	[smem:$0x3FAA] =	sst s2  }
0xb: {  	[smem:$0x3FAB] =	sst s3  }
0xc: {  	[smem:$0x3FAC] =	sst s4  }
0xd: {  	[smem:$0x3FAD] =	sst s5  }
0xe: {  	[smem:$0x3FAE] =	sst s6  }
0xf: {  	[smem:$0x3FAF] =	sst s7  }
0x10: {  	[smem:$0x3FB0] =	sst s8  }
0x11: {  	[smem:$0x3FB1] =	sst s9;
	s0 =	simm.s32 @!p0 $0x0  }
0x12: {  	s1 =	sld [smem:$0x3F97];
	s0 =	simm.s32 @p0 $0x1  }
0x13: {  	[smem:$0x3FB2] =	sst s0;
	s0 =	simm.s32 @!p1 $0x0  }
0x14: {  	s2 =	sld [smem:$0x3F96];
	s0 =	simm.s32 @p1 $0x1  }
0x15: {  	[smem:$0x3FB3] =	sst s0;
	s0 =	simm.s32 @!p2 $0x0  }
0x16: {  	s3 =	sld [smem:$0x3FDB];
	s0 =	simm.s32 @p2 $0x1  }
0x17: {  	s4 =	simm.s32 $0x1BF5;
	[smem:$0x3FB5] =	sst s0  }
0x18: {  	s0 =	sld [smem:$0x3F98];
	_ =	swait.ge [sflag:s4], $0x0  }
0x19: {  	s7 =	sld [smem:$0x3F99]  }
0x1a: {  	s8 =	sadd.s32 $0xFFFFE003, lr  }
0x1b: {  	s9 =	sadd.s32 $0xFFFFFEF7, lr;
	s5 =	simm.s32 $0xFFFFFFFF;
	p2 =	slt.u32 s8, $0xFFFFF086  }
0x1c: {  	p1 =	slt.u32 s9, $0xF7A;
	s5 =	simm.s32 @!p2 $0x0  }
0x1d: {  	s5 =	simm.s32 @p1 $0x1;
	p0 =	seq.s32 s7, s2  }
0x1e: {  	s7 =	smul.u32 @!p0 $0xF7A, s2;
	p2 =	seq.s32 @!p0 s5, $0x0  }
0x1f: {  	s9 =	smul.u32 $0xF7A, s1;
	s8 =	simm.s32 @!p0 $0x1BF5;
	p2 =	por !p2, p0  }
0x20: {  	[sflag:s8] =	ssyncset.s32 @!p0 $0xFFFFF086;
	s6 =	sadd.s32 @!p0 s3, s7;
	s7 =	simm.s32 @!p0 $0x108  }
0x21: {  	s3 =	sadd.s32 s3, s9;
	s6 =	sadd.s32 @!p0 $0x88, s6;
	s7 =	simm.s32 @p2 $0x1082  }
0x22: {  	[simem:s7], [sflag:s8] =	dma.local @!p0 [hbm:s6], $0xF7A  }
0x23: {  	s9 =	sor.u32 $0xD0000000, s2;
	s6 =	simm.s32 $0x108;
	_ =	swait.ge @!p0 [sflag:s8], $0x0  }
0x24: {  	s3 =	sadd.s32 $0x88, s3;
	s6 =	simm.s32 @!p1 $0x1082;
	[sflag:s4] =	ssyncset.s32 $0xFFFFF086  }
0x25: {  	[simem:s6], [sflag:s4] =	dma.local [hbm:s3], $0xF7A  }
0x26: {  	[smem:$0x3F99] =	sst s1;
	(tag) =	ssettag s2;
	_ =	strace s9  }
0x27: {  	s1 =	sld [smem:$0x3FA9]  }
0x28: {  	s2 =	sld [smem:$0x3FAA]  }
0x29: {  	s4 =	sld [smem:$0x3FAC]  }
0x2a: {  	p0 =	seq.s32 s5, $0x0;
	s5 =	sld [smem:$0x3FAD]  }
0x2b: {  	s6 =	sld [smem:$0x3FAE]  }
0x2c: {  	s7 =	sld [smem:$0x3FAF]  }
0x2d: {  	s3 =	simm.s32 $0x108;
	s8 =	sld [smem:$0x3FB0]  }
0x2e: {  	s3 =	simm.s32 @!p0 $0x1082;
	s9 =	sld [smem:$0x3FB1]  }
0x2f: {  	lr =	sadd.s32 s0, s3;
	s0 =	sld [smem:$0x3FA8]  }
0x30: {  	s3 =	sld [smem:$0x3FAB]  }
0x31: {  	[smem:$0x3FB4] =	sst s10  }
0x32: {  	s10 =	sld [smem:$0x3FB2];
	_ =	sdelay $0x3  }
0x33: {  	p0 =	seq.s32 s10, $0x1;
	s10 =	sld [smem:$0x3FB4];
	_ =	sdelay $0x3  }
0x34: {  	[smem:$0x3FB4] =	sst s10  }
0x35: {  	s10 =	sld [smem:$0x3FB3];
	_ =	sdelay $0x3  }
0x36: {  	p1 =	seq.s32 s10, $0x1;
	s10 =	sld [smem:$0x3FB4];
	_ =	sdelay $0x3  }
0x37: {  	[smem:$0x3FB4] =	sst s10  }
0x38: {  	s10 =	sld [smem:$0x3FB5]  }
0x39: {  	_ = 	snop;
	(pc) =	sbr.ind lr, $3  }
0x3a: {  	_ = 	snop  }
0x3b: {  	_ = 	snop  }
0x3c: {  	p2 =	seq.s32 s10, $0x1;
	s10 =	sld [smem:$0x3FB4]  }
0x3d: {  	_ =	shalt  }
0x3e: {  	_ =	shalt  }
0x3f: {  	_ =	shalt  }
0x40: {  	_ =	shalt  }
0x41: {  	_ =	shalt  }
0x42: {  	_ =	shalt  }
0x43: {  	_ =	shalt  }
0x44: {  	_ =	shalt  }
0x45: {  	_ =	shalt  }
0x46: {  	_ =	shalt  }
0x47: {  	_ =	shalt  }
0x48: {  	_ =	shalt  }
0x49: {  	_ =	shalt  }
0x4a: {  	_ =	shalt  }
0x4b: {  	_ =	shalt  }
0x4c: {  	_ =	shalt  }
0x4d: {  	_ =	shalt  }
0x4e: {  	_ =	shalt  }
0x4f: {  	_ =	shalt  }
0x50: {  	_ =	shalt  }
0x51: {  	_ =	shalt  }
0x52: {  	_ =	shalt  }
0x53: {  	_ =	shalt  }
0x54: {  	_ =	shalt  }
0x55: {  	_ =	shalt  }
0x56: {  	_ =	shalt  }
0x57: {  	_ =	shalt  }
0x58: {  	_ =	shalt  }
0x59: {  	_ =	shalt  }
0x5a: {  	_ =	shalt  }
0x5b: {  	_ =	shalt  }
0x5c: {  	_ =	shalt  }
0x5d: {  	_ =	shalt  }
0x5e: {  	_ =	shalt  }
0x5f: {  	_ =	shalt  }
0x60: {  	_ =	shalt  }
0x61: {  	_ =	shalt  }
0x62: {  	_ =	shalt  }
0x63: {  	_ =	shalt  }
0x64: {  	_ =	shalt  }
0x65: {  	_ =	shalt  }
0x66: {  	_ =	shalt  }
0x67: {  	_ =	shalt  }
0x68: {  	_ =	shalt  }
0x69: {  	_ =	shalt  }
0x6a: {  	_ =	shalt  }
0x6b: {  	_ =	shalt  }
0x6c: {  	_ =	shalt  }
0x6d: {  	_ =	shalt  }
0x6e: {  	_ =	shalt  }
0x6f: {  	_ =	shalt  }
0x70: {  	_ =	shalt  }
0x71: {  	_ =	shalt  }
0x72: {  	_ =	shalt  }
0x73: {  	_ =	shalt  }
0x74: {  	_ =	shalt  }
0x75: {  	_ =	shalt  }
0x76: {  	_ =	shalt  }
0x77: {  	_ =	shalt  }
0x78: {  	_ =	shalt  }
0x79: {  	_ =	shalt  }
0x7a: {  	_ =	shalt  }
0x7b: {  	_ =	shalt  }
0x7c: {  	_ =	shalt  }
0x7d: {  	_ =	shalt  }
0x7e: {  	_ =	shalt  }
0x7f: {  	_ =	shalt  }
0x80: {  	_ =	shalt  }
0x81: {  	_ =	shalt  }
0x82: {  	_ =	shalt  }
0x83: {  	_ =	shalt  }
0x84: {  	_ =	shalt  }
0x85: {  	_ =	shalt  }
0x86: {  	_ =	shalt  }
0x87: {  	_ =	shalt  }
.Lfunc_end0:
.L_simem_size_0:
called_computation.2_lowered:
.L_overlay_start_0:
0x88: {  	s2 =	sld [smem:$0x3FD9]  }
0x89: {  	s3 =	sld [smem:$0x3FFE];
	_ =	sdelay $0x1  }
0x8a: {  	s1 =	srdreg.scid  }
0x8b: {  	s0 =	sand.u32 $0x1, s1  }
0x8c: {  	s17 =	sshll.u32 s0, $0xA;
	s2 =	sadd.s32 s3, s2  }
0x8d: {  	s2 =	sadd.s32 s2, s17  }
0x8e: {  	[smem:$0x3FC0] =	sst s2  }
0x8f: {  	_ = 	snop  }
0x90: {  	s2 =	sld [smem:$0x3FD0];
	(tm) =	ssettm $0x1  }
0x91: {  	s18 =	sld [smem:$0x3FFB];
	_ =	sdelay $0x3  }
0x92: {  	_ =	strace s18  }
0x93: {  	s3 =	sld [smem:$0x3FFC];
	_ =	sdelay $0x3  }
0x94: {  	_ =	strace s3  }
0x95: {  	s3 =	sld [smem:$0x3FFD];
	_ =	sdelay $0x3  }
0x96: {  	_ =	strace s3  }
0x97: {  	_ =	strace $0x8FFFFFFF  }
0x98: {  	s19 =	sld [smem:$0x3FDB];
	_ =	sdelay $0x1  }
0x99: {  	s4 =	simm.s32 $_scs_section_size  }
0x9a: {  	s5 =	simm.s32 $_size__tile_overlayer_lowered;
	s6 =	simm.s32 $_tile_overlayer_lowered  }
0x9b: {  	s22 =	simm.s32 $0x1BFF;
	s21 =	sshll.u32 s6, $0x1;
	s3 =	sadd.s32 s4, s19  }
0x9c: {  	s7 =	simm.s32 $0x0;
	s20 =	sshll.u32 s5, $0x1;
	s5 =	sadd.s32 s21, s3  }
0x9d: {  	[timem:s7], [sflag:s22] =	dma.local [hbm:s5], s20  }
0x9e: {  	_ =	swait.ge [sflag:s22], s20  }
0x9f: {  	s4 =	ssub.s32 $0x0, s20;
	[sflag:s22] =	ssyncset.done $0x0  }
0xa0: {  	[sflag:s22] =	ssyncadd.s32 s4;
	_ =	sdelay $0x1  }
0xa1: {  	s23 =	simm.s32 $0x1B8B  }
0xa2: {  	_ =	swait.ge [sflag:s23], $0x1  }
0xa3: {  	[sflag:s23] =	ssyncset.done $0x0  }
0xa4: {  	s25 =	simm.s32 $0x1B8E;
	s24 =	sld [smem:$0x3FFE];
	[sflag:s23] =	ssyncadd.s32 $0xFFFFFFFF  }
0xa5: {  	s26 =	simm.s32 $execute0_lowered;
	[smem:$0x3FD2] =	sst s25  }
0xa6: {  	s5 =	sshll.u32 s26, $0x1;
	_ =	strace $0x8000004C;
	[dreg:$0x1] =	wrdreg $0xFFFFFFFF  }
0xa7: {  	s28 =	simm.s32 $_size_execute0_lowered;
	s3 =	sadd.s32 s3, s5;
	[dreg:$0x0] =	wrdreg $0x0  }
0xa8: {  	s5 =	sshll.u32 s28, $0x1;
	[dreg:$0x2] =	wrdreg s3  }
0xa9: {  	[dreg:$0x3] =	wrdreg s5  }
0xaa: {  	[dreg:$0x4] =	wrdreg $0xC0  }
0xab: {  	_ =	task [dreg:s7], $0x5FFFF  }
0xac: {  	[dreg:$0x1] =	wrdreg $0xFFFFFFFF  }
0xad: {  	[dreg:$0x0] =	wrdreg $0x60  }
0xae: {  	[dreg:$0x2] =	wrdreg s24  }
0xaf: {  	[dreg:$0x3] =	wrdreg s2  }
0xb0: {  	[dreg:$0x4] =	wrdreg $0x160000  }
0xb1: {  	[dreg:$0x5] =	wrdreg $0x9  }
0xb2: {  	_ =	task.clear_ibuf [dreg:s7], $0x6FFFF;
	_ =	strace $0x9000004C  }
0xb3: {  	s29 =	simm.s32 $0x9;
	_ =	strace $0x8000004E  }
0xb4: {  	_ =	swait.ge [sflag:s29], $0x1  }
0xb5: {  	[sflag:s29] =	ssyncadd.s32 $0xFFFFFFFF  }
0xb6: {  	_ =	strace $0x9000004E  }
0xb7: {  	_ =	sfence  }
0xb8: {  	s30 =	sld [smem:$0x0];
	_ =	sdelay $0x2  }
0xb9: {  	s31 =	sshll.u32 s1, $0xD;
	s1 =	sshrl.u32 s1, $0x2  }
0xba: {  	s3 =	sand.u32 $0x4000, s31;
	s1 =	sadd.s32 s1, s30  }
0xbb: {  	s0 =	sor.u32 s3, s0;
	s1 =	sshll.u32 s1, $0x11  }
0xbc: {  	s0 =	sor.u32 s1, s0  }
0xbd: {  	s0 =	sadd.s32 $0x8F2B, s0  }
0xbe: {  	[sflag:s0] =	ssyncadd.remote.s32 $0x1  }
0xbf: {  	_ =	sfence.sel $0xFFFF  }
0xc0: {  	[dreg:$0x0] =	wrdreg $0xFFFFFFFF;
	(pc) =	sbr.abs _section_cstart, $3  }
0xc1: {  	[dreg:$0x1] =	wrdreg $0xFFFFFFFF  }
0xc2: {  	_ =	task.clear_ibuf [dreg:s7], $0x2FFFF;
	_ =	strace $0x9FFFFFFF  }
0xc3: {  	(tm) =	ssettm $0x7FFFFFFF  }
tec
execute0_lowered:
.L_overlay_start_1:
0x0: {  	(tag) =	ssettag $0x1  }
0x1: {  	s5 =	rddreg [dreg:$0x0]  }
0x2: {  	s6 =	rddreg [dreg:$0x1]  }
0x3: {  	s1 =	rddreg [dreg:$0x2]  }
0x4: {  	s0 =	rddreg [dreg:$0x3];
	s2 =	simm.s32 $0x0  }
0x5: {  	s3 =	srdreg.scid;
	s14 =	simm.s32 $0x11000;
	s15 =	simm.s32 $0x50  }
0x6: {  	s16 =	simm.s32 $0xC000;
	s17 =	simm.s32 $0x1;
	s18 =	simm.s32 $0xE800  }
0x7: {  	s19 =	simm.s32 $0x2;
	[smem:$0x7FF] =	sst s2;
	s7 =	sand.u32 $0x1, s3  }
0x8: {  	s20 =	simm.s32 $0xBE00;
	s3 =	stileid.u32;
	s8 =	smul.u32 $0x140000, s7  }
0x9: {  	s4 =	sadd.s32 $0x25E00, s5;
	s9 =	sshll.u32 s7, $0xF;
	s11 =	smul.u32 $0xA000, s3  }
0xa: {  	s10 =	sshll.u32 s3, $0xB;
	s30 =	smul.u32 $0x28000, s3;
	s7 =	ssub.s32 $0x2, s7  }
0xb: {  	_ =	strace $0x8000004D;
	s9 =	sor.u32 s10, s9;
	s31 =	sshrl.u32 s7, $0x1  }
0xc: {  	s12 =	sadd.s32 s9, s5;
	s8 =	sadd.s32 s11, s8;
	s10 =	sshrl.u32 s30, $0x2  }
0xd: {  	s11 =	ssub.s32 s7, s31;
	s6 =	sadd.s32 s6, s9;
	s8 =	sshrl.u32 s8, $0x3  }
0xe: {  	s7 =	sadd.s32 $0x15E00, s12;
	s13 =	sadd.s32 s8, s5;
	s5 =	sadd.s32 s10, s1  }
0xf: {  	s11 =	smax.u32 s11, $0x1;
	s12 =	simm.s32 $0x3;
	s8 =	sadd.s32 $0x5000, s5  }
0x10: {  	v0 =	vimm.f32 $0.0e+00;
	s9 =	sadd.s32 $0x4D000, s13;
	s10 =	sadd.s32 $0x61000, s13;
	s13 =	simm.s32 $0x4000  }
.LBB2_1:
0x11: {  	s21 =	simm.s32 $0x0;
	s22 =	simm.s32 $0x200  }
.LBB2_2:
0x12: {  	p0 =	sne.s32 s22, $0x13E00;
	[tilespmem:s21+$0x11070] =	vst v0  }
0x13: {  	[tilespmem:s21+$0x11000] =	vst v0  }
0x14: {  	[tilespmem:s21+$0x11010] =	vst v0  }
.Ltmp0:
0x15: {  	[tilespmem:s21+$0x11020] =	vst v0;
	(pc) =	sbr.rel @p0 .LBB2_2-.Ltmp0, $4  }
0x16: {  	[tilespmem:s21+$0x11030] =	vst v0  }
0x17: {  	[tilespmem:s21+$0x11040] =	vst v0  }
0x18: {  	[tilespmem:s21+$0x11050] =	vst v0  }
0x19: {  	[tilespmem:s21+$0x11060] =	vst v0;
	s21 =	sshra.s32 s22, $0x2;
	s22 =	sadd.s32 $0x200, s22  }
0x1a: {  	[tilespmem:s21+$0x11070] =	vst v0  }
0x1b: {  	[tilespmem:s21+$0x11000] =	vst v0  }
0x1c: {  	[tilespmem:s21+$0x11010] =	vst v0  }
0x1d: {  	[tilespmem:s21+$0x11020] =	vst v0  }
0x1e: {  	[tilespmem:s21+$0x11030] =	vst v0  }
0x1f: {  	[tilespmem:s21+$0x11040] =	vst v0  }
0x20: {  	[tilespmem:s21+$0x11050] =	vst v0  }
0x21: {  	[tilespmem:s21+$0x11060] =	vst v0;
	s31 =	simm.s32 $0x0  }
0x22: {  	[tilespmem:s31], [sflag:$0x3] =	stream.linear.gather [hbm4b:s6+s31], $0x3E80, $0x38;
	v63 =	vld [tilespmem:$0x0]  }
0x23: {  	_ =	swait.ge [sflag:s12], $0x3E80  }
0x24: {  	[sflag:s12] =	ssyncset.done $0x0  }
0x25: {  	[sflag:s12] =	ssyncadd.s32 $0xFFFFC180  }
0x26: {  	[tilespmem:s13], [sflag:$0x3] =	stream.linear.gather [hbm4b:s7+s31], $0x3E80, $0x38;
	v63 =	vld [tilespmem:$0x0]  }
0x27: {  	_ =	swait.ge [sflag:s12], $0x3E80  }
0x28: {  	[sflag:s12] =	ssyncset.done $0x0  }
0x29: {  	s22 =	simm.s32 $0x0;
	[sflag:s12] =	ssyncadd.s32 $0xFFFFC180  }
0x2a: {  	v1 =	vld [tilespmem:s22+$0x4040]  }
0x2b: {  	v2 =	vld [tilespmem:s22+$0x4000]  }
0x2c: {  	v3 =	vld [tilespmem:s22+$0x4010]  }
0x2d: {  	v6 =	vld [tilespmem:s22+$0x4020]  }
0x2e: {  	v7 =	vld [tilespmem:s22+$0x4030]  }
0x2f: {  	s21 =	simm.s32 $0x80;
	v1 =	vadd.s32 $0x78, v1  }
0x30: {  	v4 =	vld [tilespmem:s21+$0x4040];
	v2 =	vadd.s32 $0x78, v2;
	vm0 =	vlt.u32 v1, $0x1400  }
0x31: {  	v5 =	vld [tilespmem:s21+$0x4000];
	v3 =	vadd.s32 $0x78, v3;
	v8 =	vnsel vm0, $0x0, v1;
	vm0 =	vlt.u32 v2, $0x1400  }
0x32: {  	v9 =	vadd.s32 $0x78, v6;
	v1 =	vld [tilespmem:s21+$0x4010];
	[tilespmem:s22+$0x8040] =	vst v8;
	v8 =	vnsel vm0, $0x0, v2;
	vm0 =	vlt.u32 v3, $0x1400  }
0x33: {  	v6 =	vadd.s32 $0x78, v7;
	v2 =	vld [tilespmem:s21+$0x4020];
	[tilespmem:s22+$0x8000] =	vst v8;
	v8 =	vnsel vm0, $0x0, v3;
	vm0 =	vlt.u32 v9, $0x1400  }
0x34: {  	s23 =	simm.s32 $0x400;
	v3 =	vld [tilespmem:s21+$0x4030];
	[tilespmem:s22+$0x8010] =	vst v8;
	v7 =	vnsel vm0, $0x0, v9;
	vm0 =	vlt.u32 v6, $0x1400  }
.LBB2_4:
0x35: {  	s24 =	sshra.s32 s23, $0x2;
	p0 =	sne.s32 s23, $0xF800;
	s23 =	sadd.s32 $0x200, s23;
	v8 =	vadd.s32 $0x78, v4;
	[tilespmem:s22+$0x8020] =	vst v7;
	v6 =	vnsel vm0, $0x0, v6  }
.Ltmp1:
0x36: {  	v4 =	vld [tilespmem:s24+$0x4040];
	v7 =	vadd.s32 $0x78, v5;
	vm0 =	vlt.u32 v8, $0x1400;
	[tilespmem:s22+$0x8030] =	vst v6;
	s22 =	smov.u32 s21;
	s21 =	smov.u32 s24;
	(pc) =	sbr.rel @p0 .LBB2_4-.Ltmp1, $4  }
0x37: {  	v5 =	vld [tilespmem:s21+$0x4000];
	vm1 =	vlt.u32 v7, $0x1400;
	v6 =	vadd.s32 $0x78, v1;
	v8 =	vnsel vm0, $0x0, v8  }
0x38: {  	v1 =	vld [tilespmem:s21+$0x4010];
	v7 =	vnsel vm1, $0x0, v7;
	vm0 =	vlt.u32 v6, $0x1400;
	v9 =	vadd.s32 $0x78, v2;
	[tilespmem:s22+$0x8040] =	vst v8  }
0x39: {  	v2 =	vld [tilespmem:s21+$0x4020];
	[tilespmem:s22+$0x8000] =	vst v7;
	v7 =	vnsel vm0, $0x0, v6;
	vm0 =	vlt.u32 v9, $0x1400;
	v6 =	vadd.s32 $0x78, v3  }
0x3a: {  	v3 =	vld [tilespmem:s21+$0x4030];
	[tilespmem:s22+$0x8010] =	vst v7;
	v7 =	vnsel vm0, $0x0, v9;
	vm0 =	vlt.u32 v6, $0x1400  }
0x3b: {  	v4 =	vadd.s32 $0x78, v4  }
0x3c: {  	[tilespmem:s22+$0x8020] =	vst v7;
	v6 =	vnsel vm0, $0x0, v6;
	v5 =	vadd.s32 $0x78, v5;
	vm12 =	vlt.u32 v4, $0x1400  }
0x3d: {  	[tilespmem:s22+$0x8030] =	vst v6;
	vm1 =	vlt.u32 v5, $0x1400;
	v1 =	vadd.s32 $0x78, v1;
	v4 =	vnsel vm12, $0x0, v4  }
0x3e: {  	v5 =	vnsel vm1, $0x0, v5;
	vm13 =	vlt.u32 v1, $0x1400;
	v2 =	vadd.s32 $0x78, v2;
	[tilespmem:s21+$0x8040] =	vst v4  }
0x3f: {  	[tilespmem:s21+$0x8000] =	vst v5;
	v1 =	vnsel vm13, $0x0, v1;
	vm14 =	vlt.u32 v2, $0x1400;
	v3 =	vadd.s32 $0x78, v3  }
0x40: {  	[tilespmem:s21+$0x8010] =	vst v1;
	v1 =	vnsel vm14, $0x0, v2;
	vm15 =	vlt.u32 v3, $0x1400  }
0x41: {  	[tilespmem:s21+$0x8020] =	vst v1;
	v1 =	vnsel vm15, $0x0, v3  }
0x42: {  	[tilespmem:s21+$0x8030] =	vst v1  }
0x43: {  	[spmem:s5] =	stream.linear.scatter [tilespmem:s14], [sflag:$0x3], $0x5000, $0x38;
	v63 =	vld [tilespmem:$0x0]  }
0x44: {  	_ =	swait.ge [sflag:s12], $0x5000  }
0x45: {  	[sflag:s12] =	ssyncset.done $0x0  }
0x46: {  	[sflag:s12] =	ssyncadd.s32 $0xFFFFB000  }
0x47: {  	[spmem:s8] =	stream.linear.scatter [tilespmem:s14], [sflag:$0x3], $0x5000, $0x38;
	v63 =	vld [tilespmem:$0x0]  }
0x48: {  	_ =	swait.ge [sflag:s12], $0x5000  }
0x49: {  	[sflag:s12] =	ssyncset.done $0x0  }
0x4a: {  	[sflag:s12] =	ssyncadd.s32 $0xFFFFB000  }
0x4b: {  	s26 =	simm.s32 $0x0;
	[bflag:$0x0] =	sbarrier.arrive $0xFFFF  }
0x4c: {  	[tilespmem:s16], [sflag:$0x1] =	stream.indirect.gather [hbm4b:s4+s15], $0x80, s26, s15, $0xb8;
	v63 =	vld [tilespmem:$0x0]  }
0x4d: {  	_ =	swait.ge [sflag:s17], $0x2800  }
0x4e: {  	[sflag:s17] =	ssyncset.done $0x0  }
0x4f: {  	s28 =	simm.s32 $0x80;
	[sflag:s17] =	ssyncadd.s32 $0xFFFFD800  }
0x50: {  	[tilespmem:s18], [sflag:$0x2] =	stream.indirect.gather [hbm4b:s4+s15], $0x80, s28, s15, $0xb8;
	v63 =	vld [tilespmem:$0x0]  }
0x51: {  	s29 =	simm.s32 $0x8000  }
0x52: {  	[spmem:s1] =	stream.indirect.scatter.add.f32 [tilespmem:s16], [sflag:$0x3], $0x80, s29, s15, $0xb8;
	v63 =	vld [tilespmem:$0x0]  }
0x53: {  	_ =	swait.ge [sflag:s12], $0x2800  }
0x54: {  	[sflag:s12] =	ssyncset.done $0x0  }
0x55: {  	[sflag:s12] =	ssyncadd.s32 $0xFFFFD800  }
0x56: {  	_ =	swait.ge [sflag:s19], $0x2800  }
0x57: {  	[sflag:s19] =	ssyncset.done $0x0  }
0x58: {  	s30 =	simm.s32 $0x100;
	[sflag:s19] =	ssyncadd.s32 $0xFFFFD800  }
0x59: {  	[tilespmem:s16], [sflag:$0x1] =	stream.indirect.gather [hbm4b:s4+s15], $0x80, s30, s15, $0xb8;
	v63 =	vld [tilespmem:$0x0]  }
0x5a: {  	s31 =	simm.s32 $0x8080  }
0x5b: {  	[spmem:s1] =	stream.indirect.scatter.add.f32 [tilespmem:s18], [sflag:$0x3], $0x80, s31, s15, $0xb8;
	v63 =	vld [tilespmem:$0x0]  }
0x5c: {  	_ =	swait.ge [sflag:s12], $0x2800  }
0x5d: {  	s21 =	simm.s32 $0x400;
	[sflag:s12] =	ssyncset.done $0x0  }
.LBB2_6:
0x5e: {  	p0 =	sne.s32 s21, $0xF400  }
0x5f: {  	[sflag:s12] =	ssyncadd.s32 $0xFFFFD800;
	s22 =	smov.u32 s21;
	s21 =	sadd.s32 $0x400, s21  }
0x60: {  	_ = 	snop  }
0x61: {  	_ =	swait.ge [sflag:s17], $0x2800  }
0x62: {  	s22 =	sshra.s32 s22, $0x2;
	[sflag:s17] =	ssyncset.done $0x0  }
0x63: {  	s23 =	sadd.s32 $0x80, s22;
	[sflag:s17] =	ssyncadd.s32 $0xFFFFD800  }
0x64: {  	[tilespmem:s18], [sflag:$0x2] =	stream.indirect.gather [hbm4b:s4+s15], $0x80, s23, s15, $0xb8;
	v63 =	vld [tilespmem:$0x0]  }
0x65: {  	s23 =	sadd.s32 $0x8000, s22  }
0x66: {  	[spmem:s1] =	stream.indirect.scatter.add.f32 [tilespmem:s16], [sflag:$0x3], $0x80, s23, s15, $0xb8;
	v63 =	vld [tilespmem:$0x0]  }
0x67: {  	_ =	swait.ge [sflag:s12], $0x2800  }
0x68: {  	[sflag:s12] =	ssyncset.done $0x0  }
0x69: {  	[sflag:s12] =	ssyncadd.s32 $0xFFFFD800  }
0x6a: {  	_ =	swait.ge [sflag:s19], $0x2800  }
0x6b: {  	[sflag:s19] =	ssyncset.done $0x0  }
0x6c: {  	s23 =	sadd.s32 $0x100, s22;
	[sflag:s19] =	ssyncadd.s32 $0xFFFFD800  }
0x6d: {  	[tilespmem:s16], [sflag:$0x1] =	stream.indirect.gather [hbm4b:s4+s15], $0x80, s23, s15, $0xb8;
	v63 =	vld [tilespmem:$0x0]  }
.Ltmp2:
0x6e: {  	_ = 	snop;
	(pc) =	sbr.rel @p0 .LBB2_6-.Ltmp2, $4  }
0x6f: {  	s22 =	sadd.s32 $0x8080, s22  }
0x70: {  	[spmem:s1] =	stream.indirect.scatter.add.f32 [tilespmem:s18], [sflag:$0x3], $0x80, s22, s15, $0xb8;
	v63 =	vld [tilespmem:$0x0]  }
0x71: {  	_ =	swait.ge [sflag:s12], $0x2800  }
0x72: {  	[sflag:s12] =	ssyncset.done $0x0  }
0x73: {  	[sflag:s12] =	ssyncadd.s32 $0xFFFFD800  }
0x74: {  	_ =	swait.ge [sflag:s17], $0x2800  }
0x75: {  	[sflag:s17] =	ssyncset.done $0x0  }
0x76: {  	[sflag:s17] =	ssyncadd.s32 $0xFFFFD800  }
0x77: {  	[spmem:s1] =	stream.indirect.scatter.add.f32 [tilespmem:s16], [sflag:$0x3], $0x80, s20, s15, $0xb8;
	v63 =	vld [tilespmem:$0x0]  }
0x78: {  	_ =	swait.ge [sflag:s12], $0x2800  }
0x79: {  	[sflag:s12] =	ssyncset.done $0x0  }
0x7a: {  	s21 =	sshll.u32 s3, $0x6;
	[sflag:s12] =	ssyncadd.s32 $0xFFFFD800  }
0x7b: {  	s22 =	sshrl.u32 s5, $0x3;
	s21 =	sor.u32 $0x1C03, s21;
	[bflag:$0x0] =	sbarrier.arrive $0xFFFF  }
0x7c: {  	[hbm:s9], [sflag:s21] =	dma.local [spmem:s22], $0x1400  }
0x7d: {  	_ =	swait.ge [sflag:s12], $0x1400  }
0x7e: {  	[sflag:s12] =	ssyncset.done $0x0  }
0x7f: {  	[sflag:s12] =	ssyncadd.s32 $0xFFFFEC00  }
0x80: {  	s24 =	simm.s32 $0x0;
	[bflag:$0x0] =	sbarrier.arrive $0xFFFF  }
0x81: {  	v1 =	vld [tilespmem:s24+$0x4040]  }
0x82: {  	v2 =	vld [tilespmem:s24+$0x4000]  }
0x83: {  	v3 =	vld [tilespmem:s24+$0x4010]  }
0x84: {  	v6 =	vld [tilespmem:s24+$0x4020]  }
0x85: {  	v7 =	vld [tilespmem:s24+$0x4030]  }
0x86: {  	s23 =	simm.s32 $0x80;
	v1 =	vadd.s32 $0xFFFFEC78, v1  }
0x87: {  	v4 =	vld [tilespmem:s23+$0x4040];
	v2 =	vadd.s32 $0xFFFFEC78, v2;
	vm0 =	vlt.u32 v1, $0x1400  }
0x88: {  	v5 =	vld [tilespmem:s23+$0x4000];
	v3 =	vadd.s32 $0xFFFFEC78, v3;
	v8 =	vnsel vm0, $0x13FF, v1;
	vm0 =	vlt.u32 v2, $0x1400  }
0x89: {  	v9 =	vadd.s32 $0xFFFFEC78, v6;
	v1 =	vld [tilespmem:s23+$0x4010];
	[tilespmem:s24+$0x8040] =	vst v8;
	v8 =	vnsel vm0, $0x13FF, v2;
	vm0 =	vlt.u32 v3, $0x1400  }
0x8a: {  	v6 =	vadd.s32 $0xFFFFEC78, v7;
	v2 =	vld [tilespmem:s23+$0x4020];
	[tilespmem:s24+$0x8000] =	vst v8;
	v8 =	vnsel vm0, $0x13FF, v3;
	vm0 =	vlt.u32 v9, $0x1400  }
0x8b: {  	s25 =	simm.s32 $0x400;
	v3 =	vld [tilespmem:s23+$0x4030];
	[tilespmem:s24+$0x8010] =	vst v8;
	v7 =	vnsel vm0, $0x13FF, v9;
	vm0 =	vlt.u32 v6, $0x1400  }
.LBB2_8:
0x8c: {  	s26 =	sshra.s32 s25, $0x2;
	p0 =	sne.s32 s25, $0xF800;
	s25 =	sadd.s32 $0x200, s25;
	v8 =	vadd.s32 $0xFFFFEC78, v4;
	[tilespmem:s24+$0x8020] =	vst v7;
	v6 =	vnsel vm0, $0x13FF, v6  }
.Ltmp3:
0x8d: {  	v4 =	vld [tilespmem:s26+$0x4040];
	v7 =	vadd.s32 $0xFFFFEC78, v5;
	vm0 =	vlt.u32 v8, $0x1400;
	[tilespmem:s24+$0x8030] =	vst v6;
	s24 =	smov.u32 s23;
	s23 =	smov.u32 s26;
	(pc) =	sbr.rel @p0 .LBB2_8-.Ltmp3, $4  }
0x8e: {  	v5 =	vld [tilespmem:s23+$0x4000];
	vm1 =	vlt.u32 v7, $0x1400;
	v6 =	vadd.s32 $0xFFFFEC78, v1;
	v8 =	vnsel vm0, $0x13FF, v8  }
0x8f: {  	v1 =	vld [tilespmem:s23+$0x4010];
	v7 =	vnsel vm1, $0x13FF, v7;
	vm0 =	vlt.u32 v6, $0x1400;
	v9 =	vadd.s32 $0xFFFFEC78, v2;
	[tilespmem:s24+$0x8040] =	vst v8  }
0x90: {  	v2 =	vld [tilespmem:s23+$0x4020];
	[tilespmem:s24+$0x8000] =	vst v7;
	v7 =	vnsel vm0, $0x13FF, v6;
	vm0 =	vlt.u32 v9, $0x1400;
	v6 =	vadd.s32 $0xFFFFEC78, v3  }
0x91: {  	v3 =	vld [tilespmem:s23+$0x4030];
	[tilespmem:s24+$0x8010] =	vst v7;
	v7 =	vnsel vm0, $0x13FF, v9;
	vm0 =	vlt.u32 v6, $0x1400  }
0x92: {  	v4 =	vadd.s32 $0xFFFFEC78, v4  }
0x93: {  	[tilespmem:s24+$0x8020] =	vst v7;
	v6 =	vnsel vm0, $0x13FF, v6;
	v5 =	vadd.s32 $0xFFFFEC78, v5;
	vm12 =	vlt.u32 v4, $0x1400  }
0x94: {  	[tilespmem:s24+$0x8030] =	vst v6;
	vm1 =	vlt.u32 v5, $0x1400;
	v1 =	vadd.s32 $0xFFFFEC78, v1;
	v4 =	vnsel vm12, $0x13FF, v4  }
0x95: {  	v5 =	vnsel vm1, $0x13FF, v5;
	vm13 =	vlt.u32 v1, $0x1400;
	v2 =	vadd.s32 $0xFFFFEC78, v2;
	[tilespmem:s23+$0x8040] =	vst v4  }
0x96: {  	[tilespmem:s23+$0x8000] =	vst v5;
	v1 =	vnsel vm13, $0x13FF, v1;
	vm14 =	vlt.u32 v2, $0x1400;
	v3 =	vadd.s32 $0xFFFFEC78, v3  }
0x97: {  	[tilespmem:s23+$0x8010] =	vst v1;
	v1 =	vnsel vm14, $0x13FF, v2;
	vm15 =	vlt.u32 v3, $0x1400  }
0x98: {  	[tilespmem:s23+$0x8020] =	vst v1;
	v1 =	vnsel vm15, $0x13FF, v3  }
0x99: {  	[tilespmem:s23+$0x8030] =	vst v1  }
0x9a: {  	[spmem:s5] =	stream.linear.scatter [tilespmem:s14], [sflag:$0x3], $0x5000, $0x38;
	v63 =	vld [tilespmem:$0x0]  }
0x9b: {  	_ =	swait.ge [sflag:s12], $0x5000  }
0x9c: {  	[sflag:s12] =	ssyncset.done $0x0  }
0x9d: {  	[sflag:s12] =	ssyncadd.s32 $0xFFFFB000  }
0x9e: {  	[spmem:s8] =	stream.linear.scatter [tilespmem:s14], [sflag:$0x3], $0x5000, $0x38;
	v63 =	vld [tilespmem:$0x0]  }
0x9f: {  	_ =	swait.ge [sflag:s12], $0x5000  }
0xa0: {  	[sflag:s12] =	ssyncset.done $0x0  }
0xa1: {  	[sflag:s12] =	ssyncadd.s32 $0xFFFFB000  }
0xa2: {  	s26 =	simm.s32 $0x0;
	[bflag:$0x0] =	sbarrier.arrive $0xFFFF  }
0xa3: {  	[tilespmem:s16], [sflag:$0x1] =	stream.indirect.gather [hbm4b:s4+s15], $0x80, s26, s15, $0xb8;
	v63 =	vld [tilespmem:$0x0]  }
0xa4: {  	_ =	swait.ge [sflag:s17], $0x2800  }
0xa5: {  	[sflag:s17] =	ssyncset.done $0x0  }
0xa6: {  	s28 =	simm.s32 $0x80;
	[sflag:s17] =	ssyncadd.s32 $0xFFFFD800  }
0xa7: {  	[tilespmem:s18], [sflag:$0x2] =	stream.indirect.gather [hbm4b:s4+s15], $0x80, s28, s15, $0xb8;
	v63 =	vld [tilespmem:$0x0]  }
0xa8: {  	s29 =	simm.s32 $0x8000  }
0xa9: {  	[spmem:s1] =	stream.indirect.scatter.add.f32 [tilespmem:s16], [sflag:$0x3], $0x80, s29, s15, $0xb8;
	v63 =	vld [tilespmem:$0x0]  }
0xaa: {  	_ =	swait.ge [sflag:s12], $0x2800  }
0xab: {  	[sflag:s12] =	ssyncset.done $0x0  }
0xac: {  	[sflag:s12] =	ssyncadd.s32 $0xFFFFD800  }
0xad: {  	_ =	swait.ge [sflag:s19], $0x2800  }
0xae: {  	[sflag:s19] =	ssyncset.done $0x0  }
0xaf: {  	s30 =	simm.s32 $0x100;
	[sflag:s19] =	ssyncadd.s32 $0xFFFFD800  }
0xb0: {  	[tilespmem:s16], [sflag:$0x1] =	stream.indirect.gather [hbm4b:s4+s15], $0x80, s30, s15, $0xb8;
	v63 =	vld [tilespmem:$0x0]  }
0xb1: {  	s31 =	simm.s32 $0x8080  }
0xb2: {  	[spmem:s1] =	stream.indirect.scatter.add.f32 [tilespmem:s18], [sflag:$0x3], $0x80, s31, s15, $0xb8;
	v63 =	vld [tilespmem:$0x0]  }
0xb3: {  	_ =	swait.ge [sflag:s12], $0x2800  }
0xb4: {  	s23 =	simm.s32 $0x400;
	[sflag:s12] =	ssyncset.done $0x0  }
.LBB2_10:
0xb5: {  	p0 =	sne.s32 s23, $0xF400  }
0xb6: {  	[sflag:s12] =	ssyncadd.s32 $0xFFFFD800;
	s24 =	smov.u32 s23;
	s23 =	sadd.s32 $0x400, s23  }
0xb7: {  	_ = 	snop  }
0xb8: {  	_ =	swait.ge [sflag:s17], $0x2800  }
0xb9: {  	s24 =	sshra.s32 s24, $0x2;
	[sflag:s17] =	ssyncset.done $0x0  }
0xba: {  	s25 =	sadd.s32 $0x80, s24;
	[sflag:s17] =	ssyncadd.s32 $0xFFFFD800  }
0xbb: {  	[tilespmem:s18], [sflag:$0x2] =	stream.indirect.gather [hbm4b:s4+s15], $0x80, s25, s15, $0xb8;
	v63 =	vld [tilespmem:$0x0]  }
0xbc: {  	s25 =	sadd.s32 $0x8000, s24  }
0xbd: {  	[spmem:s1] =	stream.indirect.scatter.add.f32 [tilespmem:s16], [sflag:$0x3], $0x80, s25, s15, $0xb8;
	v63 =	vld [tilespmem:$0x0]  }
0xbe: {  	_ =	swait.ge [sflag:s12], $0x2800  }
0xbf: {  	[sflag:s12] =	ssyncset.done $0x0  }
0xc0: {  	[sflag:s12] =	ssyncadd.s32 $0xFFFFD800  }
0xc1: {  	_ =	swait.ge [sflag:s19], $0x2800  }
0xc2: {  	[sflag:s19] =	ssyncset.done $0x0  }
0xc3: {  	s25 =	sadd.s32 $0x100, s24;
	[sflag:s19] =	ssyncadd.s32 $0xFFFFD800  }
0xc4: {  	[tilespmem:s16], [sflag:$0x1] =	stream.indirect.gather [hbm4b:s4+s15], $0x80, s25, s15, $0xb8;
	v63 =	vld [tilespmem:$0x0]  }
.Ltmp4:
0xc5: {  	_ = 	snop;
	(pc) =	sbr.rel @p0 .LBB2_10-.Ltmp4, $4  }
0xc6: {  	s24 =	sadd.s32 $0x8080, s24  }
0xc7: {  	[spmem:s1] =	stream.indirect.scatter.add.f32 [tilespmem:s18], [sflag:$0x3], $0x80, s24, s15, $0xb8;
	v63 =	vld [tilespmem:$0x0]  }
0xc8: {  	_ =	swait.ge [sflag:s12], $0x2800  }
0xc9: {  	[sflag:s12] =	ssyncset.done $0x0  }
0xca: {  	[sflag:s12] =	ssyncadd.s32 $0xFFFFD800  }
0xcb: {  	_ =	swait.ge [sflag:s17], $0x2800  }
0xcc: {  	[sflag:s17] =	ssyncset.done $0x0  }
0xcd: {  	[sflag:s17] =	ssyncadd.s32 $0xFFFFD800  }
0xce: {  	[spmem:s1] =	stream.indirect.scatter.add.f32 [tilespmem:s16], [sflag:$0x3], $0x80, s20, s15, $0xb8;
	v63 =	vld [tilespmem:$0x0]  }
0xcf: {  	_ =	swait.ge [sflag:s12], $0x2800  }
0xd0: {  	[sflag:s12] =	ssyncset.done $0x0  }
0xd1: {  	s2 =	sadd.s32 $0x1, s2;
	[sflag:s12] =	ssyncadd.s32 $0xFFFFD800  }
0xd2: {  	p0 =	sne.s32 s2, s11;
	[bflag:$0x0] =	sbarrier.arrive $0xFFFF  }
0xd3: {  	[hbm:s10], [sflag:s21] =	dma.local [spmem:s22], $0x1400  }
.Ltmp5:
0xd4: {  	_ =	swait.ge [sflag:s12], $0x1400;
	(pc) =	sbr.rel @p0 .LBB2_1-.Ltmp5, $3  }
0xd5: {  	[sflag:s12] =	ssyncset.done $0x0  }
0xd6: {  	[sflag:s12] =	ssyncadd.s32 $0xFFFFEC00  }
0xd7: {  	[bflag:$0x0] =	sbarrier.arrive $0xFFFF;
	_ =	sdelay $0x1  }
0xd8: {  	_ =	sfence.sel $0x180000  }
0xd9: {  	[bflag:$0x0] =	sbarrier.arrive $0xFFFF  }
0xda: {  	p0 =	sne.s32 s3, $0x0;
	_ =	strace $0x9000004D  }
0xdb: {  	s0 =	sadd.s32 @!p0 $0x100000, s0;
	[bflag:$0x2] =	sbarrier.arrive $0xFFFF  }
0xdc: {  	[sflag:s0] =	ssyncadd.tile.s32 @!p0 $0x1;
	_ =	shalt  }
.Lfunc_end2:
_tile_overlayer_lowered:
.L_overlay_start_2:
0xdd: {  	(tag) =	ssettag $0x2  }
0xde: {  	s0 =	rddreg [dreg:$0x0];
	s2 =	stileid.u32  }
0xdf: {  	s1 =	rddreg [dreg:$0x1];
	p0 =	sne.s32 s2, $0x0  }
0xe0: {  	s3 =	rddreg [dreg:$0x2];
	[bflag:$0x3] =	sbarrier.arrive $0xFFFF;
	s2 =	simm.s32 @!p0 $0x1C03  }
0xe1: {  	[timem:s3], [sflag:s2] =	dma.local @!p0 [hbm:s0], s1  }
0xe2: {  	s0 =	simm.s32 @!p0 $0x3  }
0xe3: {  	_ =	swait.ge @!p0 [sflag:s0], s1  }
0xe4: {  	s1 =	ssub.s32 @!p0 $0x0, s1;
	[sflag:s0] =	ssyncset.done @!p0 $0x0  }
0xe5: {  	[sflag:s0] =	ssyncadd.s32 @!p0 s1  }
0xe6: {  	[bflag:$0x3] =	sbarrier.arrive $0xFFFF  }
0xe7: {  	_ =	shalt  }

// kernel: kernel.8.cloned.1.call-start
scs
__scs_entry_jumppad:
0x0: {  	(pc) =	sbr.rel $0x88, $3  }
0x1: {  	(tag) =	ssettag $0x0;
	lr =	simm.s32 $0x1  }
0x2: {  	[smem:$0x3F99] =	sst lr;
	_ =	strace $0xD0000000  }
0x3: {  	_ = 	snop  }
0x4: {  	_ = 	snop  }
0x5: {  	_ = 	snop  }
0x6: {  	_ = 	snop  }
0x7: {  	_ = 	snop  }
__scs_overlays_trampoline_lowered:
0x8: {  	[smem:$0x3FA8] =	sst s0  }
0x9: {  	[smem:$0x3FA9] =	sst s1  }
0xa: {  	[smem:$0x3FAA] =	sst s2  }
0xb: {  	[smem:$0x3FAB] =	sst s3  }
0xc: {  	[smem:$0x3FAC] =	sst s4  }
0xd: {  	[smem:$0x3FAD] =	sst s5  }
0xe: {  	[smem:$0x3FAE] =	sst s6  }
0xf: {  	[smem:$0x3FAF] =	sst s7  }
0x10: {  	[smem:$0x3FB0] =	sst s8  }
0x11: {  	[smem:$0x3FB1] =	sst s9;
	s0 =	simm.s32 @!p0 $0x0  }
0x12: {  	s1 =	sld [smem:$0x3F97];
	s0 =	simm.s32 @p0 $0x1  }
0x13: {  	[smem:$0x3FB2] =	sst s0;
	s0 =	simm.s32 @!p1 $0x0  }
0x14: {  	s2 =	sld [smem:$0x3F96];
	s0 =	simm.s32 @p1 $0x1  }
0x15: {  	[smem:$0x3FB3] =	sst s0;
	s0 =	simm.s32 @!p2 $0x0  }
0x16: {  	s3 =	sld [smem:$0x3FDB];
	s0 =	simm.s32 @p2 $0x1  }
0x17: {  	s4 =	simm.s32 $0x1BF5;
	[smem:$0x3FB5] =	sst s0  }
0x18: {  	s0 =	sld [smem:$0x3F98];
	_ =	swait.ge [sflag:s4], $0x0  }
0x19: {  	s7 =	sld [smem:$0x3F99]  }
0x1a: {  	s8 =	sadd.s32 $0xFFFFE003, lr  }
0x1b: {  	s9 =	sadd.s32 $0xFFFFFEF7, lr;
	s5 =	simm.s32 $0xFFFFFFFF;
	p2 =	slt.u32 s8, $0xFFFFF086  }
0x1c: {  	p1 =	slt.u32 s9, $0xF7A;
	s5 =	simm.s32 @!p2 $0x0  }
0x1d: {  	s5 =	simm.s32 @p1 $0x1;
	p0 =	seq.s32 s7, s2  }
0x1e: {  	s7 =	smul.u32 @!p0 $0xF7A, s2;
	p2 =	seq.s32 @!p0 s5, $0x0  }
0x1f: {  	s9 =	smul.u32 $0xF7A, s1;
	s8 =	simm.s32 @!p0 $0x1BF5;
	p2 =	por !p2, p0  }
0x20: {  	[sflag:s8] =	ssyncset.s32 @!p0 $0xFFFFF086;
	s6 =	sadd.s32 @!p0 s3, s7;
	s7 =	simm.s32 @!p0 $0x108  }
0x21: {  	s3 =	sadd.s32 s3, s9;
	s6 =	sadd.s32 @!p0 $0x88, s6;
	s7 =	simm.s32 @p2 $0x1082  }
0x22: {  	[simem:s7], [sflag:s8] =	dma.local @!p0 [hbm:s6], $0xF7A  }
0x23: {  	s9 =	sor.u32 $0xD0000000, s2;
	s6 =	simm.s32 $0x108;
	_ =	swait.ge @!p0 [sflag:s8], $0x0  }
0x24: {  	s3 =	sadd.s32 $0x88, s3;
	s6 =	simm.s32 @!p1 $0x1082;
	[sflag:s4] =	ssyncset.s32 $0xFFFFF086  }
0x25: {  	[simem:s6], [sflag:s4] =	dma.local [hbm:s3], $0xF7A  }
0x26: {  	[smem:$0x3F99] =	sst s1;
	(tag) =	ssettag s2;
	_ =	strace s9  }
0x27: {  	s1 =	sld [smem:$0x3FA9]  }
0x28: {  	s2 =	sld [smem:$0x3FAA]  }
0x29: {  	s4 =	sld [smem:$0x3FAC]  }
0x2a: {  	p0 =	seq.s32 s5, $0x0;
	s5 =	sld [smem:$0x3FAD]  }
0x2b: {  	s6 =	sld [smem:$0x3FAE]  }
0x2c: {  	s7 =	sld [smem:$0x3FAF]  }
0x2d: {  	s3 =	simm.s32 $0x108;
	s8 =	sld [smem:$0x3FB0]  }
0x2e: {  	s3 =	simm.s32 @!p0 $0x1082;
	s9 =	sld [smem:$0x3FB1]  }
0x2f: {  	lr =	sadd.s32 s0, s3;
	s0 =	sld [smem:$0x3FA8]  }
0x30: {  	s3 =	sld [smem:$0x3FAB]  }
0x31: {  	[smem:$0x3FB4] =	sst s10  }
0x32: {  	s10 =	sld [smem:$0x3FB2];
	_ =	sdelay $0x3  }
0x33: {  	p0 =	seq.s32 s10, $0x1;
	s10 =	sld [smem:$0x3FB4];
	_ =	sdelay $0x3  }
0x34: {  	[smem:$0x3FB4] =	sst s10  }
0x35: {  	s10 =	sld [smem:$0x3FB3];
	_ =	sdelay $0x3  }
0x36: {  	p1 =	seq.s32 s10, $0x1;
	s10 =	sld [smem:$0x3FB4];
	_ =	sdelay $0x3  }
0x37: {  	[smem:$0x3FB4] =	sst s10  }
0x38: {  	s10 =	sld [smem:$0x3FB5]  }
0x39: {  	_ = 	snop;
	(pc) =	sbr.ind lr, $3  }
0x3a: {  	_ = 	snop  }
0x3b: {  	_ = 	snop  }
0x3c: {  	p2 =	seq.s32 s10, $0x1;
	s10 =	sld [smem:$0x3FB4]  }
0x3d: {  	_ =	shalt  }
0x3e: {  	_ =	shalt  }
0x3f: {  	_ =	shalt  }
0x40: {  	_ =	shalt  }
0x41: {  	_ =	shalt  }
0x42: {  	_ =	shalt  }
0x43: {  	_ =	shalt  }
0x44: {  	_ =	shalt  }
0x45: {  	_ =	shalt  }
0x46: {  	_ =	shalt  }
0x47: {  	_ =	shalt  }
0x48: {  	_ =	shalt  }
0x49: {  	_ =	shalt  }
0x4a: {  	_ =	shalt  }
0x4b: {  	_ =	shalt  }
0x4c: {  	_ =	shalt  }
0x4d: {  	_ =	shalt  }
0x4e: {  	_ =	shalt  }
0x4f: {  	_ =	shalt  }
0x50: {  	_ =	shalt  }
0x51: {  	_ =	shalt  }
0x52: {  	_ =	shalt  }
0x53: {  	_ =	shalt  }
0x54: {  	_ =	shalt  }
0x55: {  	_ =	shalt  }
0x56: {  	_ =	shalt  }
0x57: {  	_ =	shalt  }
0x58: {  	_ =	shalt  }
0x59: {  	_ =	shalt  }
0x5a: {  	_ =	shalt  }
0x5b: {  	_ =	shalt  }
0x5c: {  	_ =	shalt  }
0x5d: {  	_ =	shalt  }
0x5e: {  	_ =	shalt  }
0x5f: {  	_ =	shalt  }
0x60: {  	_ =	shalt  }
0x61: {  	_ =	shalt  }
0x62: {  	_ =	shalt  }
0x63: {  	_ =	shalt  }
0x64: {  	_ =	shalt  }
0x65: {  	_ =	shalt  }
0x66: {  	_ =	shalt  }
0x67: {  	_ =	shalt  }
0x68: {  	_ =	shalt  }
0x69: {  	_ =	shalt  }
0x6a: {  	_ =	shalt  }
0x6b: {  	_ =	shalt  }
0x6c: {  	_ =	shalt  }
0x6d: {  	_ =	shalt  }
0x6e: {  	_ =	shalt  }
0x6f: {  	_ =	shalt  }
0x70: {  	_ =	shalt  }
0x71: {  	_ =	shalt  }
0x72: {  	_ =	shalt  }
0x73: {  	_ =	shalt  }
0x74: {  	_ =	shalt  }
0x75: {  	_ =	shalt  }
0x76: {  	_ =	shalt  }
0x77: {  	_ =	shalt  }
0x78: {  	_ =	shalt  }
0x79: {  	_ =	shalt  }
0x7a: {  	_ =	shalt  }
0x7b: {  	_ =	shalt  }
0x7c: {  	_ =	shalt  }
0x7d: {  	_ =	shalt  }
0x7e: {  	_ =	shalt  }
0x7f: {  	_ =	shalt  }
0x80: {  	_ =	shalt  }
0x81: {  	_ =	shalt  }
0x82: {  	_ =	shalt  }
0x83: {  	_ =	shalt  }
0x84: {  	_ =	shalt  }
0x85: {  	_ =	shalt  }
0x86: {  	_ =	shalt  }
0x87: {  	_ =	shalt  }
.Lfunc_end0:
.L_simem_size_0:
called_computation_lowered:
.L_overlay_start_0:
0x88: {  	s2 =	sld [smem:$0x3FD9]  }
0x89: {  	s3 =	sld [smem:$0x3FFE];
	_ =	sdelay $0x1  }
0x8a: {  	s1 =	srdreg.scid  }
0x8b: {  	s0 =	sand.u32 $0x1, s1  }
0x8c: {  	s16 =	sshll.u32 s0, $0xA;
	s2 =	sadd.s32 s3, s2  }
0x8d: {  	s2 =	sadd.s32 s2, s16  }
0x8e: {  	[smem:$0x3FC0] =	sst s2  }
0x8f: {  	_ = 	snop  }
0x90: {  	(tm) =	ssettm $0x1  }
0x91: {  	s17 =	sld [smem:$0x3FFB];
	_ =	sdelay $0x3  }
0x92: {  	_ =	strace s17  }
0x93: {  	s2 =	sld [smem:$0x3FFC];
	_ =	sdelay $0x3  }
0x94: {  	_ =	strace s2  }
0x95: {  	s2 =	sld [smem:$0x3FFD];
	_ =	sdelay $0x3  }
0x96: {  	_ =	strace s2  }
0x97: {  	_ =	strace $0x8FFFFFFF  }
0x98: {  	s18 =	sld [smem:$0x3FDB];
	_ =	sdelay $0x1  }
0x99: {  	s19 =	simm.s32 $_scs_section_size  }
0x9a: {  	s4 =	simm.s32 $_size__tile_overlayer_lowered;
	s5 =	simm.s32 $_tile_overlayer_lowered  }
0x9b: {  	s22 =	simm.s32 $0x1BFF;
	s21 =	sshll.u32 s5, $0x1;
	s2 =	sadd.s32 s19, s18  }
0x9c: {  	s6 =	simm.s32 $0x0;
	s20 =	sshll.u32 s4, $0x1;
	s4 =	sadd.s32 s21, s2  }
0x9d: {  	[timem:s6], [sflag:s22] =	dma.local [hbm:s4], s20  }
0x9e: {  	_ =	swait.ge [sflag:s22], s20  }
0x9f: {  	s3 =	ssub.s32 $0x0, s20;
	[sflag:s22] =	ssyncset.done $0x0  }
0xa0: {  	[sflag:s22] =	ssyncadd.s32 s3;
	_ =	sdelay $0x1  }
0xa1: {  	s23 =	simm.s32 $0x1B8B  }
0xa2: {  	_ =	swait.ge [sflag:s23], $0x1  }
0xa3: {  	[sflag:s23] =	ssyncset.done $0x0  }
0xa4: {  	s25 =	simm.s32 $0x1B8E;
	s24 =	sld [smem:$0x3FFE];
	[sflag:s23] =	ssyncadd.s32 $0xFFFFFFFF  }
0xa5: {  	s26 =	simm.s32 $execute0_lowered;
	[smem:$0x3FD2] =	sst s25  }
0xa6: {  	s4 =	sshll.u32 s26, $0x1;
	_ =	strace $0x80000046;
	[dreg:$0x1] =	wrdreg $0xFFFFFFFF  }
0xa7: {  	s28 =	simm.s32 $_size_execute0_lowered;
	s2 =	sadd.s32 s2, s4;
	[dreg:$0x0] =	wrdreg $0x0  }
0xa8: {  	s4 =	sshll.u32 s28, $0x1;
	[dreg:$0x2] =	wrdreg s2  }
0xa9: {  	[dreg:$0x3] =	wrdreg s4  }
0xaa: {  	[dreg:$0x4] =	wrdreg $0xC0  }
0xab: {  	_ =	task [dreg:s6], $0x5FFFF  }
0xac: {  	[dreg:$0x1] =	wrdreg $0xFFFFFFFF  }
0xad: {  	[dreg:$0x0] =	wrdreg $0x60  }
0xae: {  	[dreg:$0x2] =	wrdreg s24  }
0xaf: {  	[dreg:$0x3] =	wrdreg $0x9  }
0xb0: {  	_ =	task.clear_ibuf [dreg:s6], $0x4FFFF;
	_ =	strace $0x90000046  }
0xb1: {  	s29 =	simm.s32 $0x9;
	_ =	strace $0x80000048  }
0xb2: {  	_ =	swait.ge [sflag:s29], $0x1  }
0xb3: {  	[sflag:s29] =	ssyncadd.s32 $0xFFFFFFFF  }
0xb4: {  	_ =	strace $0x90000048  }
0xb5: {  	_ =	sfence  }
0xb6: {  	s30 =	sld [smem:$0x0];
	_ =	sdelay $0x2  }
0xb7: {  	s31 =	sshll.u32 s1, $0xD;
	s1 =	sshrl.u32 s1, $0x2  }
0xb8: {  	s3 =	sand.u32 $0x4000, s31;
	s1 =	sadd.s32 s1, s30  }
0xb9: {  	s0 =	sor.u32 s3, s0;
	s1 =	sshll.u32 s1, $0x11  }
0xba: {  	s0 =	sor.u32 s1, s0  }
0xbb: {  	s0 =	sadd.s32 $0x8F2B, s0  }
0xbc: {  	[sflag:s0] =	ssyncadd.remote.s32 $0x1  }
0xbd: {  	_ =	sfence.sel $0xFFFF  }
0xbe: {  	[dreg:$0x0] =	wrdreg $0xFFFFFFFF;
	(pc) =	sbr.abs _section_cstart, $3  }
0xbf: {  	[dreg:$0x1] =	wrdreg $0xFFFFFFFF  }
0xc0: {  	_ =	task.clear_ibuf [dreg:s6], $0x2FFFF;
	_ =	strace $0x9FFFFFFF  }
0xc1: {  	(tm) =	ssettm $0x7FFFFFFF  }
tec
execute0_lowered:
.L_overlay_start_1:
0x0: {  	(tag) =	ssettag $0x1  }
0x1: {  	s0 =	srdreg.scid  }
0x2: {  	s3 =	sand.u32 $0x1, s0  }
0x3: {  	s4 =	rddreg [dreg:$0x0];
	s0 =	stileid.u32;
	s1 =	sshll.u32 s3, $0x4  }
0x4: {  	s2 =	simm.s32 $0x0;
	s8 =	simm.s32 $0x80;
	s5 =	sor.u32 s0, s1  }
0x5: {  	s9 =	simm.s32 $0x400;
	[smem:$0x7FF] =	sst s2;
	s6 =	sshrl.u32 s5, $0x3  }
0x6: {  	s7 =	sshll.u32 s0, $0x7;
	s3 =	ssub.s32 $0x2, s3;
	s6 =	smul.u32 $0x13C00, s6  }
0x7: {  	s1 =	rddreg [dreg:$0x1];
	s7 =	sand.u32 $0x380, s7;
	s5 =	smul.u32 $0x4E2, s5  }
0x8: {  	_ =	strace $0x80000047;
	s30 =	sshrl.u32 s3, $0x1;
	s6 =	sor.u32 s7, s6  }
0x9: {  	s31 =	ssub.s32 s3, s30;
	s5 =	sadd.s32 s5, s4;
	s6 =	sshrl.u32 s6, $0x3  }
0xa: {  	s3 =	sadd.s32 $0x2200, s5;
	s5 =	smax.u32 s31, $0x1;
	s4 =	sadd.s32 s6, s4  }
0xb: {  	v0 =	vimm.f32 $0.0e+00;
	v1 =	vimm.f32 $1.000000000e+00;
	s7 =	simm.s32 $0x2780;
	s6 =	simm.s32 $0x1;
	s4 =	sadd.s32 $0xC000, s4  }
.LBB2_1:
0xc: {  	s10 =	simm.s32 $0x40;
	s11 =	simm.s32 $0x0  }
.LBB2_2:
0xd: {  	p0 =	sne.s32 s10, $0x9C00;
	[tilespmem:s11+$0x2780] =	vst v0;
	s11 =	smov.u32 s10;
	s10 =	sadd.s32 $0x40, s10  }
.Ltmp0:
0xe: {  	(pc) =	sbr.rel @p0 .LBB2_2-.Ltmp0, $2  }
0xf: {  	_ =	sdelay $0x2  }
0x10: {  	s11 =	sshra.s32 s11, $0x2  }
0x11: {  	[tilespmem:s11+$0x2780] =	vst v0;
	s10 =	simm.s32 $0x0  }
0x12: {  	[tilespmem:s10], [sflag:$0x1] =	stream.linear.gather [hbm4b:s3+s10], $0x2710, $0x38;
	[tilespmem:$0x4F00] =	vst v63  }
0x13: {  	_ =	swait.ge [sflag:s6], $0x2710  }
0x14: {  	[sflag:s6] =	ssyncset.done $0x0  }
0x15: {  	s11 =	simm.s32 $0x0;
	s10 =	simm.s32 $0x40;
	[sflag:s6] =	ssyncadd.s32 $0xFFFFD8F0  }
.LBB2_4:
0x16: {  	p0 =	sne.s32 s10, $0x9C00;
	v2 =	vld [tilespmem:s11+$0x0];
	_ =	sdelay $0x3  }
.Ltmp1:
0x17: {  	(pc) =	sbr.rel @p0 .LBB2_4-.Ltmp1, $2  }
0x18: {  	_ =	sdelay $0x2  }
0x19: {  	s11 =	sshra.s32 s10, $0x2;
	s10 =	sadd.s32 $0x40, s10;
	[tilespmem:v2+s7+$0x0] =	vst.idx.add.f32.msk $0xffff, v1  }
0x1a: {  	v2 =	vld [tilespmem:s11+$0x0];
	_ =	sdelay $0x5  }
0x1b: {  	s2 =	sadd.s32 $0x1, s2  }
0x1c: {  	p0 =	sne.s32 s2, s5  }
.Ltmp2:
0x1d: {  	[tilespmem:v2+s7+$0x0] =	vst.idx.add.f32.msk $0xffff, v1;
	(pc) =	sbr.rel @p0 .LBB2_1-.Ltmp2, $4  }
0x1e: {  	[hbm4b:s4+s8] =	stream.strided.scatter [tilespmem:s7], [sflag:$0x1], $0x2780, s9, s8, $0x38;
	[tilespmem:$0x4F00] =	vst v63  }
0x1f: {  	_ =	swait.ge [sflag:s6], $0x2780  }
0x20: {  	[sflag:s6] =	ssyncset.done $0x0  }
0x21: {  	[sflag:s6] =	ssyncadd.s32 $0xFFFFD880  }
0x22: {  	_ =	sfence.sel $0x180000  }
0x23: {  	[bflag:$0x0] =	sbarrier.arrive $0xFFFF  }
0x24: {  	p0 =	sne.s32 s0, $0x0;
	_ =	strace $0x90000047  }
0x25: {  	s0 =	sadd.s32 @!p0 $0x100000, s1;
	[bflag:$0x2] =	sbarrier.arrive $0xFFFF  }
0x26: {  	[sflag:s0] =	ssyncadd.tile.s32 @!p0 $0x1;
	_ =	shalt  }
.Lfunc_end2:
_tile_overlayer_lowered:
.L_overlay_start_2:
0x27: {  	(tag) =	ssettag $0x2  }
0x28: {  	s0 =	rddreg [dreg:$0x0];
	s2 =	stileid.u32  }
0x29: {  	s1 =	rddreg [dreg:$0x1];
	p0 =	sne.s32 s2, $0x0  }
0x2a: {  	s3 =	rddreg [dreg:$0x2];
	[bflag:$0x3] =	sbarrier.arrive $0xFFFF;
	s2 =	simm.s32 @!p0 $0x1C01  }
0x2b: {  	[timem:s3], [sflag:s2] =	dma.local @!p0 [hbm:s0], s1  }
0x2c: {  	s0 =	simm.s32 @!p0 $0x1  }
0x2d: {  	_ =	swait.ge @!p0 [sflag:s0], s1  }
0x2e: {  	s1 =	ssub.s32 @!p0 $0x0, s1;
	[sflag:s0] =	ssyncset.done @!p0 $0x0  }
0x2f: {  	[sflag:s0] =	ssyncadd.s32 @!p0 s1  }
0x30: {  	[bflag:$0x3] =	sbarrier.arrive $0xFFFF  }
0x31: {  	_ =	shalt  }

</sc_bundles>
